<compile_context>
chip_gen: v7x
topology: tpu7x:2x2x1
jax: 0.10.2.dev20260603
libtpu: 0.0.44.dev20260713+nightly
codegen_flags: <defaults>
</compile_context>

<pallas_src>
import functools

import jax
import jax.numpy as jnp
from jax import lax
from jax.experimental import pallas as pl
from jax.experimental.pallas import tpu as pltpu
from jax.experimental.pallas import tpu_sc as plsc

B = 16384
D_USER, D_COUNTRY, D_DEVICE, D_DENSE = 32, 16, 16, 128
V_USER = 1000000
V_SMALL = 1000
TOTAL = D_USER + D_COUNTRY + D_DEVICE + D_DENSE
OUT_D = 128
EPS = 1.1920928955078125e-07



def _sc_gather_user(user_id, emb_user_t):
    info = plsc.get_sparse_core_info()
    nw = info.num_cores * info.num_subcores
    bpw = B // nw
    npe = D_USER * bpw
    mesh = plsc.VectorSubcoreMesh(core_axis_name="c", subcore_axis_name="s")

    nbuf = 16

    @functools.partial(
        pl.kernel,
        out_type=jax.ShapeDtypeStruct((D_USER, B), jnp.float32),
        mesh=mesh,
        compiler_params=pltpu.CompilerParams(needs_layout_passes=False),
        scratch_types=[
            pltpu.VMEM((bpw,), jnp.int32),
            pltpu.VMEM((npe,), jnp.float32),
        ] + [pltpu.VMEM((D_USER, 128), jnp.float32) for _ in range(nbuf)]
          + [pltpu.SemaphoreType.DMA],
    )
    def gather_kernel(uid_h, tu_h, out_h, uidx, vals, *rest):
        slabs, sem = list(rest[:nbuf]), rest[nbuf]
        wid = lax.axis_index("s") * info.num_cores + lax.axis_index("c")
        base = pl.multiple_of(wid * bpw, bpw)
        pltpu.sync_copy(uid_h.at[pl.ds(base, bpw)], uidx)
        iota16 = lax.iota(jnp.int32, 16)

        def extract(slab, lane_scalar, row):
            lane = jnp.full((16,), lane_scalar, jnp.int32)
            x0 = plsc.load_gather(slab, [iota16, lane])
            x1 = plsc.load_gather(slab, [iota16 + 16, lane])
            idx0 = iota16 * bpw + row
            plsc.store_scatter(vals, [idx0], x0)
            plsc.store_scatter(vals, [idx0 + 16 * bpw], x1)

        ngrp = bpw // 16

        def issue_group(g):
            v16 = uidx[pl.ds(pl.multiple_of(g * 16, 16), 16)]
            t16 = (v16 >> 7) << 7
            for j in range(16):
                off = pl.multiple_of(t16[j], 128)
                pltpu.async_copy(tu_h.at[:, pl.ds(off, 128)], slabs[j], sem)

        issue_group(0)

        def grp_body(g, carry):
            r0 = pl.multiple_of(g * 16, 16)
            l16 = uidx[pl.ds(r0, 16)] & 127
            gn = pl.multiple_of(((g + 1) % ngrp) * 16, 16)
            vn = uidx[pl.ds(gn, 16)]
            tn = (vn >> 7) << 7
            for j in range(16):
                pltpu.make_async_copy(
                    tu_h.at[:, pl.ds(0, 128)], slabs[j], sem).wait()
                extract(slabs[j], l16[j], r0 + j)
                offn = pl.multiple_of(tn[j], 128)
                pltpu.async_copy(tu_h.at[:, pl.ds(offn, 128)], slabs[j], sem)
            return carry

        lax.fori_loop(0, ngrp, grp_body, 0, unroll=False)
        for j in range(16):
            pltpu.make_async_copy(
                tu_h.at[:, pl.ds(0, 128)], slabs[j], sem).wait()
        for f in range(D_USER):
            pltpu.sync_copy(vals.at[pl.ds(f * bpw, bpw)],
                            out_h.at[f, pl.ds(base, bpw)])

    return gather_kernel(user_id, emb_user_t)


def _tc_rest_body(cid_ref, did_ref, dp_ref, tc_ref, td_ref, w_ref,
                  acc_ref, ssq_ref):
    dp = dp_ref[...]
    lanes = lax.broadcasted_iota(jnp.int32, (1, V_SMALL), 1)
    onehot_c = (cid_ref[...] == lanes).astype(jnp.float32)
    onehot_d = (did_ref[...] == lanes).astype(jnp.float32)
    ec = jnp.dot(onehot_c, tc_ref[...], preferred_element_type=jnp.float32)
    ed = jnp.dot(onehot_d, td_ref[...], preferred_element_type=jnp.float32)
    ssq_ref[...] = (jnp.sum(ec * ec, axis=1, keepdims=True)
                    + jnp.sum(ed * ed, axis=1, keepdims=True)
                    + jnp.sum(dp * dp, axis=1, keepdims=True))
    acc = jnp.dot(ec, w_ref[D_USER:D_USER + D_COUNTRY, :],
                  preferred_element_type=jnp.float32)
    acc += jnp.dot(ed, w_ref[D_USER + D_COUNTRY:D_USER + D_COUNTRY + D_DEVICE, :],
                   preferred_element_type=jnp.float32)
    acc += jnp.dot(dp, w_ref[TOTAL - D_DENSE:TOTAL, :],
                   preferred_element_type=jnp.float32)
    acc_ref[...] = acc


def _tc_rest(cid, did, dp, tbl_c, tbl_d, w):
    blk = 4096
    grid = (B // blk,)
    return pl.pallas_call(
        _tc_rest_body,
        grid=grid,
        in_specs=[
            pl.BlockSpec((blk, 1), lambda i: (i, 0)),
            pl.BlockSpec((blk, 1), lambda i: (i, 0)),
            pl.BlockSpec((blk, D_DENSE), lambda i: (i, 0)),
            pl.BlockSpec((V_SMALL, D_COUNTRY), lambda i: (0, 0)),
            pl.BlockSpec((V_SMALL, D_DEVICE), lambda i: (0, 0)),
            pl.BlockSpec((TOTAL, OUT_D), lambda i: (0, 0)),
        ],
        out_specs=[
            pl.BlockSpec((blk, OUT_D), lambda i: (i, 0)),
            pl.BlockSpec((blk, 1), lambda i: (i, 0)),
        ],
        out_shape=[
            jax.ShapeDtypeStruct((B, OUT_D), jnp.float32),
            jax.ShapeDtypeStruct((B, 1), jnp.float32),
        ],
    )(cid, did, dp, tbl_c, tbl_d, w)


def _tc_combine_body(eut_ref, accr_ref, ssqr_ref, w_ref, b_ref, out_ref):
    eut = eut_ref[...]
    ones_u = jnp.ones((D_USER, 1), jnp.float32)
    ssq = ssqr_ref[...] + lax.dot_general(
        eut * eut, ones_u, (((0,), (0,)), ((), ())),
        preferred_element_type=jnp.float32)
    scale = lax.rsqrt(ssq * (1.0 / TOTAL) + EPS)
    acc = accr_ref[...] + lax.dot_general(
        eut, w_ref[0:D_USER, :], (((0,), (0,)), ((), ())),
        preferred_element_type=jnp.float32)
    out_ref[...] = scale * acc + b_ref[...]


def _tc_combine(eut, accr, ssqr, w, b):
    blk = 4096
    grid = (B // blk,)
    return pl.pallas_call(
        _tc_combine_body,
        grid=grid,
        in_specs=[
            pl.BlockSpec((D_USER, blk), lambda i: (0, i)),
            pl.BlockSpec((blk, OUT_D), lambda i: (i, 0)),
            pl.BlockSpec((blk, 1), lambda i: (i, 0)),
            pl.BlockSpec((TOTAL, OUT_D), lambda i: (0, 0)),
            pl.BlockSpec((1, OUT_D), lambda i: (0, 0)),
        ],
        out_specs=pl.BlockSpec((blk, OUT_D), lambda i: (i, 0)),
        out_shape=jax.ShapeDtypeStruct((B, OUT_D), jnp.float32),
    )(eut, accr, ssqr, w, b)


def kernel(user_id, country, device, dense_profile, emb_user, emb_country,
           emb_device, rms_weight, W, b):
    eut = _sc_gather_user(user_id.astype(jnp.int32), emb_user.T)
    w_scaled = rms_weight[:, None] * W
    accr, ssqr = _tc_rest(country.astype(jnp.int32).reshape(B, 1),
                          device.astype(jnp.int32).reshape(B, 1),
                          dense_profile, emb_country, emb_device, w_scaled)
    return _tc_combine(eut, accr, ssqr, w_scaled, b.reshape(1, OUT_D))

# --- scband reference (transcript-rebuilt; emitter-appended) ---
"""Pipeline reference for scband-user-tower-32693291057601 (READ-ONLY COPY).

The authoritative reference and input builder live on the scoring server;
editing this copy changes nothing except your own understanding.
"""

import jax, jax.numpy as jnp
import numpy as np

B = 16384
V_USER, D_USER = 1000000, 32
V_COUNTRY, D_COUNTRY = 1000, 16
V_DEVICE, D_DEVICE = 1000, 16
D_DENSE = 128
TOTAL = D_USER + D_COUNTRY + D_DEVICE + D_DENSE  # 192
OUT_D = 128
EPS = 1.1920928955078125e-07  # torch.finfo(float32).eps (RMSNorm default eps=None)


def setup_inputs(seed: int = 0) -> dict:
    key = jax.random.key(seed)
    ks = jax.random.split(key, 9)
    user_id = jax.random.randint(ks[0], (B,), 0, V_USER, dtype=jnp.int64) if jax.config.jax_enable_x64 else jax.random.randint(ks[0], (B,), 0, V_USER, dtype=jnp.int32)
    country = jax.random.randint(ks[1], (B,), 0, V_COUNTRY, dtype=jnp.int32)
    device = jax.random.randint(ks[2], (B,), 0, V_DEVICE, dtype=jnp.int32)
    dense_profile = jax.random.normal(ks[3], (B, D_DENSE), dtype=jnp.float32)
    emb_user = jax.random.normal(ks[4], (V_USER, D_USER), dtype=jnp.float32) * 0.02
    emb_country = jax.random.normal(ks[5], (V_COUNTRY, D_COUNTRY), dtype=jnp.float32) * 0.02
    emb_device = jax.random.normal(ks[6], (V_DEVICE, D_DEVICE), dtype=jnp.float32) * 0.02
    rms_weight = jnp.ones((TOTAL,), dtype=jnp.float32)
    W = jax.random.normal(ks[7], (TOTAL, OUT_D), dtype=jnp.float32) * (1.0 / np.sqrt(TOTAL))
    b = jnp.zeros((OUT_D,), dtype=jnp.float32)
    return {
        'user_id': user_id, 'country': country, 'device': device,
        'dense_profile': dense_profile,
        'emb_user': emb_user, 'emb_country': emb_country, 'emb_device': emb_device,
        'rms_weight': rms_weight, 'W': W, 'b': b,
    }


def reference(user_id, country, device, dense_profile, emb_user, emb_country, emb_device, rms_weight, W, b):
    # feature processing: embedding lookups for id feats, identity for dense
    e_user = jnp.take(emb_user, user_id, axis=0)
    e_country = jnp.take(emb_country, country, axis=0)
    e_device = jnp.take(emb_device, device, axis=0)
    concat = jnp.concatenate([e_user, e_country, e_device, dense_profile], axis=1)
    # RMSNorm over last dim
    ms = jnp.mean(jnp.square(concat), axis=-1, keepdims=True)
    rms = concat * jax.lax.rsqrt(ms + EPS) * rms_weight
    # Linear projection
    user_embedding = rms @ W + b
    return user_embedding

if __name__ == "__main__":
    import jax
    _d = setup_inputs()
    print(jax.jit(kernel)(*tuple(_d.values())))

</pallas_src>

<mosaic_0001>
#map = affine_map<(d0, d1) -> (0)>
#map1 = affine_map<(d0, d1) -> (0, 0)>
module attributes {stable_mosaic.version = 14 : i64} {
  func.func @gather_kernel(%arg0: i32, %arg1: i32, %arg2: memref<16384xi32, #tpu.memory_space<hbm>>, %arg3: memref<32x1000000xf32, #tpu.memory_space<hbm>>, %arg4: memref<32x16384xf32, #tpu.memory_space<hbm>>, %arg5: memref<512xi32, #tpu.memory_space<vmem>>, %arg6: memref<16384xf32, #tpu.memory_space<vmem>>, %arg7: memref<32x128xf32, #tpu.memory_space<vmem>>, %arg8: memref<32x128xf32, #tpu.memory_space<vmem>>, %arg9: memref<32x128xf32, #tpu.memory_space<vmem>>, %arg10: memref<32x128xf32, #tpu.memory_space<vmem>>, %arg11: memref<32x128xf32, #tpu.memory_space<vmem>>, %arg12: memref<32x128xf32, #tpu.memory_space<vmem>>, %arg13: memref<32x128xf32, #tpu.memory_space<vmem>>, %arg14: memref<32x128xf32, #tpu.memory_space<vmem>>, %arg15: memref<32x128xf32, #tpu.memory_space<vmem>>, %arg16: memref<32x128xf32, #tpu.memory_space<vmem>>, %arg17: memref<32x128xf32, #tpu.memory_space<vmem>>, %arg18: memref<32x128xf32, #tpu.memory_space<vmem>>, %arg19: memref<32x128xf32, #tpu.memory_space<vmem>>, %arg20: memref<32x128xf32, #tpu.memory_space<vmem>>, %arg21: memref<32x128xf32, #tpu.memory_space<vmem>>, %arg22: memref<32x128xf32, #tpu.memory_space<vmem>>, %arg23: memref<!tpu.dma_semaphore, #tpu.memory_space<semaphore_mem>>) attributes {dimension_semantics = [#tpu.dimension_semantics<core_parallel>, #tpu.dimension_semantics<subcore_parallel>], iteration_bounds = array<i64: 2, 16>, scalar_prefetch = 0 : i64, scratch_operands = 19 : i64, tpu.core_type = #tpu.core_type<sc_vector_subcore>, window_params = [{transform_indices = #map}, {transform_indices = #map1}, {transform_indices = #map1}]} {
    %mul3A = arith.constant 2 : i32
    %mul3A_0 = arith.muli %arg1, %mul3A : i32
    %add3A = arith.addi %mul3A_0, %arg0 : i32
    %mul3A_1 = arith.constant 512 : i32
    %mul3A_2 = arith.muli %add3A, %mul3A_1 : i32
    %multiple_of3A = tpu.assume_multiple %mul3A_2, 512 : i32
    "tpu.region"() ({
      %run_scoped3A_250 = tpu.sem_alloc : memref<!tpu.dma_semaphore, #tpu.memory_space<semaphore_mem>>
      %dma_start3A_251 = tpu.memref_slice %arg2[%multiple_of3A] : memref<16384xi32, #tpu.memory_space<hbm>> -> memref<512xi32, #tpu.memory_space<hbm>>
      %dma_start3A_252 = tpu.memref_slice %arg2[%multiple_of3A] : memref<16384xi32, #tpu.memory_space<hbm>> -> memref<512xi32, #tpu.memory_space<hbm>>
      tpu.enqueue_dma source(%dma_start3A_252 : memref<512xi32, #tpu.memory_space<hbm>>) target(%arg5 : memref<512xi32, #tpu.memory_space<vmem>>) target_semaphore(%run_scoped3A_250 : memref<!tpu.dma_semaphore, #tpu.memory_space<semaphore_mem>>)
      %dma_wait3A_253 = tpu.memref_slice %arg2[%multiple_of3A] : memref<16384xi32, #tpu.memory_space<hbm>> -> memref<512xi32, #tpu.memory_space<hbm>>
      %dma_wait3A_254 = tpu.memref_slice %arg2[%multiple_of3A] : memref<16384xi32, #tpu.memory_space<hbm>> -> memref<512xi32, #tpu.memory_space<hbm>>
      tpu.wait_dma2 semaphore(%run_scoped3A_250 : memref<!tpu.dma_semaphore, #tpu.memory_space<semaphore_mem>>) src(%dma_wait3A_254 : memref<512xi32, #tpu.memory_space<hbm>>) dst(%arg5 : memref<512xi32, #tpu.memory_space<vmem>>)
      tpu.yield
    }) : () -> ()
    %iota3A = tpu.iota {dimensions = array<i32: 0>} : vector<16xi32>
    %multiple_of3A_3 = arith.constant 0 : i32
    %multiple_of3A_4 = tpu.assume_multiple %multiple_of3A_3, 16 : i32
    %get3A = arith.index_cast %multiple_of3A_4 : i32 to index
    %get3A_5 = tpu.vector_load %arg5[%get3A] {strides = array<i32>} : memref<512xi32, #tpu.memory_space<vmem>>, vector<16xi32>,
    %shift_right_arithmetic3A = arith.constant 7 : i32
    %shift_right_arithmetic3A_6 = vector.broadcast %shift_right_arithmetic3A : i32 to vector<16xi32>
    %shift_right_arithmetic3A_7 = arith.shrsi %get3A_5, %shift_right_arithmetic3A_6 : vector<16xi32>
    %shift_left3A = arith.constant 7 : i32
    %shift_left3A_8 = vector.broadcast %shift_left3A : i32 to vector<16xi32>
    %shift_left3A_9 = arith.shli %shift_right_arithmetic3A_7, %shift_left3A_8 : vector<16xi32>
    %slice3A = vector.extract_strided_slice %shift_left3A_9 {offsets = [0], sizes = [1], strides = [1]} : vector<16xi32> to vector<1xi32>
    %squeeze3A = vector.extract %slice3A[0] : i32 from vector<1xi32>
    %multiple_of3A_10 = tpu.assume_multiple %squeeze3A, 128 : i32
    %dma_start3A = arith.constant 0 : i32
    %dma_start3A_11 = tpu.memref_slice %arg3[%dma_start3A, %multiple_of3A_10] : memref<32x1000000xf32, #tpu.memory_space<hbm>> -> memref<32x128xf32, #tpu.memory_space<hbm>>
    %dma_start3A_12 = arith.constant 0 : i32
    %dma_start3A_13 = tpu.memref_slice %arg3[%dma_start3A_12, %multiple_of3A_10] : memref<32x1000000xf32, #tpu.memory_space<hbm>> -> memref<32x128xf32, #tpu.memory_space<hbm>>
    tpu.enqueue_dma source(%dma_start3A_13 : memref<32x128xf32, #tpu.memory_space<hbm>>) target(%arg7 : memref<32x128xf32, #tpu.memory_space<vmem>>) target_semaphore(%arg23 : memref<!tpu.dma_semaphore, #tpu.memory_space<semaphore_mem>>)
    %slice3A_14 = vector.extract_strided_slice %shift_left3A_9 {offsets = [1], sizes = [1], strides = [1]} : vector<16xi32> to vector<1xi32>
    %squeeze3A_15 = vector.extract %slice3A_14[0] : i32 from vector<1xi32>
    %multiple_of3A_16 = tpu.assume_multiple %squeeze3A_15, 128 : i32
    %dma_start3A_17 = arith.constant 0 : i32
    %dma_start3A_18 = tpu.memref_slice %arg3[%dma_start3A_17, %multiple_of3A_16] : memref<32x1000000xf32, #tpu.memory_space<hbm>> -> memref<32x128xf32, #tpu.memory_space<hbm>>
    %dma_start3A_19 = arith.constant 0 : i32
    %dma_start3A_20 = tpu.memref_slice %arg3[%dma_start3A_19, %multiple_of3A_16] : memref<32x1000000xf32, #tpu.memory_space<hbm>> -> memref<32x128xf32, #tpu.memory_space<hbm>>
    tpu.enqueue_dma source(%dma_start3A_20 : memref<32x128xf32, #tpu.memory_space<hbm>>) target(%arg8 : memref<32x128xf32, #tpu.memory_space<vmem>>) target_semaphore(%arg23 : memref<!tpu.dma_semaphore, #tpu.memory_space<semaphore_mem>>)
    %slice3A_21 = vector.extract_strided_slice %shift_left3A_9 {offsets = [2], sizes = [1], strides = [1]} : vector<16xi32> to vector<1xi32>
    %squeeze3A_22 = vector.extract %slice3A_21[0] : i32 from vector<1xi32>
    %multiple_of3A_23 = tpu.assume_multiple %squeeze3A_22, 128 : i32
    %dma_start3A_24 = arith.constant 0 : i32
    %dma_start3A_25 = tpu.memref_slice %arg3[%dma_start3A_24, %multiple_of3A_23] : memref<32x1000000xf32, #tpu.memory_space<hbm>> -> memref<32x128xf32, #tpu.memory_space<hbm>>
    %dma_start3A_26 = arith.constant 0 : i32
    %dma_start3A_27 = tpu.memref_slice %arg3[%dma_start3A_26, %multiple_of3A_23] : memref<32x1000000xf32, #tpu.memory_space<hbm>> -> memref<32x128xf32, #tpu.memory_space<hbm>>
    tpu.enqueue_dma source(%dma_start3A_27 : memref<32x128xf32, #tpu.memory_space<hbm>>) target(%arg9 : memref<32x128xf32, #tpu.memory_space<vmem>>) target_semaphore(%arg23 : memref<!tpu.dma_semaphore, #tpu.memory_space<semaphore_mem>>)
    %slice3A_28 = vector.extract_strided_slice %shift_left3A_9 {offsets = [3], sizes = [1], strides = [1]} : vector<16xi32> to vector<1xi32>
    %squeeze3A_29 = vector.extract %slice3A_28[0] : i32 from vector<1xi32>
    %multiple_of3A_30 = tpu.assume_multiple %squeeze3A_29, 128 : i32
    %dma_start3A_31 = arith.constant 0 : i32
    %dma_start3A_32 = tpu.memref_slice %arg3[%dma_start3A_31, %multiple_of3A_30] : memref<32x1000000xf32, #tpu.memory_space<hbm>> -> memref<32x128xf32, #tpu.memory_space<hbm>>
    %dma_start3A_33 = arith.constant 0 : i32
    %dma_start3A_34 = tpu.memref_slice %arg3[%dma_start3A_33, %multiple_of3A_30] : memref<32x1000000xf32, #tpu.memory_space<hbm>> -> memref<32x128xf32, #tpu.memory_space<hbm>>
    tpu.enqueue_dma source(%dma_start3A_34 : memref<32x128xf32, #tpu.memory_space<hbm>>) target(%arg10 : memref<32x128xf32, #tpu.memory_space<vmem>>) target_semaphore(%arg23 : memref<!tpu.dma_semaphore, #tpu.memory_space<semaphore_mem>>)
    %slice3A_35 = vector.extract_strided_slice %shift_left3A_9 {offsets = [4], sizes = [1], strides = [1]} : vector<16xi32> to vector<1xi32>
    %squeeze3A_36 = vector.extract %slice3A_35[0] : i32 from vector<1xi32>
    %multiple_of3A_37 = tpu.assume_multiple %squeeze3A_36, 128 : i32
    %dma_start3A_38 = arith.constant 0 : i32
    %dma_start3A_39 = tpu.memref_slice %arg3[%dma_start3A_38, %multiple_of3A_37] : memref<32x1000000xf32, #tpu.memory_space<hbm>> -> memref<32x128xf32, #tpu.memory_space<hbm>>
    %dma_start3A_40 = arith.constant 0 : i32
    %dma_start3A_41 = tpu.memref_slice %arg3[%dma_start3A_40, %multiple_of3A_37] : memref<32x1000000xf32, #tpu.memory_space<hbm>> -> memref<32x128xf32, #tpu.memory_space<hbm>>
    tpu.enqueue_dma source(%dma_start3A_41 : memref<32x128xf32, #tpu.memory_space<hbm>>) target(%arg11 : memref<32x128xf32, #tpu.memory_space<vmem>>) target_semaphore(%arg23 : memref<!tpu.dma_semaphore, #tpu.memory_space<semaphore_mem>>)
    %slice3A_42 = vector.extract_strided_slice %shift_left3A_9 {offsets = [5], sizes = [1], strides = [1]} : vector<16xi32> to vector<1xi32>
    %squeeze3A_43 = vector.extract %slice3A_42[0] : i32 from vector<1xi32>
    %multiple_of3A_44 = tpu.assume_multiple %squeeze3A_43, 128 : i32
    %dma_start3A_45 = arith.constant 0 : i32
    %dma_start3A_46 = tpu.memref_slice %arg3[%dma_start3A_45, %multiple_of3A_44] : memref<32x1000000xf32, #tpu.memory_space<hbm>> -> memref<32x128xf32, #tpu.memory_space<hbm>>
    %dma_start3A_47 = arith.constant 0 : i32
    %dma_start3A_48 = tpu.memref_slice %arg3[%dma_start3A_47, %multiple_of3A_44] : memref<32x1000000xf32, #tpu.memory_space<hbm>> -> memref<32x128xf32, #tpu.memory_space<hbm>>
    tpu.enqueue_dma source(%dma_start3A_48 : memref<32x128xf32, #tpu.memory_space<hbm>>) target(%arg12 : memref<32x128xf32, #tpu.memory_space<vmem>>) target_semaphore(%arg23 : memref<!tpu.dma_semaphore, #tpu.memory_space<semaphore_mem>>)
    %slice3A_49 = vector.extract_strided_slice %shift_left3A_9 {offsets = [6], sizes = [1], strides = [1]} : vector<16xi32> to vector<1xi32>
    %squeeze3A_50 = vector.extract %slice3A_49[0] : i32 from vector<1xi32>
    %multiple_of3A_51 = tpu.assume_multiple %squeeze3A_50, 128 : i32
    %dma_start3A_52 = arith.constant 0 : i32
    %dma_start3A_53 = tpu.memref_slice %arg3[%dma_start3A_52, %multiple_of3A_51] : memref<32x1000000xf32, #tpu.memory_space<hbm>> -> memref<32x128xf32, #tpu.memory_space<hbm>>
    %dma_start3A_54 = arith.constant 0 : i32
    %dma_start3A_55 = tpu.memref_slice %arg3[%dma_start3A_54, %multiple_of3A_51] : memref<32x1000000xf32, #tpu.memory_space<hbm>> -> memref<32x128xf32, #tpu.memory_space<hbm>>
    tpu.enqueue_dma source(%dma_start3A_55 : memref<32x128xf32, #tpu.memory_space<hbm>>) target(%arg13 : memref<32x128xf32, #tpu.memory_space<vmem>>) target_semaphore(%arg23 : memref<!tpu.dma_semaphore, #tpu.memory_space<semaphore_mem>>)
    %slice3A_56 = vector.extract_strided_slice %shift_left3A_9 {offsets = [7], sizes = [1], strides = [1]} : vector<16xi32> to vector<1xi32>
    %squeeze3A_57 = vector.extract %slice3A_56[0] : i32 from vector<1xi32>
    %multiple_of3A_58 = tpu.assume_multiple %squeeze3A_57, 128 : i32
    %dma_start3A_59 = arith.constant 0 : i32
    %dma_start3A_60 = tpu.memref_slice %arg3[%dma_start3A_59, %multiple_of3A_58] : memref<32x1000000xf32, #tpu.memory_space<hbm>> -> memref<32x128xf32, #tpu.memory_space<hbm>>
    %dma_start3A_61 = arith.constant 0 : i32
    %dma_start3A_62 = tpu.memref_slice %arg3[%dma_start3A_61, %multiple_of3A_58] : memref<32x1000000xf32, #tpu.memory_space<hbm>> -> memref<32x128xf32, #tpu.memory_space<hbm>>
    tpu.enqueue_dma source(%dma_start3A_62 : memref<32x128xf32, #tpu.memory_space<hbm>>) target(%arg14 : memref<32x128xf32, #tpu.memory_space<vmem>>) target_semaphore(%arg23 : memref<!tpu.dma_semaphore, #tpu.memory_space<semaphore_mem>>)
    %slice3A_63 = vector.extract_strided_slice %shift_left3A_9 {offsets = [8], sizes = [1], strides = [1]} : vector<16xi32> to vector<1xi32>
    %squeeze3A_64 = vector.extract %slice3A_63[0] : i32 from vector<1xi32>
    %multiple_of3A_65 = tpu.assume_multiple %squeeze3A_64, 128 : i32
    %dma_start3A_66 = arith.constant 0 : i32
    %dma_start3A_67 = tpu.memref_slice %arg3[%dma_start3A_66, %multiple_of3A_65] : memref<32x1000000xf32, #tpu.memory_space<hbm>> -> memref<32x128xf32, #tpu.memory_space<hbm>>
    %dma_start3A_68 = arith.constant 0 : i32
    %dma_start3A_69 = tpu.memref_slice %arg3[%dma_start3A_68, %multiple_of3A_65] : memref<32x1000000xf32, #tpu.memory_space<hbm>> -> memref<32x128xf32, #tpu.memory_space<hbm>>
    tpu.enqueue_dma source(%dma_start3A_69 : memref<32x128xf32, #tpu.memory_space<hbm>>) target(%arg15 : memref<32x128xf32, #tpu.memory_space<vmem>>) target_semaphore(%arg23 : memref<!tpu.dma_semaphore, #tpu.memory_space<semaphore_mem>>)
    %slice3A_70 = vector.extract_strided_slice %shift_left3A_9 {offsets = [9], sizes = [1], strides = [1]} : vector<16xi32> to vector<1xi32>
    %squeeze3A_71 = vector.extract %slice3A_70[0] : i32 from vector<1xi32>
    %multiple_of3A_72 = tpu.assume_multiple %squeeze3A_71, 128 : i32
    %dma_start3A_73 = arith.constant 0 : i32
    %dma_start3A_74 = tpu.memref_slice %arg3[%dma_start3A_73, %multiple_of3A_72] : memref<32x1000000xf32, #tpu.memory_space<hbm>> -> memref<32x128xf32, #tpu.memory_space<hbm>>
    %dma_start3A_75 = arith.constant 0 : i32
    %dma_start3A_76 = tpu.memref_slice %arg3[%dma_start3A_75, %multiple_of3A_72] : memref<32x1000000xf32, #tpu.memory_space<hbm>> -> memref<32x128xf32, #tpu.memory_space<hbm>>
    tpu.enqueue_dma source(%dma_start3A_76 : memref<32x128xf32, #tpu.memory_space<hbm>>) target(%arg16 : memref<32x128xf32, #tpu.memory_space<vmem>>) target_semaphore(%arg23 : memref<!tpu.dma_semaphore, #tpu.memory_space<semaphore_mem>>)
    %slice3A_77 = vector.extract_strided_slice %shift_left3A_9 {offsets = [10], sizes = [1], strides = [1]} : vector<16xi32> to vector<1xi32>
    %squeeze3A_78 = vector.extract %slice3A_77[0] : i32 from vector<1xi32>
    %multiple_of3A_79 = tpu.assume_multiple %squeeze3A_78, 128 : i32
    %dma_start3A_80 = arith.constant 0 : i32
    %dma_start3A_81 = tpu.memref_slice %arg3[%dma_start3A_80, %multiple_of3A_79] : memref<32x1000000xf32, #tpu.memory_space<hbm>> -> memref<32x128xf32, #tpu.memory_space<hbm>>
    %dma_start3A_82 = arith.constant 0 : i32
    %dma_start3A_83 = tpu.memref_slice %arg3[%dma_start3A_82, %multiple_of3A_79] : memref<32x1000000xf32, #tpu.memory_space<hbm>> -> memref<32x128xf32, #tpu.memory_space<hbm>>
    tpu.enqueue_dma source(%dma_start3A_83 : memref<32x128xf32, #tpu.memory_space<hbm>>) target(%arg17 : memref<32x128xf32, #tpu.memory_space<vmem>>) target_semaphore(%arg23 : memref<!tpu.dma_semaphore, #tpu.memory_space<semaphore_mem>>)
    %slice3A_84 = vector.extract_strided_slice %shift_left3A_9 {offsets = [11], sizes = [1], strides = [1]} : vector<16xi32> to vector<1xi32>
    %squeeze3A_85 = vector.extract %slice3A_84[0] : i32 from vector<1xi32>
    %multiple_of3A_86 = tpu.assume_multiple %squeeze3A_85, 128 : i32
    %dma_start3A_87 = arith.constant 0 : i32
    %dma_start3A_88 = tpu.memref_slice %arg3[%dma_start3A_87, %multiple_of3A_86] : memref<32x1000000xf32, #tpu.memory_space<hbm>> -> memref<32x128xf32, #tpu.memory_space<hbm>>
    %dma_start3A_89 = arith.constant 0 : i32
    %dma_start3A_90 = tpu.memref_slice %arg3[%dma_start3A_89, %multiple_of3A_86] : memref<32x1000000xf32, #tpu.memory_space<hbm>> -> memref<32x128xf32, #tpu.memory_space<hbm>>
    tpu.enqueue_dma source(%dma_start3A_90 : memref<32x128xf32, #tpu.memory_space<hbm>>) target(%arg18 : memref<32x128xf32, #tpu.memory_space<vmem>>) target_semaphore(%arg23 : memref<!tpu.dma_semaphore, #tpu.memory_space<semaphore_mem>>)
    %slice3A_91 = vector.extract_strided_slice %shift_left3A_9 {offsets = [12], sizes = [1], strides = [1]} : vector<16xi32> to vector<1xi32>
    %squeeze3A_92 = vector.extract %slice3A_91[0] : i32 from vector<1xi32>
    %multiple_of3A_93 = tpu.assume_multiple %squeeze3A_92, 128 : i32
    %dma_start3A_94 = arith.constant 0 : i32
    %dma_start3A_95 = tpu.memref_slice %arg3[%dma_start3A_94, %multiple_of3A_93] : memref<32x1000000xf32, #tpu.memory_space<hbm>> -> memref<32x128xf32, #tpu.memory_space<hbm>>
    %dma_start3A_96 = arith.constant 0 : i32
    %dma_start3A_97 = tpu.memref_slice %arg3[%dma_start3A_96, %multiple_of3A_93] : memref<32x1000000xf32, #tpu.memory_space<hbm>> -> memref<32x128xf32, #tpu.memory_space<hbm>>
    tpu.enqueue_dma source(%dma_start3A_97 : memref<32x128xf32, #tpu.memory_space<hbm>>) target(%arg19 : memref<32x128xf32, #tpu.memory_space<vmem>>) target_semaphore(%arg23 : memref<!tpu.dma_semaphore, #tpu.memory_space<semaphore_mem>>)
    %slice3A_98 = vector.extract_strided_slice %shift_left3A_9 {offsets = [13], sizes = [1], strides = [1]} : vector<16xi32> to vector<1xi32>
    %squeeze3A_99 = vector.extract %slice3A_98[0] : i32 from vector<1xi32>
    %multiple_of3A_100 = tpu.assume_multiple %squeeze3A_99, 128 : i32
    %dma_start3A_101 = arith.constant 0 : i32
    %dma_start3A_102 = tpu.memref_slice %arg3[%dma_start3A_101, %multiple_of3A_100] : memref<32x1000000xf32, #tpu.memory_space<hbm>> -> memref<32x128xf32, #tpu.memory_space<hbm>>
    %dma_start3A_103 = arith.constant 0 : i32
    %dma_start3A_104 = tpu.memref_slice %arg3[%dma_start3A_103, %multiple_of3A_100] : memref<32x1000000xf32, #tpu.memory_space<hbm>> -> memref<32x128xf32, #tpu.memory_space<hbm>>
    tpu.enqueue_dma source(%dma_start3A_104 : memref<32x128xf32, #tpu.memory_space<hbm>>) target(%arg20 : memref<32x128xf32, #tpu.memory_space<vmem>>) target_semaphore(%arg23 : memref<!tpu.dma_semaphore, #tpu.memory_space<semaphore_mem>>)
    %slice3A_105 = vector.extract_strided_slice %shift_left3A_9 {offsets = [14], sizes = [1], strides = [1]} : vector<16xi32> to vector<1xi32>
    %squeeze3A_106 = vector.extract %slice3A_105[0] : i32 from vector<1xi32>
    %multiple_of3A_107 = tpu.assume_multiple %squeeze3A_106, 128 : i32
    %dma_start3A_108 = arith.constant 0 : i32
    %dma_start3A_109 = tpu.memref_slice %arg3[%dma_start3A_108, %multiple_of3A_107] : memref<32x1000000xf32, #tpu.memory_space<hbm>> -> memref<32x128xf32, #tpu.memory_space<hbm>>
    %dma_start3A_110 = arith.constant 0 : i32
    %dma_start3A_111 = tpu.memref_slice %arg3[%dma_start3A_110, %multiple_of3A_107] : memref<32x1000000xf32, #tpu.memory_space<hbm>> -> memref<32x128xf32, #tpu.memory_space<hbm>>
    tpu.enqueue_dma source(%dma_start3A_111 : memref<32x128xf32, #tpu.memory_space<hbm>>) target(%arg21 : memref<32x128xf32, #tpu.memory_space<vmem>>) target_semaphore(%arg23 : memref<!tpu.dma_semaphore, #tpu.memory_space<semaphore_mem>>)
    %slice3A_112 = vector.extract_strided_slice %shift_left3A_9 {offsets = [15], sizes = [1], strides = [1]} : vector<16xi32> to vector<1xi32>
    %squeeze3A_113 = vector.extract %slice3A_112[0] : i32 from vector<1xi32>
    %multiple_of3A_114 = tpu.assume_multiple %squeeze3A_113, 128 : i32
    %dma_start3A_115 = arith.constant 0 : i32
    %dma_start3A_116 = tpu.memref_slice %arg3[%dma_start3A_115, %multiple_of3A_114] : memref<32x1000000xf32, #tpu.memory_space<hbm>> -> memref<32x128xf32, #tpu.memory_space<hbm>>
    %dma_start3A_117 = arith.constant 0 : i32
    %dma_start3A_118 = tpu.memref_slice %arg3[%dma_start3A_117, %multiple_of3A_114] : memref<32x1000000xf32, #tpu.memory_space<hbm>> -> memref<32x128xf32, #tpu.memory_space<hbm>>
    tpu.enqueue_dma source(%dma_start3A_118 : memref<32x128xf32, #tpu.memory_space<hbm>>) target(%arg22 : memref<32x128xf32, #tpu.memory_space<vmem>>) target_semaphore(%arg23 : memref<!tpu.dma_semaphore, #tpu.memory_space<semaphore_mem>>)
    %scan3A = arith.constant 0 : i32
    %scan3A_119 = arith.constant 0 : i32
    %scan3A_120 = arith.constant 32 : i32
    %scan3A_121 = arith.addi %scan3A_119, %scan3A_120 : i32
    %scan3A_122 = arith.constant 1 : i32
    scf.for %scan3A_250 = %scan3A_119 to %scan3A_121 step %scan3A_122  : i32 {
      %mul3A_251 = arith.constant 16 : i32
      %mul3A_252 = arith.muli %scan3A_250, %mul3A_251 : i32
      %multiple_of3A_253 = tpu.assume_multiple %mul3A_252, 16 : i32
      %get3A_254 = arith.index_cast %multiple_of3A_253 : i32 to index
      %get3A_255 = tpu.vector_load %arg5[%get3A_254] {strides = array<i32>} : memref<512xi32, #tpu.memory_space<vmem>>, vector<16xi32>,
      %and3A = arith.constant 127 : i32
      %and3A_256 = vector.broadcast %and3A : i32 to vector<16xi32>
      %and3A_257 = arith.andi %get3A_255, %and3A_256 : vector<16xi32>
      %add3A_258 = arith.constant 1 : i32
      %add3A_259 = arith.addi %scan3A_250, %add3A_258 : i32
      %jit3A = arith.constant 32 : i32
      %eq3A = arith.constant 0 : i32
      %eq3A_260 = arith.cmpi eq, %jit3A, %eq3A : i32
      %jit3A_261 = arith.constant 1 : i32
      %select_n3A = arith.select %eq3A_260, %jit3A_261, %jit3A : i32
      %rem3A = arith.remsi %add3A_259, %select_n3A : i32
      %ne3A = arith.constant 0 : i32
      %ne3A_262 = arith.cmpi ne, %rem3A, %ne3A : i32
      %lt3A = arith.constant 0 : i32
      %lt3A_263 = arith.cmpi slt, %rem3A, %lt3A : i32
      %lt3A_264 = arith.constant 0 : i32
      %lt3A_265 = arith.cmpi slt, %select_n3A, %lt3A_264 : i32
      %ne3A_266 = arith.xori %lt3A_263, %lt3A_265 : i1
      %and3A_267 = arith.andi %ne3A_266, %ne3A_262 : i1
      %add3A_268 = arith.addi %rem3A, %select_n3A : i32
      %select_n3A_269 = arith.select %and3A_267, %add3A_268, %rem3A : i32
      %mul3A_270 = arith.constant 16 : i32
      %mul3A_271 = arith.muli %select_n3A_269, %mul3A_270 : i32
      %multiple_of3A_272 = tpu.assume_multiple %mul3A_271, 16 : i32
      %get3A_273 = arith.index_cast %multiple_of3A_272 : i32 to index
      %get3A_274 = tpu.vector_load %arg5[%get3A_273] {strides = array<i32>} : memref<512xi32, #tpu.memory_space<vmem>>, vector<16xi32>,
      %shift_right_arithmetic3A_275 = arith.constant 7 : i32
      %shift_right_arithmetic3A_276 = vector.broadcast %shift_right_arithmetic3A_275 : i32 to vector<16xi32>
      %shift_right_arithmetic3A_277 = arith.shrsi %get3A_274, %shift_right_arithmetic3A_276 : vector<16xi32>
      %shift_left3A_278 = arith.constant 7 : i32
      %shift_left3A_279 = vector.broadcast %shift_left3A_278 : i32 to vector<16xi32>
      %shift_left3A_280 = arith.shli %shift_right_arithmetic3A_277, %shift_left3A_279 : vector<16xi32>
      %dma_wait3A_281 = arith.constant 0 : i32
      %dma_wait3A_282 = arith.constant 0 : i32
      %dma_wait3A_283 = tpu.memref_slice %arg3[%dma_wait3A_281, %dma_wait3A_282] : memref<32x1000000xf32, #tpu.memory_space<hbm>> -> memref<32x128xf32, #tpu.memory_space<hbm>>
      %dma_wait3A_284 = arith.constant 0 : i32
      %dma_wait3A_285 = arith.constant 0 : i32
      %dma_wait3A_286 = tpu.memref_slice %arg3[%dma_wait3A_284, %dma_wait3A_285] : memref<32x1000000xf32, #tpu.memory_space<hbm>> -> memref<32x128xf32, #tpu.memory_space<hbm>>
      tpu.wait_dma2 semaphore(%arg23 : memref<!tpu.dma_semaphore, #tpu.memory_space<semaphore_mem>>) src(%dma_wait3A_286 : memref<32x128xf32, #tpu.memory_space<hbm>>) dst(%arg7 : memref<32x128xf32, #tpu.memory_space<vmem>>)
      %slice3A_287 = vector.extract_strided_slice %and3A_257 {offsets = [0], sizes = [1], strides = [1]} : vector<16xi32> to vector<1xi32>
      %squeeze3A_288 = vector.extract %slice3A_287[0] : i32 from vector<1xi32>
      %add3A_289 = arith.constant 0 : i32
      %add3A_290 = arith.addi %multiple_of3A_253, %add3A_289 : i32
      %broadcast_in_dim3A = vector.broadcast %squeeze3A_288 : i32 to vector<16xi32>
      %gather3A = tpu.vector_load_idx %arg7[%iota3A, %broadcast_in_dim3A] : memref<32x128xf32, #tpu.memory_space<vmem>>[vector<16xi32>, vector<16xi32>], vector<16xf32>,
      %add3A_291 = arith.constant 16 : i32
      %add3A_292 = vector.broadcast %add3A_291 : i32 to vector<16xi32>
      %add3A_293 = arith.addi %iota3A, %add3A_292 : vector<16xi32>
      %gather3A_294 = tpu.vector_load_idx %arg7[%add3A_293, %broadcast_in_dim3A] : memref<32x128xf32, #tpu.memory_space<vmem>>[vector<16xi32>, vector<16xi32>], vector<16xf32>,
      %mul3A_295 = arith.constant 512 : i32
      %mul3A_296 = vector.broadcast %mul3A_295 : i32 to vector<16xi32>
      %mul3A_297 = arith.muli %iota3A, %mul3A_296 : vector<16xi32>
      %add3A_298 = vector.broadcast %add3A_290 : i32 to vector<16xi32>
      %add3A_299 = arith.addi %mul3A_297, %add3A_298 : vector<16xi32>
      tpu.vector_store_idx %arg6[%add3A_299], %gather3A : memref<16384xf32, #tpu.memory_space<vmem>>[vector<16xi32>], vector<16xf32>,
      %add3A_300 = arith.constant 8192 : i32
      %add3A_301 = vector.broadcast %add3A_300 : i32 to vector<16xi32>
      %add3A_302 = arith.addi %add3A_299, %add3A_301 : vector<16xi32>
      tpu.vector_store_idx %arg6[%add3A_302], %gather3A_294 : memref<16384xf32, #tpu.memory_space<vmem>>[vector<16xi32>], vector<16xf32>,
      %slice3A_303 = vector.extract_strided_slice %shift_left3A_280 {offsets = [0], sizes = [1], strides = [1]} : vector<16xi32> to vector<1xi32>
      %squeeze3A_304 = vector.extract %slice3A_303[0] : i32 from vector<1xi32>
      %multiple_of3A_305 = tpu.assume_multiple %squeeze3A_304, 128 : i32
      %dma_start3A_306 = arith.constant 0 : i32
      %dma_start3A_307 = tpu.memref_slice %arg3[%dma_start3A_306, %multiple_of3A_305] : memref<32x1000000xf32, #tpu.memory_space<hbm>> -> memref<32x128xf32, #tpu.memory_space<hbm>>
      %dma_start3A_308 = arith.constant 0 : i32
      %dma_start3A_309 = tpu.memref_slice %arg3[%dma_start3A_308, %multiple_of3A_305] : memref<32x1000000xf32, #tpu.memory_space<hbm>> -> memref<32x128xf32, #tpu.memory_space<hbm>>
      tpu.enqueue_dma source(%dma_start3A_309 : memref<32x128xf32, #tpu.memory_space<hbm>>) target(%arg7 : memref<32x128xf32, #tpu.memory_space<vmem>>) target_semaphore(%arg23 : memref<!tpu.dma_semaphore, #tpu.memory_space<semaphore_mem>>)
      %dma_wait3A_310 = arith.constant 0 : i32
      %dma_wait3A_311 = arith.constant 0 : i32
      %dma_wait3A_312 = tpu.memref_slice %arg3[%dma_wait3A_310, %dma_wait3A_311] : memref<32x1000000xf32, #tpu.memory_space<hbm>> -> memref<32x128xf32, #tpu.memory_space<hbm>>
      %dma_wait3A_313 = arith.constant 0 : i32
      %dma_wait3A_314 = arith.constant 0 : i32
      %dma_wait3A_315 = tpu.memref_slice %arg3[%dma_wait3A_313, %dma_wait3A_314] : memref<32x1000000xf32, #tpu.memory_space<hbm>> -> memref<32x128xf32, #tpu.memory_space<hbm>>
      tpu.wait_dma2 semaphore(%arg23 : memref<!tpu.dma_semaphore, #tpu.memory_space<semaphore_mem>>) src(%dma_wait3A_315 : memref<32x128xf32, #tpu.memory_space<hbm>>) dst(%arg8 : memref<32x128xf32, #tpu.memory_space<vmem>>)
      %slice3A_316 = vector.extract_strided_slice %and3A_257 {offsets = [1], sizes = [1], strides = [1]} : vector<16xi32> to vector<1xi32>
      %squeeze3A_317 = vector.extract %slice3A_316[0] : i32 from vector<1xi32>
      %add3A_318 = arith.constant 1 : i32
      %add3A_319 = arith.addi %multiple_of3A_253, %add3A_318 : i32
      %broadcast_in_dim3A_320 = vector.broadcast %squeeze3A_317 : i32 to vector<16xi32>
      %gather3A_321 = tpu.vector_load_idx %arg8[%iota3A, %broadcast_in_dim3A_320] : memref<32x128xf32, #tpu.memory_space<vmem>>[vector<16xi32>, vector<16xi32>], vector<16xf32>,
      %add3A_322 = arith.constant 16 : i32
      %add3A_323 = vector.broadcast %add3A_322 : i32 to vector<16xi32>
      %add3A_324 = arith.addi %iota3A, %add3A_323 : vector<16xi32>
      %gather3A_325 = tpu.vector_load_idx %arg8[%add3A_324, %broadcast_in_dim3A_320] : memref<32x128xf32, #tpu.memory_space<vmem>>[vector<16xi32>, vector<16xi32>], vector<16xf32>,
      %mul3A_326 = arith.constant 512 : i32
      %mul3A_327 = vector.broadcast %mul3A_326 : i32 to vector<16xi32>
      %mul3A_328 = arith.muli %iota3A, %mul3A_327 : vector<16xi32>
      %add3A_329 = vector.broadcast %add3A_319 : i32 to vector<16xi32>
      %add3A_330 = arith.addi %mul3A_328, %add3A_329 : vector<16xi32>
      tpu.vector_store_idx %arg6[%add3A_330], %gather3A_321 : memref<16384xf32, #tpu.memory_space<vmem>>[vector<16xi32>], vector<16xf32>,
      %add3A_331 = arith.constant 8192 : i32
      %add3A_332 = vector.broadcast %add3A_331 : i32 to vector<16xi32>
      %add3A_333 = arith.addi %add3A_330, %add3A_332 : vector<16xi32>
      tpu.vector_store_idx %arg6[%add3A_333], %gather3A_325 : memref<16384xf32, #tpu.memory_space<vmem>>[vector<16xi32>], vector<16xf32>,
      %slice3A_334 = vector.extract_strided_slice %shift_left3A_280 {offsets = [1], sizes = [1], strides = [1]} : vector<16xi32> to vector<1xi32>
      %squeeze3A_335 = vector.extract %slice3A_334[0] : i32 from vector<1xi32>
      %multiple_of3A_336 = tpu.assume_multiple %squeeze3A_335, 128 : i32
      %dma_start3A_337 = arith.constant 0 : i32
      %dma_start3A_338 = tpu.memref_slice %arg3[%dma_start3A_337, %multiple_of3A_336] : memref<32x1000000xf32, #tpu.memory_space<hbm>> -> memref<32x128xf32, #tpu.memory_space<hbm>>
      %dma_start3A_339 = arith.constant 0 : i32
      %dma_start3A_340 = tpu.memref_slice %arg3[%dma_start3A_339, %multiple_of3A_336] : memref<32x1000000xf32, #tpu.memory_space<hbm>> -> memref<32x128xf32, #tpu.memory_space<hbm>>
      tpu.enqueue_dma source(%dma_start3A_340 : memref<32x128xf32, #tpu.memory_space<hbm>>) target(%arg8 : memref<32x128xf32, #tpu.memory_space<vmem>>) target_semaphore(%arg23 : memref<!tpu.dma_semaphore, #tpu.memory_space<semaphore_mem>>)
      %dma_wait3A_341 = arith.constant 0 : i32
      %dma_wait3A_342 = arith.constant 0 : i32
      %dma_wait3A_343 = tpu.memref_slice %arg3[%dma_wait3A_341, %dma_wait3A_342] : memref<32x1000000xf32, #tpu.memory_space<hbm>> -> memref<32x128xf32, #tpu.memory_space<hbm>>
      %dma_wait3A_344 = arith.constant 0 : i32
      %dma_wait3A_345 = arith.constant 0 : i32
      %dma_wait3A_346 = tpu.memref_slice %arg3[%dma_wait3A_344, %dma_wait3A_345] : memref<32x1000000xf32, #tpu.memory_space<hbm>> -> memref<32x128xf32, #tpu.memory_space<hbm>>
      tpu.wait_dma2 semaphore(%arg23 : memref<!tpu.dma_semaphore, #tpu.memory_space<semaphore_mem>>) src(%dma_wait3A_346 : memref<32x128xf32, #tpu.memory_space<hbm>>) dst(%arg9 : memref<32x128xf32, #tpu.memory_space<vmem>>)
      %slice3A_347 = vector.extract_strided_slice %and3A_257 {offsets = [2], sizes = [1], strides = [1]} : vector<16xi32> to vector<1xi32>
      %squeeze3A_348 = vector.extract %slice3A_347[0] : i32 from vector<1xi32>
      %add3A_349 = arith.constant 2 : i32
      %add3A_350 = arith.addi %multiple_of3A_253, %add3A_349 : i32
      %broadcast_in_dim3A_351 = vector.broadcast %squeeze3A_348 : i32 to vector<16xi32>
      %gather3A_352 = tpu.vector_load_idx %arg9[%iota3A, %broadcast_in_dim3A_351] : memref<32x128xf32, #tpu.memory_space<vmem>>[vector<16xi32>, vector<16xi32>], vector<16xf32>,
      %add3A_353 = arith.constant 16 : i32
      %add3A_354 = vector.broadcast %add3A_353 : i32 to vector<16xi32>
      %add3A_355 = arith.addi %iota3A, %add3A_354 : vector<16xi32>
      %gather3A_356 = tpu.vector_load_idx %arg9[%add3A_355, %broadcast_in_dim3A_351] : memref<32x128xf32, #tpu.memory_space<vmem>>[vector<16xi32>, vector<16xi32>], vector<16xf32>,
      %mul3A_357 = arith.constant 512 : i32
      %mul3A_358 = vector.broadcast %mul3A_357 : i32 to vector<16xi32>
      %mul3A_359 = arith.muli %iota3A, %mul3A_358 : vector<16xi32>
      %add3A_360 = vector.broadcast %add3A_350 : i32 to vector<16xi32>
      %add3A_361 = arith.addi %mul3A_359, %add3A_360 : vector<16xi32>
      tpu.vector_store_idx %arg6[%add3A_361], %gather3A_352 : memref<16384xf32, #tpu.memory_space<vmem>>[vector<16xi32>], vector<16xf32>,
      %add3A_362 = arith.constant 8192 : i32
      %add3A_363 = vector.broadcast %add3A_362 : i32 to vector<16xi32>
      %add3A_364 = arith.addi %add3A_361, %add3A_363 : vector<16xi32>
      tpu.vector_store_idx %arg6[%add3A_364], %gather3A_356 : memref<16384xf32, #tpu.memory_space<vmem>>[vector<16xi32>], vector<16xf32>,
      %slice3A_365 = vector.extract_strided_slice %shift_left3A_280 {offsets = [2], sizes = [1], strides = [1]} : vector<16xi32> to vector<1xi32>
      %squeeze3A_366 = vector.extract %slice3A_365[0] : i32 from vector<1xi32>
      %multiple_of3A_367 = tpu.assume_multiple %squeeze3A_366, 128 : i32
      %dma_start3A_368 = arith.constant 0 : i32
      %dma_start3A_369 = tpu.memref_slice %arg3[%dma_start3A_368, %multiple_of3A_367] : memref<32x1000000xf32, #tpu.memory_space<hbm>> -> memref<32x128xf32, #tpu.memory_space<hbm>>
      %dma_start3A_370 = arith.constant 0 : i32
      %dma_start3A_371 = tpu.memref_slice %arg3[%dma_start3A_370, %multiple_of3A_367] : memref<32x1000000xf32, #tpu.memory_space<hbm>> -> memref<32x128xf32, #tpu.memory_space<hbm>>
      tpu.enqueue_dma source(%dma_start3A_371 : memref<32x128xf32, #tpu.memory_space<hbm>>) target(%arg9 : memref<32x128xf32, #tpu.memory_space<vmem>>) target_semaphore(%arg23 : memref<!tpu.dma_semaphore, #tpu.memory_space<semaphore_mem>>)
      %dma_wait3A_372 = arith.constant 0 : i32
      %dma_wait3A_373 = arith.constant 0 : i32
      %dma_wait3A_374 = tpu.memref_slice %arg3[%dma_wait3A_372, %dma_wait3A_373] : memref<32x1000000xf32, #tpu.memory_space<hbm>> -> memref<32x128xf32, #tpu.memory_space<hbm>>
      %dma_wait3A_375 = arith.constant 0 : i32
      %dma_wait3A_376 = arith.constant 0 : i32
      %dma_wait3A_377 = tpu.memref_slice %arg3[%dma_wait3A_375, %dma_wait3A_376] : memref<32x1000000xf32, #tpu.memory_space<hbm>> -> memref<32x128xf32, #tpu.memory_space<hbm>>
      tpu.wait_dma2 semaphore(%arg23 : memref<!tpu.dma_semaphore, #tpu.memory_space<semaphore_mem>>) src(%dma_wait3A_377 : memref<32x128xf32, #tpu.memory_space<hbm>>) dst(%arg10 : memref<32x128xf32, #tpu.memory_space<vmem>>)
      %slice3A_378 = vector.extract_strided_slice %and3A_257 {offsets = [3], sizes = [1], strides = [1]} : vector<16xi32> to vector<1xi32>
      %squeeze3A_379 = vector.extract %slice3A_378[0] : i32 from vector<1xi32>
      %add3A_380 = arith.constant 3 : i32
      %add3A_381 = arith.addi %multiple_of3A_253, %add3A_380 : i32
      %broadcast_in_dim3A_382 = vector.broadcast %squeeze3A_379 : i32 to vector<16xi32>
      %gather3A_383 = tpu.vector_load_idx %arg10[%iota3A, %broadcast_in_dim3A_382] : memref<32x128xf32, #tpu.memory_space<vmem>>[vector<16xi32>, vector<16xi32>], vector<16xf32>,
      %add3A_384 = arith.constant 16 : i32
      %add3A_385 = vector.broadcast %add3A_384 : i32 to vector<16xi32>
      %add3A_386 = arith.addi %iota3A, %add3A_385 : vector<16xi32>
      %gather3A_387 = tpu.vector_load_idx %arg10[%add3A_386, %broadcast_in_dim3A_382] : memref<32x128xf32, #tpu.memory_space<vmem>>[vector<16xi32>, vector<16xi32>], vector<16xf32>,
      %mul3A_388 = arith.constant 512 : i32
      %mul3A_389 = vector.broadcast %mul3A_388 : i32 to vector<16xi32>
      %mul3A_390 = arith.muli %iota3A, %mul3A_389 : vector<16xi32>
      %add3A_391 = vector.broadcast %add3A_381 : i32 to vector<16xi32>
      %add3A_392 = arith.addi %mul3A_390, %add3A_391 : vector<16xi32>
      tpu.vector_store_idx %arg6[%add3A_392], %gather3A_383 : memref<16384xf32, #tpu.memory_space<vmem>>[vector<16xi32>], vector<16xf32>,
      %add3A_393 = arith.constant 8192 : i32
      %add3A_394 = vector.broadcast %add3A_393 : i32 to vector<16xi32>
      %add3A_395 = arith.addi %add3A_392, %add3A_394 : vector<16xi32>
      tpu.vector_store_idx %arg6[%add3A_395], %gather3A_387 : memref<16384xf32, #tpu.memory_space<vmem>>[vector<16xi32>], vector<16xf32>,
      %slice3A_396 = vector.extract_strided_slice %shift_left3A_280 {offsets = [3], sizes = [1], strides = [1]} : vector<16xi32> to vector<1xi32>
      %squeeze3A_397 = vector.extract %slice3A_396[0] : i32 from vector<1xi32>
      %multiple_of3A_398 = tpu.assume_multiple %squeeze3A_397, 128 : i32
      %dma_start3A_399 = arith.constant 0 : i32
      %dma_start3A_400 = tpu.memref_slice %arg3[%dma_start3A_399, %multiple_of3A_398] : memref<32x1000000xf32, #tpu.memory_space<hbm>> -> memref<32x128xf32, #tpu.memory_space<hbm>>
      %dma_start3A_401 = arith.constant 0 : i32
      %dma_start3A_402 = tpu.memref_slice %arg3[%dma_start3A_401, %multiple_of3A_398] : memref<32x1000000xf32, #tpu.memory_space<hbm>> -> memref<32x128xf32, #tpu.memory_space<hbm>>
      tpu.enqueue_dma source(%dma_start3A_402 : memref<32x128xf32, #tpu.memory_space<hbm>>) target(%arg10 : memref<32x128xf32, #tpu.memory_space<vmem>>) target_semaphore(%arg23 : memref<!tpu.dma_semaphore, #tpu.memory_space<semaphore_mem>>)
      %dma_wait3A_403 = arith.constant 0 : i32
      %dma_wait3A_404 = arith.constant 0 : i32
      %dma_wait3A_405 = tpu.memref_slice %arg3[%dma_wait3A_403, %dma_wait3A_404] : memref<32x1000000xf32, #tpu.memory_space<hbm>> -> memref<32x128xf32, #tpu.memory_space<hbm>>
      %dma_wait3A_406 = arith.constant 0 : i32
      %dma_wait3A_407 = arith.constant 0 : i32
      %dma_wait3A_408 = tpu.memref_slice %arg3[%dma_wait3A_406, %dma_wait3A_407] : memref<32x1000000xf32, #tpu.memory_space<hbm>> -> memref<32x128xf32, #tpu.memory_space<hbm>>
      tpu.wait_dma2 semaphore(%arg23 : memref<!tpu.dma_semaphore, #tpu.memory_space<semaphore_mem>>) src(%dma_wait3A_408 : memref<32x128xf32, #tpu.memory_space<hbm>>) dst(%arg11 : memref<32x128xf32, #tpu.memory_space<vmem>>)
      %slice3A_409 = vector.extract_strided_slice %and3A_257 {offsets = [4], sizes = [1], strides = [1]} : vector<16xi32> to vector<1xi32>
      %squeeze3A_410 = vector.extract %slice3A_409[0] : i32 from vector<1xi32>
      %add3A_411 = arith.constant 4 : i32
      %add3A_412 = arith.addi %multiple_of3A_253, %add3A_411 : i32
      %broadcast_in_dim3A_413 = vector.broadcast %squeeze3A_410 : i32 to vector<16xi32>
      %gather3A_414 = tpu.vector_load_idx %arg11[%iota3A, %broadcast_in_dim3A_413] : memref<32x128xf32, #tpu.memory_space<vmem>>[vector<16xi32>, vector<16xi32>], vector<16xf32>,
      %add3A_415 = arith.constant 16 : i32
      %add3A_416 = vector.broadcast %add3A_415 : i32 to vector<16xi32>
      %add3A_417 = arith.addi %iota3A, %add3A_416 : vector<16xi32>
      %gather3A_418 = tpu.vector_load_idx %arg11[%add3A_417, %broadcast_in_dim3A_413] : memref<32x128xf32, #tpu.memory_space<vmem>>[vector<16xi32>, vector<16xi32>], vector<16xf32>,
      %mul3A_419 = arith.constant 512 : i32
      %mul3A_420 = vector.broadcast %mul3A_419 : i32 to vector<16xi32>
      %mul3A_421 = arith.muli %iota3A, %mul3A_420 : vector<16xi32>
      %add3A_422 = vector.broadcast %add3A_412 : i32 to vector<16xi32>
      %add3A_423 = arith.addi %mul3A_421, %add3A_422 : vector<16xi32>
      tpu.vector_store_idx %arg6[%add3A_423], %gather3A_414 : memref<16384xf32, #tpu.memory_space<vmem>>[vector<16xi32>], vector<16xf32>,
      %add3A_424 = arith.constant 8192 : i32
      %add3A_425 = vector.broadcast %add3A_424 : i32 to vector<16xi32>
      %add3A_426 = arith.addi %add3A_423, %add3A_425 : vector<16xi32>
      tpu.vector_store_idx %arg6[%add3A_426], %gather3A_418 : memref<16384xf32, #tpu.memory_space<vmem>>[vector<16xi32>], vector<16xf32>,
      %slice3A_427 = vector.extract_strided_slice %shift_left3A_280 {offsets = [4], sizes = [1], strides = [1]} : vector<16xi32> to vector<1xi32>
      %squeeze3A_428 = vector.extract %slice3A_427[0] : i32 from vector<1xi32>
      %multiple_of3A_429 = tpu.assume_multiple %squeeze3A_428, 128 : i32
      %dma_start3A_430 = arith.constant 0 : i32
      %dma_start3A_431 = tpu.memref_slice %arg3[%dma_start3A_430, %multiple_of3A_429] : memref<32x1000000xf32, #tpu.memory_space<hbm>> -> memref<32x128xf32, #tpu.memory_space<hbm>>
      %dma_start3A_432 = arith.constant 0 : i32
      %dma_start3A_433 = tpu.memref_slice %arg3[%dma_start3A_432, %multiple_of3A_429] : memref<32x1000000xf32, #tpu.memory_space<hbm>> -> memref<32x128xf32, #tpu.memory_space<hbm>>
      tpu.enqueue_dma source(%dma_start3A_433 : memref<32x128xf32, #tpu.memory_space<hbm>>) target(%arg11 : memref<32x128xf32, #tpu.memory_space<vmem>>) target_semaphore(%arg23 : memref<!tpu.dma_semaphore, #tpu.memory_space<semaphore_mem>>)
      %dma_wait3A_434 = arith.constant 0 : i32
      %dma_wait3A_435 = arith.constant 0 : i32
      %dma_wait3A_436 = tpu.memref_slice %arg3[%dma_wait3A_434, %dma_wait3A_435] : memref<32x1000000xf32, #tpu.memory_space<hbm>> -> memref<32x128xf32, #tpu.memory_space<hbm>>
      %dma_wait3A_437 = arith.constant 0 : i32
      %dma_wait3A_438 = arith.constant 0 : i32
      %dma_wait3A_439 = tpu.memref_slice %arg3[%dma_wait3A_437, %dma_wait3A_438] : memref<32x1000000xf32, #tpu.memory_space<hbm>> -> memref<32x128xf32, #tpu.memory_space<hbm>>
      tpu.wait_dma2 semaphore(%arg23 : memref<!tpu.dma_semaphore, #tpu.memory_space<semaphore_mem>>) src(%dma_wait3A_439 : memref<32x128xf32, #tpu.memory_space<hbm>>) dst(%arg12 : memref<32x128xf32, #tpu.memory_space<vmem>>)
      %slice3A_440 = vector.extract_strided_slice %and3A_257 {offsets = [5], sizes = [1], strides = [1]} : vector<16xi32> to vector<1xi32>
      %squeeze3A_441 = vector.extract %slice3A_440[0] : i32 from vector<1xi32>
      %add3A_442 = arith.constant 5 : i32
      %add3A_443 = arith.addi %multiple_of3A_253, %add3A_442 : i32
      %broadcast_in_dim3A_444 = vector.broadcast %squeeze3A_441 : i32 to vector<16xi32>
      %gather3A_445 = tpu.vector_load_idx %arg12[%iota3A, %broadcast_in_dim3A_444] : memref<32x128xf32, #tpu.memory_space<vmem>>[vector<16xi32>, vector<16xi32>], vector<16xf32>,
      %add3A_446 = arith.constant 16 : i32
      %add3A_447 = vector.broadcast %add3A_446 : i32 to vector<16xi32>
      %add3A_448 = arith.addi %iota3A, %add3A_447 : vector<16xi32>
      %gather3A_449 = tpu.vector_load_idx %arg12[%add3A_448, %broadcast_in_dim3A_444] : memref<32x128xf32, #tpu.memory_space<vmem>>[vector<16xi32>, vector<16xi32>], vector<16xf32>,
      %mul3A_450 = arith.constant 512 : i32
      %mul3A_451 = vector.broadcast %mul3A_450 : i32 to vector<16xi32>
      %mul3A_452 = arith.muli %iota3A, %mul3A_451 : vector<16xi32>
      %add3A_453 = vector.broadcast %add3A_443 : i32 to vector<16xi32>
      %add3A_454 = arith.addi %mul3A_452, %add3A_453 : vector<16xi32>
      tpu.vector_store_idx %arg6[%add3A_454], %gather3A_445 : memref<16384xf32, #tpu.memory_space<vmem>>[vector<16xi32>], vector<16xf32>,
      %add3A_455 = arith.constant 8192 : i32
      %add3A_456 = vector.broadcast %add3A_455 : i32 to vector<16xi32>
      %add3A_457 = arith.addi %add3A_454, %add3A_456 : vector<16xi32>
      tpu.vector_store_idx %arg6[%add3A_457], %gather3A_449 : memref<16384xf32, #tpu.memory_space<vmem>>[vector<16xi32>], vector<16xf32>,
      %slice3A_458 = vector.extract_strided_slice %shift_left3A_280 {offsets = [5], sizes = [1], strides = [1]} : vector<16xi32> to vector<1xi32>
      %squeeze3A_459 = vector.extract %slice3A_458[0] : i32 from vector<1xi32>
      %multiple_of3A_460 = tpu.assume_multiple %squeeze3A_459, 128 : i32
      %dma_start3A_461 = arith.constant 0 : i32
      %dma_start3A_462 = tpu.memref_slice %arg3[%dma_start3A_461, %multiple_of3A_460] : memref<32x1000000xf32, #tpu.memory_space<hbm>> -> memref<32x128xf32, #tpu.memory_space<hbm>>
      %dma_start3A_463 = arith.constant 0 : i32
      %dma_start3A_464 = tpu.memref_slice %arg3[%dma_start3A_463, %multiple_of3A_460] : memref<32x1000000xf32, #tpu.memory_space<hbm>> -> memref<32x128xf32, #tpu.memory_space<hbm>>
      tpu.enqueue_dma source(%dma_start3A_464 : memref<32x128xf32, #tpu.memory_space<hbm>>) target(%arg12 : memref<32x128xf32, #tpu.memory_space<vmem>>) target_semaphore(%arg23 : memref<!tpu.dma_semaphore, #tpu.memory_space<semaphore_mem>>)
      %dma_wait3A_465 = arith.constant 0 : i32
      %dma_wait3A_466 = arith.constant 0 : i32
      %dma_wait3A_467 = tpu.memref_slice %arg3[%dma_wait3A_465, %dma_wait3A_466] : memref<32x1000000xf32, #tpu.memory_space<hbm>> -> memref<32x128xf32, #tpu.memory_space<hbm>>
      %dma_wait3A_468 = arith.constant 0 : i32
      %dma_wait3A_469 = arith.constant 0 : i32
      %dma_wait3A_470 = tpu.memref_slice %arg3[%dma_wait3A_468, %dma_wait3A_469] : memref<32x1000000xf32, #tpu.memory_space<hbm>> -> memref<32x128xf32, #tpu.memory_space<hbm>>
      tpu.wait_dma2 semaphore(%arg23 : memref<!tpu.dma_semaphore, #tpu.memory_space<semaphore_mem>>) src(%dma_wait3A_470 : memref<32x128xf32, #tpu.memory_space<hbm>>) dst(%arg13 : memref<32x128xf32, #tpu.memory_space<vmem>>)
      %slice3A_471 = vector.extract_strided_slice %and3A_257 {offsets = [6], sizes = [1], strides = [1]} : vector<16xi32> to vector<1xi32>
      %squeeze3A_472 = vector.extract %slice3A_471[0] : i32 from vector<1xi32>
      %add3A_473 = arith.constant 6 : i32
      %add3A_474 = arith.addi %multiple_of3A_253, %add3A_473 : i32
      %broadcast_in_dim3A_475 = vector.broadcast %squeeze3A_472 : i32 to vector<16xi32>
      %gather3A_476 = tpu.vector_load_idx %arg13[%iota3A, %broadcast_in_dim3A_475] : memref<32x128xf32, #tpu.memory_space<vmem>>[vector<16xi32>, vector<16xi32>], vector<16xf32>,
      %add3A_477 = arith.constant 16 : i32
      %add3A_478 = vector.broadcast %add3A_477 : i32 to vector<16xi32>
      %add3A_479 = arith.addi %iota3A, %add3A_478 : vector<16xi32>
      %gather3A_480 = tpu.vector_load_idx %arg13[%add3A_479, %broadcast_in_dim3A_475] : memref<32x128xf32, #tpu.memory_space<vmem>>[vector<16xi32>, vector<16xi32>], vector<16xf32>,
      %mul3A_481 = arith.constant 512 : i32
      %mul3A_482 = vector.broadcast %mul3A_481 : i32 to vector<16xi32>
      %mul3A_483 = arith.muli %iota3A, %mul3A_482 : vector<16xi32>
      %add3A_484 = vector.broadcast %add3A_474 : i32 to vector<16xi32>
      %add3A_485 = arith.addi %mul3A_483, %add3A_484 : vector<16xi32>
      tpu.vector_store_idx %arg6[%add3A_485], %gather3A_476 : memref<16384xf32, #tpu.memory_space<vmem>>[vector<16xi32>], vector<16xf32>,
      %add3A_486 = arith.constant 8192 : i32
      %add3A_487 = vector.broadcast %add3A_486 : i32 to vector<16xi32>
      %add3A_488 = arith.addi %add3A_485, %add3A_487 : vector<16xi32>
      tpu.vector_store_idx %arg6[%add3A_488], %gather3A_480 : memref<16384xf32, #tpu.memory_space<vmem>>[vector<16xi32>], vector<16xf32>,
      %slice3A_489 = vector.extract_strided_slice %shift_left3A_280 {offsets = [6], sizes = [1], strides = [1]} : vector<16xi32> to vector<1xi32>
      %squeeze3A_490 = vector.extract %slice3A_489[0] : i32 from vector<1xi32>
      %multiple_of3A_491 = tpu.assume_multiple %squeeze3A_490, 128 : i32
      %dma_start3A_492 = arith.constant 0 : i32
      %dma_start3A_493 = tpu.memref_slice %arg3[%dma_start3A_492, %multiple_of3A_491] : memref<32x1000000xf32, #tpu.memory_space<hbm>> -> memref<32x128xf32, #tpu.memory_space<hbm>>
      %dma_start3A_494 = arith.constant 0 : i32
      %dma_start3A_495 = tpu.memref_slice %arg3[%dma_start3A_494, %multiple_of3A_491] : memref<32x1000000xf32, #tpu.memory_space<hbm>> -> memref<32x128xf32, #tpu.memory_space<hbm>>
      tpu.enqueue_dma source(%dma_start3A_495 : memref<32x128xf32, #tpu.memory_space<hbm>>) target(%arg13 : memref<32x128xf32, #tpu.memory_space<vmem>>) target_semaphore(%arg23 : memref<!tpu.dma_semaphore, #tpu.memory_space<semaphore_mem>>)
      %dma_wait3A_496 = arith.constant 0 : i32
      %dma_wait3A_497 = arith.constant 0 : i32
      %dma_wait3A_498 = tpu.memref_slice %arg3[%dma_wait3A_496, %dma_wait3A_497] : memref<32x1000000xf32, #tpu.memory_space<hbm>> -> memref<32x128xf32, #tpu.memory_space<hbm>>
      %dma_wait3A_499 = arith.constant 0 : i32
      %dma_wait3A_500 = arith.constant 0 : i32
      %dma_wait3A_501 = tpu.memref_slice %arg3[%dma_wait3A_499, %dma_wait3A_500] : memref<32x1000000xf32, #tpu.memory_space<hbm>> -> memref<32x128xf32, #tpu.memory_space<hbm>>
      tpu.wait_dma2 semaphore(%arg23 : memref<!tpu.dma_semaphore, #tpu.memory_space<semaphore_mem>>) src(%dma_wait3A_501 : memref<32x128xf32, #tpu.memory_space<hbm>>) dst(%arg14 : memref<32x128xf32, #tpu.memory_space<vmem>>)
      %slice3A_502 = vector.extract_strided_slice %and3A_257 {offsets = [7], sizes = [1], strides = [1]} : vector<16xi32> to vector<1xi32>
      %squeeze3A_503 = vector.extract %slice3A_502[0] : i32 from vector<1xi32>
      %add3A_504 = arith.constant 7 : i32
      %add3A_505 = arith.addi %multiple_of3A_253, %add3A_504 : i32
      %broadcast_in_dim3A_506 = vector.broadcast %squeeze3A_503 : i32 to vector<16xi32>
      %gather3A_507 = tpu.vector_load_idx %arg14[%iota3A, %broadcast_in_dim3A_506] : memref<32x128xf32, #tpu.memory_space<vmem>>[vector<16xi32>, vector<16xi32>], vector<16xf32>,
      %add3A_508 = arith.constant 16 : i32
      %add3A_509 = vector.broadcast %add3A_508 : i32 to vector<16xi32>
      %add3A_510 = arith.addi %iota3A, %add3A_509 : vector<16xi32>
      %gather3A_511 = tpu.vector_load_idx %arg14[%add3A_510, %broadcast_in_dim3A_506] : memref<32x128xf32, #tpu.memory_space<vmem>>[vector<16xi32>, vector<16xi32>], vector<16xf32>,
      %mul3A_512 = arith.constant 512 : i32
      %mul3A_513 = vector.broadcast %mul3A_512 : i32 to vector<16xi32>
      %mul3A_514 = arith.muli %iota3A, %mul3A_513 : vector<16xi32>
      %add3A_515 = vector.broadcast %add3A_505 : i32 to vector<16xi32>
      %add3A_516 = arith.addi %mul3A_514, %add3A_515 : vector<16xi32>
      tpu.vector_store_idx %arg6[%add3A_516], %gather3A_507 : memref<16384xf32, #tpu.memory_space<vmem>>[vector<16xi32>], vector<16xf32>,
      %add3A_517 = arith.constant 8192 : i32
      %add3A_518 = vector.broadcast %add3A_517 : i32 to vector<16xi32>
      %add3A_519 = arith.addi %add3A_516, %add3A_518 : vector<16xi32>
      tpu.vector_store_idx %arg6[%add3A_519], %gather3A_511 : memref<16384xf32, #tpu.memory_space<vmem>>[vector<16xi32>], vector<16xf32>,
      %slice3A_520 = vector.extract_strided_slice %shift_left3A_280 {offsets = [7], sizes = [1], strides = [1]} : vector<16xi32> to vector<1xi32>
      %squeeze3A_521 = vector.extract %slice3A_520[0] : i32 from vector<1xi32>
      %multiple_of3A_522 = tpu.assume_multiple %squeeze3A_521, 128 : i32
      %dma_start3A_523 = arith.constant 0 : i32
      %dma_start3A_524 = tpu.memref_slice %arg3[%dma_start3A_523, %multiple_of3A_522] : memref<32x1000000xf32, #tpu.memory_space<hbm>> -> memref<32x128xf32, #tpu.memory_space<hbm>>
      %dma_start3A_525 = arith.constant 0 : i32
      %dma_start3A_526 = tpu.memref_slice %arg3[%dma_start3A_525, %multiple_of3A_522] : memref<32x1000000xf32, #tpu.memory_space<hbm>> -> memref<32x128xf32, #tpu.memory_space<hbm>>
      tpu.enqueue_dma source(%dma_start3A_526 : memref<32x128xf32, #tpu.memory_space<hbm>>) target(%arg14 : memref<32x128xf32, #tpu.memory_space<vmem>>) target_semaphore(%arg23 : memref<!tpu.dma_semaphore, #tpu.memory_space<semaphore_mem>>)
      %dma_wait3A_527 = arith.constant 0 : i32
      %dma_wait3A_528 = arith.constant 0 : i32
      %dma_wait3A_529 = tpu.memref_slice %arg3[%dma_wait3A_527, %dma_wait3A_528] : memref<32x1000000xf32, #tpu.memory_space<hbm>> -> memref<32x128xf32, #tpu.memory_space<hbm>>
      %dma_wait3A_530 = arith.constant 0 : i32
      %dma_wait3A_531 = arith.constant 0 : i32
      %dma_wait3A_532 = tpu.memref_slice %arg3[%dma_wait3A_530, %dma_wait3A_531] : memref<32x1000000xf32, #tpu.memory_space<hbm>> -> memref<32x128xf32, #tpu.memory_space<hbm>>
      tpu.wait_dma2 semaphore(%arg23 : memref<!tpu.dma_semaphore, #tpu.memory_space<semaphore_mem>>) src(%dma_wait3A_532 : memref<32x128xf32, #tpu.memory_space<hbm>>) dst(%arg15 : memref<32x128xf32, #tpu.memory_space<vmem>>)
      %slice3A_533 = vector.extract_strided_slice %and3A_257 {offsets = [8], sizes = [1], strides = [1]} : vector<16xi32> to vector<1xi32>
      %squeeze3A_534 = vector.extract %slice3A_533[0] : i32 from vector<1xi32>
      %add3A_535 = arith.constant 8 : i32
      %add3A_536 = arith.addi %multiple_of3A_253, %add3A_535 : i32
      %broadcast_in_dim3A_537 = vector.broadcast %squeeze3A_534 : i32 to vector<16xi32>
      %gather3A_538 = tpu.vector_load_idx %arg15[%iota3A, %broadcast_in_dim3A_537] : memref<32x128xf32, #tpu.memory_space<vmem>>[vector<16xi32>, vector<16xi32>], vector<16xf32>,
      %add3A_539 = arith.constant 16 : i32
      %add3A_540 = vector.broadcast %add3A_539 : i32 to vector<16xi32>
      %add3A_541 = arith.addi %iota3A, %add3A_540 : vector<16xi32>
      %gather3A_542 = tpu.vector_load_idx %arg15[%add3A_541, %broadcast_in_dim3A_537] : memref<32x128xf32, #tpu.memory_space<vmem>>[vector<16xi32>, vector<16xi32>], vector<16xf32>,
      %mul3A_543 = arith.constant 512 : i32
      %mul3A_544 = vector.broadcast %mul3A_543 : i32 to vector<16xi32>
      %mul3A_545 = arith.muli %iota3A, %mul3A_544 : vector<16xi32>
      %add3A_546 = vector.broadcast %add3A_536 : i32 to vector<16xi32>
      %add3A_547 = arith.addi %mul3A_545, %add3A_546 : vector<16xi32>
      tpu.vector_store_idx %arg6[%add3A_547], %gather3A_538 : memref<16384xf32, #tpu.memory_space<vmem>>[vector<16xi32>], vector<16xf32>,
      %add3A_548 = arith.constant 8192 : i32
      %add3A_549 = vector.broadcast %add3A_548 : i32 to vector<16xi32>
      %add3A_550 = arith.addi %add3A_547, %add3A_549 : vector<16xi32>
      tpu.vector_store_idx %arg6[%add3A_550], %gather3A_542 : memref<16384xf32, #tpu.memory_space<vmem>>[vector<16xi32>], vector<16xf32>,
      %slice3A_551 = vector.extract_strided_slice %shift_left3A_280 {offsets = [8], sizes = [1], strides = [1]} : vector<16xi32> to vector<1xi32>
      %squeeze3A_552 = vector.extract %slice3A_551[0] : i32 from vector<1xi32>
      %multiple_of3A_553 = tpu.assume_multiple %squeeze3A_552, 128 : i32
      %dma_start3A_554 = arith.constant 0 : i32
      %dma_start3A_555 = tpu.memref_slice %arg3[%dma_start3A_554, %multiple_of3A_553] : memref<32x1000000xf32, #tpu.memory_space<hbm>> -> memref<32x128xf32, #tpu.memory_space<hbm>>
      %dma_start3A_556 = arith.constant 0 : i32
      %dma_start3A_557 = tpu.memref_slice %arg3[%dma_start3A_556, %multiple_of3A_553] : memref<32x1000000xf32, #tpu.memory_space<hbm>> -> memref<32x128xf32, #tpu.memory_space<hbm>>
      tpu.enqueue_dma source(%dma_start3A_557 : memref<32x128xf32, #tpu.memory_space<hbm>>) target(%arg15 : memref<32x128xf32, #tpu.memory_space<vmem>>) target_semaphore(%arg23 : memref<!tpu.dma_semaphore, #tpu.memory_space<semaphore_mem>>)
      %dma_wait3A_558 = arith.constant 0 : i32
      %dma_wait3A_559 = arith.constant 0 : i32
      %dma_wait3A_560 = tpu.memref_slice %arg3[%dma_wait3A_558, %dma_wait3A_559] : memref<32x1000000xf32, #tpu.memory_space<hbm>> -> memref<32x128xf32, #tpu.memory_space<hbm>>
      %dma_wait3A_561 = arith.constant 0 : i32
      %dma_wait3A_562 = arith.constant 0 : i32
      %dma_wait3A_563 = tpu.memref_slice %arg3[%dma_wait3A_561, %dma_wait3A_562] : memref<32x1000000xf32, #tpu.memory_space<hbm>> -> memref<32x128xf32, #tpu.memory_space<hbm>>
      tpu.wait_dma2 semaphore(%arg23 : memref<!tpu.dma_semaphore, #tpu.memory_space<semaphore_mem>>) src(%dma_wait3A_563 : memref<32x128xf32, #tpu.memory_space<hbm>>) dst(%arg16 : memref<32x128xf32, #tpu.memory_space<vmem>>)
      %slice3A_564 = vector.extract_strided_slice %and3A_257 {offsets = [9], sizes = [1], strides = [1]} : vector<16xi32> to vector<1xi32>
      %squeeze3A_565 = vector.extract %slice3A_564[0] : i32 from vector<1xi32>
      %add3A_566 = arith.constant 9 : i32
      %add3A_567 = arith.addi %multiple_of3A_253, %add3A_566 : i32
      %broadcast_in_dim3A_568 = vector.broadcast %squeeze3A_565 : i32 to vector<16xi32>
      %gather3A_569 = tpu.vector_load_idx %arg16[%iota3A, %broadcast_in_dim3A_568] : memref<32x128xf32, #tpu.memory_space<vmem>>[vector<16xi32>, vector<16xi32>], vector<16xf32>,
      %add3A_570 = arith.constant 16 : i32
      %add3A_571 = vector.broadcast %add3A_570 : i32 to vector<16xi32>
      %add3A_572 = arith.addi %iota3A, %add3A_571 : vector<16xi32>
      %gather3A_573 = tpu.vector_load_idx %arg16[%add3A_572, %broadcast_in_dim3A_568] : memref<32x128xf32, #tpu.memory_space<vmem>>[vector<16xi32>, vector<16xi32>], vector<16xf32>,
      %mul3A_574 = arith.constant 512 : i32
      %mul3A_575 = vector.broadcast %mul3A_574 : i32 to vector<16xi32>
      %mul3A_576 = arith.muli %iota3A, %mul3A_575 : vector<16xi32>
      %add3A_577 = vector.broadcast %add3A_567 : i32 to vector<16xi32>
      %add3A_578 = arith.addi %mul3A_576, %add3A_577 : vector<16xi32>
      tpu.vector_store_idx %arg6[%add3A_578], %gather3A_569 : memref<16384xf32, #tpu.memory_space<vmem>>[vector<16xi32>], vector<16xf32>,
      %add3A_579 = arith.constant 8192 : i32
      %add3A_580 = vector.broadcast %add3A_579 : i32 to vector<16xi32>
      %add3A_581 = arith.addi %add3A_578, %add3A_580 : vector<16xi32>
      tpu.vector_store_idx %arg6[%add3A_581], %gather3A_573 : memref<16384xf32, #tpu.memory_space<vmem>>[vector<16xi32>], vector<16xf32>,
      %slice3A_582 = vector.extract_strided_slice %shift_left3A_280 {offsets = [9], sizes = [1], strides = [1]} : vector<16xi32> to vector<1xi32>
      %squeeze3A_583 = vector.extract %slice3A_582[0] : i32 from vector<1xi32>
      %multiple_of3A_584 = tpu.assume_multiple %squeeze3A_583, 128 : i32
      %dma_start3A_585 = arith.constant 0 : i32
      %dma_start3A_586 = tpu.memref_slice %arg3[%dma_start3A_585, %multiple_of3A_584] : memref<32x1000000xf32, #tpu.memory_space<hbm>> -> memref<32x128xf32, #tpu.memory_space<hbm>>
      %dma_start3A_587 = arith.constant 0 : i32
      %dma_start3A_588 = tpu.memref_slice %arg3[%dma_start3A_587, %multiple_of3A_584] : memref<32x1000000xf32, #tpu.memory_space<hbm>> -> memref<32x128xf32, #tpu.memory_space<hbm>>
      tpu.enqueue_dma source(%dma_start3A_588 : memref<32x128xf32, #tpu.memory_space<hbm>>) target(%arg16 : memref<32x128xf32, #tpu.memory_space<vmem>>) target_semaphore(%arg23 : memref<!tpu.dma_semaphore, #tpu.memory_space<semaphore_mem>>)
      %dma_wait3A_589 = arith.constant 0 : i32
      %dma_wait3A_590 = arith.constant 0 : i32
      %dma_wait3A_591 = tpu.memref_slice %arg3[%dma_wait3A_589, %dma_wait3A_590] : memref<32x1000000xf32, #tpu.memory_space<hbm>> -> memref<32x128xf32, #tpu.memory_space<hbm>>
      %dma_wait3A_592 = arith.constant 0 : i32
      %dma_wait3A_593 = arith.constant 0 : i32
      %dma_wait3A_594 = tpu.memref_slice %arg3[%dma_wait3A_592, %dma_wait3A_593] : memref<32x1000000xf32, #tpu.memory_space<hbm>> -> memref<32x128xf32, #tpu.memory_space<hbm>>
      tpu.wait_dma2 semaphore(%arg23 : memref<!tpu.dma_semaphore, #tpu.memory_space<semaphore_mem>>) src(%dma_wait3A_594 : memref<32x128xf32, #tpu.memory_space<hbm>>) dst(%arg17 : memref<32x128xf32, #tpu.memory_space<vmem>>)
      %slice3A_595 = vector.extract_strided_slice %and3A_257 {offsets = [10], sizes = [1], strides = [1]} : vector<16xi32> to vector<1xi32>
      %squeeze3A_596 = vector.extract %slice3A_595[0] : i32 from vector<1xi32>
      %add3A_597 = arith.constant 10 : i32
      %add3A_598 = arith.addi %multiple_of3A_253, %add3A_597 : i32
      %broadcast_in_dim3A_599 = vector.broadcast %squeeze3A_596 : i32 to vector<16xi32>
      %gather3A_600 = tpu.vector_load_idx %arg17[%iota3A, %broadcast_in_dim3A_599] : memref<32x128xf32, #tpu.memory_space<vmem>>[vector<16xi32>, vector<16xi32>], vector<16xf32>,
      %add3A_601 = arith.constant 16 : i32
      %add3A_602 = vector.broadcast %add3A_601 : i32 to vector<16xi32>
      %add3A_603 = arith.addi %iota3A, %add3A_602 : vector<16xi32>
      %gather3A_604 = tpu.vector_load_idx %arg17[%add3A_603, %broadcast_in_dim3A_599] : memref<32x128xf32, #tpu.memory_space<vmem>>[vector<16xi32>, vector<16xi32>], vector<16xf32>,
      %mul3A_605 = arith.constant 512 : i32
      %mul3A_606 = vector.broadcast %mul3A_605 : i32 to vector<16xi32>
      %mul3A_607 = arith.muli %iota3A, %mul3A_606 : vector<16xi32>
      %add3A_608 = vector.broadcast %add3A_598 : i32 to vector<16xi32>
      %add3A_609 = arith.addi %mul3A_607, %add3A_608 : vector<16xi32>
      tpu.vector_store_idx %arg6[%add3A_609], %gather3A_600 : memref<16384xf32, #tpu.memory_space<vmem>>[vector<16xi32>], vector<16xf32>,
      %add3A_610 = arith.constant 8192 : i32
      %add3A_611 = vector.broadcast %add3A_610 : i32 to vector<16xi32>
      %add3A_612 = arith.addi %add3A_609, %add3A_611 : vector<16xi32>
      tpu.vector_store_idx %arg6[%add3A_612], %gather3A_604 : memref<16384xf32, #tpu.memory_space<vmem>>[vector<16xi32>], vector<16xf32>,
      %slice3A_613 = vector.extract_strided_slice %shift_left3A_280 {offsets = [10], sizes = [1], strides = [1]} : vector<16xi32> to vector<1xi32>
      %squeeze3A_614 = vector.extract %slice3A_613[0] : i32 from vector<1xi32>
      %multiple_of3A_615 = tpu.assume_multiple %squeeze3A_614, 128 : i32
      %dma_start3A_616 = arith.constant 0 : i32
      %dma_start3A_617 = tpu.memref_slice %arg3[%dma_start3A_616, %multiple_of3A_615] : memref<32x1000000xf32, #tpu.memory_space<hbm>> -> memref<32x128xf32, #tpu.memory_space<hbm>>
      %dma_start3A_618 = arith.constant 0 : i32
      %dma_start3A_619 = tpu.memref_slice %arg3[%dma_start3A_618, %multiple_of3A_615] : memref<32x1000000xf32, #tpu.memory_space<hbm>> -> memref<32x128xf32, #tpu.memory_space<hbm>>
      tpu.enqueue_dma source(%dma_start3A_619 : memref<32x128xf32, #tpu.memory_space<hbm>>) target(%arg17 : memref<32x128xf32, #tpu.memory_space<vmem>>) target_semaphore(%arg23 : memref<!tpu.dma_semaphore, #tpu.memory_space<semaphore_mem>>)
      %dma_wait3A_620 = arith.constant 0 : i32
      %dma_wait3A_621 = arith.constant 0 : i32
      %dma_wait3A_622 = tpu.memref_slice %arg3[%dma_wait3A_620, %dma_wait3A_621] : memref<32x1000000xf32, #tpu.memory_space<hbm>> -> memref<32x128xf32, #tpu.memory_space<hbm>>
      %dma_wait3A_623 = arith.constant 0 : i32
      %dma_wait3A_624 = arith.constant 0 : i32
      %dma_wait3A_625 = tpu.memref_slice %arg3[%dma_wait3A_623, %dma_wait3A_624] : memref<32x1000000xf32, #tpu.memory_space<hbm>> -> memref<32x128xf32, #tpu.memory_space<hbm>>
      tpu.wait_dma2 semaphore(%arg23 : memref<!tpu.dma_semaphore, #tpu.memory_space<semaphore_mem>>) src(%dma_wait3A_625 : memref<32x128xf32, #tpu.memory_space<hbm>>) dst(%arg18 : memref<32x128xf32, #tpu.memory_space<vmem>>)
      %slice3A_626 = vector.extract_strided_slice %and3A_257 {offsets = [11], sizes = [1], strides = [1]} : vector<16xi32> to vector<1xi32>
      %squeeze3A_627 = vector.extract %slice3A_626[0] : i32 from vector<1xi32>
      %add3A_628 = arith.constant 11 : i32
      %add3A_629 = arith.addi %multiple_of3A_253, %add3A_628 : i32
      %broadcast_in_dim3A_630 = vector.broadcast %squeeze3A_627 : i32 to vector<16xi32>
      %gather3A_631 = tpu.vector_load_idx %arg18[%iota3A, %broadcast_in_dim3A_630] : memref<32x128xf32, #tpu.memory_space<vmem>>[vector<16xi32>, vector<16xi32>], vector<16xf32>,
      %add3A_632 = arith.constant 16 : i32
      %add3A_633 = vector.broadcast %add3A_632 : i32 to vector<16xi32>
      %add3A_634 = arith.addi %iota3A, %add3A_633 : vector<16xi32>
      %gather3A_635 = tpu.vector_load_idx %arg18[%add3A_634, %broadcast_in_dim3A_630] : memref<32x128xf32, #tpu.memory_space<vmem>>[vector<16xi32>, vector<16xi32>], vector<16xf32>,
      %mul3A_636 = arith.constant 512 : i32
      %mul3A_637 = vector.broadcast %mul3A_636 : i32 to vector<16xi32>
      %mul3A_638 = arith.muli %iota3A, %mul3A_637 : vector<16xi32>
      %add3A_639 = vector.broadcast %add3A_629 : i32 to vector<16xi32>
      %add3A_640 = arith.addi %mul3A_638, %add3A_639 : vector<16xi32>
      tpu.vector_store_idx %arg6[%add3A_640], %gather3A_631 : memref<16384xf32, #tpu.memory_space<vmem>>[vector<16xi32>], vector<16xf32>,
      %add3A_641 = arith.constant 8192 : i32
      %add3A_642 = vector.broadcast %add3A_641 : i32 to vector<16xi32>
      %add3A_643 = arith.addi %add3A_640, %add3A_642 : vector<16xi32>
      tpu.vector_store_idx %arg6[%add3A_643], %gather3A_635 : memref<16384xf32, #tpu.memory_space<vmem>>[vector<16xi32>], vector<16xf32>,
      %slice3A_644 = vector.extract_strided_slice %shift_left3A_280 {offsets = [11], sizes = [1], strides = [1]} : vector<16xi32> to vector<1xi32>
      %squeeze3A_645 = vector.extract %slice3A_644[0] : i32 from vector<1xi32>
      %multiple_of3A_646 = tpu.assume_multiple %squeeze3A_645, 128 : i32
      %dma_start3A_647 = arith.constant 0 : i32
      %dma_start3A_648 = tpu.memref_slice %arg3[%dma_start3A_647, %multiple_of3A_646] : memref<32x1000000xf32, #tpu.memory_space<hbm>> -> memref<32x128xf32, #tpu.memory_space<hbm>>
      %dma_start3A_649 = arith.constant 0 : i32
      %dma_start3A_650 = tpu.memref_slice %arg3[%dma_start3A_649, %multiple_of3A_646] : memref<32x1000000xf32, #tpu.memory_space<hbm>> -> memref<32x128xf32, #tpu.memory_space<hbm>>
      tpu.enqueue_dma source(%dma_start3A_650 : memref<32x128xf32, #tpu.memory_space<hbm>>) target(%arg18 : memref<32x128xf32, #tpu.memory_space<vmem>>) target_semaphore(%arg23 : memref<!tpu.dma_semaphore, #tpu.memory_space<semaphore_mem>>)
      %dma_wait3A_651 = arith.constant 0 : i32
      %dma_wait3A_652 = arith.constant 0 : i32
      %dma_wait3A_653 = tpu.memref_slice %arg3[%dma_wait3A_651, %dma_wait3A_652] : memref<32x1000000xf32, #tpu.memory_space<hbm>> -> memref<32x128xf32, #tpu.memory_space<hbm>>
      %dma_wait3A_654 = arith.constant 0 : i32
      %dma_wait3A_655 = arith.constant 0 : i32
      %dma_wait3A_656 = tpu.memref_slice %arg3[%dma_wait3A_654, %dma_wait3A_655] : memref<32x1000000xf32, #tpu.memory_space<hbm>> -> memref<32x128xf32, #tpu.memory_space<hbm>>
      tpu.wait_dma2 semaphore(%arg23 : memref<!tpu.dma_semaphore, #tpu.memory_space<semaphore_mem>>) src(%dma_wait3A_656 : memref<32x128xf32, #tpu.memory_space<hbm>>) dst(%arg19 : memref<32x128xf32, #tpu.memory_space<vmem>>)
      %slice3A_657 = vector.extract_strided_slice %and3A_257 {offsets = [12], sizes = [1], strides = [1]} : vector<16xi32> to vector<1xi32>
      %squeeze3A_658 = vector.extract %slice3A_657[0] : i32 from vector<1xi32>
      %add3A_659 = arith.constant 12 : i32
      %add3A_660 = arith.addi %multiple_of3A_253, %add3A_659 : i32
      %broadcast_in_dim3A_661 = vector.broadcast %squeeze3A_658 : i32 to vector<16xi32>
      %gather3A_662 = tpu.vector_load_idx %arg19[%iota3A, %broadcast_in_dim3A_661] : memref<32x128xf32, #tpu.memory_space<vmem>>[vector<16xi32>, vector<16xi32>], vector<16xf32>,
      %add3A_663 = arith.constant 16 : i32
      %add3A_664 = vector.broadcast %add3A_663 : i32 to vector<16xi32>
      %add3A_665 = arith.addi %iota3A, %add3A_664 : vector<16xi32>
      %gather3A_666 = tpu.vector_load_idx %arg19[%add3A_665, %broadcast_in_dim3A_661] : memref<32x128xf32, #tpu.memory_space<vmem>>[vector<16xi32>, vector<16xi32>], vector<16xf32>,
      %mul3A_667 = arith.constant 512 : i32
      %mul3A_668 = vector.broadcast %mul3A_667 : i32 to vector<16xi32>
      %mul3A_669 = arith.muli %iota3A, %mul3A_668 : vector<16xi32>
      %add3A_670 = vector.broadcast %add3A_660 : i32 to vector<16xi32>
      %add3A_671 = arith.addi %mul3A_669, %add3A_670 : vector<16xi32>
      tpu.vector_store_idx %arg6[%add3A_671], %gather3A_662 : memref<16384xf32, #tpu.memory_space<vmem>>[vector<16xi32>], vector<16xf32>,
      %add3A_672 = arith.constant 8192 : i32
      %add3A_673 = vector.broadcast %add3A_672 : i32 to vector<16xi32>
      %add3A_674 = arith.addi %add3A_671, %add3A_673 : vector<16xi32>
      tpu.vector_store_idx %arg6[%add3A_674], %gather3A_666 : memref<16384xf32, #tpu.memory_space<vmem>>[vector<16xi32>], vector<16xf32>,
      %slice3A_675 = vector.extract_strided_slice %shift_left3A_280 {offsets = [12], sizes = [1], strides = [1]} : vector<16xi32> to vector<1xi32>
      %squeeze3A_676 = vector.extract %slice3A_675[0] : i32 from vector<1xi32>
      %multiple_of3A_677 = tpu.assume_multiple %squeeze3A_676, 128 : i32
      %dma_start3A_678 = arith.constant 0 : i32
      %dma_start3A_679 = tpu.memref_slice %arg3[%dma_start3A_678, %multiple_of3A_677] : memref<32x1000000xf32, #tpu.memory_space<hbm>> -> memref<32x128xf32, #tpu.memory_space<hbm>>
      %dma_start3A_680 = arith.constant 0 : i32
      %dma_start3A_681 = tpu.memref_slice %arg3[%dma_start3A_680, %multiple_of3A_677] : memref<32x1000000xf32, #tpu.memory_space<hbm>> -> memref<32x128xf32, #tpu.memory_space<hbm>>
      tpu.enqueue_dma source(%dma_start3A_681 : memref<32x128xf32, #tpu.memory_space<hbm>>) target(%arg19 : memref<32x128xf32, #tpu.memory_space<vmem>>) target_semaphore(%arg23 : memref<!tpu.dma_semaphore, #tpu.memory_space<semaphore_mem>>)
      %dma_wait3A_682 = arith.constant 0 : i32
      %dma_wait3A_683 = arith.constant 0 : i32
      %dma_wait3A_684 = tpu.memref_slice %arg3[%dma_wait3A_682, %dma_wait3A_683] : memref<32x1000000xf32, #tpu.memory_space<hbm>> -> memref<32x128xf32, #tpu.memory_space<hbm>>
      %dma_wait3A_685 = arith.constant 0 : i32
      %dma_wait3A_686 = arith.constant 0 : i32
      %dma_wait3A_687 = tpu.memref_slice %arg3[%dma_wait3A_685, %dma_wait3A_686] : memref<32x1000000xf32, #tpu.memory_space<hbm>> -> memref<32x128xf32, #tpu.memory_space<hbm>>
      tpu.wait_dma2 semaphore(%arg23 : memref<!tpu.dma_semaphore, #tpu.memory_space<semaphore_mem>>) src(%dma_wait3A_687 : memref<32x128xf32, #tpu.memory_space<hbm>>) dst(%arg20 : memref<32x128xf32, #tpu.memory_space<vmem>>)
      %slice3A_688 = vector.extract_strided_slice %and3A_257 {offsets = [13], sizes = [1], strides = [1]} : vector<16xi32> to vector<1xi32>
      %squeeze3A_689 = vector.extract %slice3A_688[0] : i32 from vector<1xi32>
      %add3A_690 = arith.constant 13 : i32
      %add3A_691 = arith.addi %multiple_of3A_253, %add3A_690 : i32
      %broadcast_in_dim3A_692 = vector.broadcast %squeeze3A_689 : i32 to vector<16xi32>
      %gather3A_693 = tpu.vector_load_idx %arg20[%iota3A, %broadcast_in_dim3A_692] : memref<32x128xf32, #tpu.memory_space<vmem>>[vector<16xi32>, vector<16xi32>], vector<16xf32>,
      %add3A_694 = arith.constant 16 : i32
      %add3A_695 = vector.broadcast %add3A_694 : i32 to vector<16xi32>
      %add3A_696 = arith.addi %iota3A, %add3A_695 : vector<16xi32>
      %gather3A_697 = tpu.vector_load_idx %arg20[%add3A_696, %broadcast_in_dim3A_692] : memref<32x128xf32, #tpu.memory_space<vmem>>[vector<16xi32>, vector<16xi32>], vector<16xf32>,
      %mul3A_698 = arith.constant 512 : i32
      %mul3A_699 = vector.broadcast %mul3A_698 : i32 to vector<16xi32>
      %mul3A_700 = arith.muli %iota3A, %mul3A_699 : vector<16xi32>
      %add3A_701 = vector.broadcast %add3A_691 : i32 to vector<16xi32>
      %add3A_702 = arith.addi %mul3A_700, %add3A_701 : vector<16xi32>
      tpu.vector_store_idx %arg6[%add3A_702], %gather3A_693 : memref<16384xf32, #tpu.memory_space<vmem>>[vector<16xi32>], vector<16xf32>,
      %add3A_703 = arith.constant 8192 : i32
      %add3A_704 = vector.broadcast %add3A_703 : i32 to vector<16xi32>
      %add3A_705 = arith.addi %add3A_702, %add3A_704 : vector<16xi32>
      tpu.vector_store_idx %arg6[%add3A_705], %gather3A_697 : memref<16384xf32, #tpu.memory_space<vmem>>[vector<16xi32>], vector<16xf32>,
      %slice3A_706 = vector.extract_strided_slice %shift_left3A_280 {offsets = [13], sizes = [1], strides = [1]} : vector<16xi32> to vector<1xi32>
      %squeeze3A_707 = vector.extract %slice3A_706[0] : i32 from vector<1xi32>
      %multiple_of3A_708 = tpu.assume_multiple %squeeze3A_707, 128 : i32
      %dma_start3A_709 = arith.constant 0 : i32
      %dma_start3A_710 = tpu.memref_slice %arg3[%dma_start3A_709, %multiple_of3A_708] : memref<32x1000000xf32, #tpu.memory_space<hbm>> -> memref<32x128xf32, #tpu.memory_space<hbm>>
      %dma_start3A_711 = arith.constant 0 : i32
      %dma_start3A_712 = tpu.memref_slice %arg3[%dma_start3A_711, %multiple_of3A_708] : memref<32x1000000xf32, #tpu.memory_space<hbm>> -> memref<32x128xf32, #tpu.memory_space<hbm>>
      tpu.enqueue_dma source(%dma_start3A_712 : memref<32x128xf32, #tpu.memory_space<hbm>>) target(%arg20 : memref<32x128xf32, #tpu.memory_space<vmem>>) target_semaphore(%arg23 : memref<!tpu.dma_semaphore, #tpu.memory_space<semaphore_mem>>)
      %dma_wait3A_713 = arith.constant 0 : i32
      %dma_wait3A_714 = arith.constant 0 : i32
      %dma_wait3A_715 = tpu.memref_slice %arg3[%dma_wait3A_713, %dma_wait3A_714] : memref<32x1000000xf32, #tpu.memory_space<hbm>> -> memref<32x128xf32, #tpu.memory_space<hbm>>
      %dma_wait3A_716 = arith.constant 0 : i32
      %dma_wait3A_717 = arith.constant 0 : i32
      %dma_wait3A_718 = tpu.memref_slice %arg3[%dma_wait3A_716, %dma_wait3A_717] : memref<32x1000000xf32, #tpu.memory_space<hbm>> -> memref<32x128xf32, #tpu.memory_space<hbm>>
      tpu.wait_dma2 semaphore(%arg23 : memref<!tpu.dma_semaphore, #tpu.memory_space<semaphore_mem>>) src(%dma_wait3A_718 : memref<32x128xf32, #tpu.memory_space<hbm>>) dst(%arg21 : memref<32x128xf32, #tpu.memory_space<vmem>>)
      %slice3A_719 = vector.extract_strided_slice %and3A_257 {offsets = [14], sizes = [1], strides = [1]} : vector<16xi32> to vector<1xi32>
      %squeeze3A_720 = vector.extract %slice3A_719[0] : i32 from vector<1xi32>
      %add3A_721 = arith.constant 14 : i32
      %add3A_722 = arith.addi %multiple_of3A_253, %add3A_721 : i32
      %broadcast_in_dim3A_723 = vector.broadcast %squeeze3A_720 : i32 to vector<16xi32>
      %gather3A_724 = tpu.vector_load_idx %arg21[%iota3A, %broadcast_in_dim3A_723] : memref<32x128xf32, #tpu.memory_space<vmem>>[vector<16xi32>, vector<16xi32>], vector<16xf32>,
      %add3A_725 = arith.constant 16 : i32
      %add3A_726 = vector.broadcast %add3A_725 : i32 to vector<16xi32>
      %add3A_727 = arith.addi %iota3A, %add3A_726 : vector<16xi32>
      %gather3A_728 = tpu.vector_load_idx %arg21[%add3A_727, %broadcast_in_dim3A_723] : memref<32x128xf32, #tpu.memory_space<vmem>>[vector<16xi32>, vector<16xi32>], vector<16xf32>,
      %mul3A_729 = arith.constant 512 : i32
      %mul3A_730 = vector.broadcast %mul3A_729 : i32 to vector<16xi32>
      %mul3A_731 = arith.muli %iota3A, %mul3A_730 : vector<16xi32>
      %add3A_732 = vector.broadcast %add3A_722 : i32 to vector<16xi32>
      %add3A_733 = arith.addi %mul3A_731, %add3A_732 : vector<16xi32>
      tpu.vector_store_idx %arg6[%add3A_733], %gather3A_724 : memref<16384xf32, #tpu.memory_space<vmem>>[vector<16xi32>], vector<16xf32>,
      %add3A_734 = arith.constant 8192 : i32
      %add3A_735 = vector.broadcast %add3A_734 : i32 to vector<16xi32>
      %add3A_736 = arith.addi %add3A_733, %add3A_735 : vector<16xi32>
      tpu.vector_store_idx %arg6[%add3A_736], %gather3A_728 : memref<16384xf32, #tpu.memory_space<vmem>>[vector<16xi32>], vector<16xf32>,
      %slice3A_737 = vector.extract_strided_slice %shift_left3A_280 {offsets = [14], sizes = [1], strides = [1]} : vector<16xi32> to vector<1xi32>
      %squeeze3A_738 = vector.extract %slice3A_737[0] : i32 from vector<1xi32>
      %multiple_of3A_739 = tpu.assume_multiple %squeeze3A_738, 128 : i32
      %dma_start3A_740 = arith.constant 0 : i32
      %dma_start3A_741 = tpu.memref_slice %arg3[%dma_start3A_740, %multiple_of3A_739] : memref<32x1000000xf32, #tpu.memory_space<hbm>> -> memref<32x128xf32, #tpu.memory_space<hbm>>
      %dma_start3A_742 = arith.constant 0 : i32
      %dma_start3A_743 = tpu.memref_slice %arg3[%dma_start3A_742, %multiple_of3A_739] : memref<32x1000000xf32, #tpu.memory_space<hbm>> -> memref<32x128xf32, #tpu.memory_space<hbm>>
      tpu.enqueue_dma source(%dma_start3A_743 : memref<32x128xf32, #tpu.memory_space<hbm>>) target(%arg21 : memref<32x128xf32, #tpu.memory_space<vmem>>) target_semaphore(%arg23 : memref<!tpu.dma_semaphore, #tpu.memory_space<semaphore_mem>>)
      %dma_wait3A_744 = arith.constant 0 : i32
      %dma_wait3A_745 = arith.constant 0 : i32
      %dma_wait3A_746 = tpu.memref_slice %arg3[%dma_wait3A_744, %dma_wait3A_745] : memref<32x1000000xf32, #tpu.memory_space<hbm>> -> memref<32x128xf32, #tpu.memory_space<hbm>>
      %dma_wait3A_747 = arith.constant 0 : i32
      %dma_wait3A_748 = arith.constant 0 : i32
      %dma_wait3A_749 = tpu.memref_slice %arg3[%dma_wait3A_747, %dma_wait3A_748] : memref<32x1000000xf32, #tpu.memory_space<hbm>> -> memref<32x128xf32, #tpu.memory_space<hbm>>
      tpu.wait_dma2 semaphore(%arg23 : memref<!tpu.dma_semaphore, #tpu.memory_space<semaphore_mem>>) src(%dma_wait3A_749 : memref<32x128xf32, #tpu.memory_space<hbm>>) dst(%arg22 : memref<32x128xf32, #tpu.memory_space<vmem>>)
      %slice3A_750 = vector.extract_strided_slice %and3A_257 {offsets = [15], sizes = [1], strides = [1]} : vector<16xi32> to vector<1xi32>
      %squeeze3A_751 = vector.extract %slice3A_750[0] : i32 from vector<1xi32>
      %add3A_752 = arith.constant 15 : i32
      %add3A_753 = arith.addi %multiple_of3A_253, %add3A_752 : i32
      %broadcast_in_dim3A_754 = vector.broadcast %squeeze3A_751 : i32 to vector<16xi32>
      %gather3A_755 = tpu.vector_load_idx %arg22[%iota3A, %broadcast_in_dim3A_754] : memref<32x128xf32, #tpu.memory_space<vmem>>[vector<16xi32>, vector<16xi32>], vector<16xf32>,
      %add3A_756 = arith.constant 16 : i32
      %add3A_757 = vector.broadcast %add3A_756 : i32 to vector<16xi32>
      %add3A_758 = arith.addi %iota3A, %add3A_757 : vector<16xi32>
      %gather3A_759 = tpu.vector_load_idx %arg22[%add3A_758, %broadcast_in_dim3A_754] : memref<32x128xf32, #tpu.memory_space<vmem>>[vector<16xi32>, vector<16xi32>], vector<16xf32>,
      %mul3A_760 = arith.constant 512 : i32
      %mul3A_761 = vector.broadcast %mul3A_760 : i32 to vector<16xi32>
      %mul3A_762 = arith.muli %iota3A, %mul3A_761 : vector<16xi32>
      %add3A_763 = vector.broadcast %add3A_753 : i32 to vector<16xi32>
      %add3A_764 = arith.addi %mul3A_762, %add3A_763 : vector<16xi32>
      tpu.vector_store_idx %arg6[%add3A_764], %gather3A_755 : memref<16384xf32, #tpu.memory_space<vmem>>[vector<16xi32>], vector<16xf32>,
      %add3A_765 = arith.constant 8192 : i32
      %add3A_766 = vector.broadcast %add3A_765 : i32 to vector<16xi32>
      %add3A_767 = arith.addi %add3A_764, %add3A_766 : vector<16xi32>
      tpu.vector_store_idx %arg6[%add3A_767], %gather3A_759 : memref<16384xf32, #tpu.memory_space<vmem>>[vector<16xi32>], vector<16xf32>,
      %slice3A_768 = vector.extract_strided_slice %shift_left3A_280 {offsets = [15], sizes = [1], strides = [1]} : vector<16xi32> to vector<1xi32>
      %squeeze3A_769 = vector.extract %slice3A_768[0] : i32 from vector<1xi32>
      %multiple_of3A_770 = tpu.assume_multiple %squeeze3A_769, 128 : i32
      %dma_start3A_771 = arith.constant 0 : i32
      %dma_start3A_772 = tpu.memref_slice %arg3[%dma_start3A_771, %multiple_of3A_770] : memref<32x1000000xf32, #tpu.memory_space<hbm>> -> memref<32x128xf32, #tpu.memory_space<hbm>>
      %dma_start3A_773 = arith.constant 0 : i32
      %dma_start3A_774 = tpu.memref_slice %arg3[%dma_start3A_773, %multiple_of3A_770] : memref<32x1000000xf32, #tpu.memory_space<hbm>> -> memref<32x128xf32, #tpu.memory_space<hbm>>
      tpu.enqueue_dma source(%dma_start3A_774 : memref<32x128xf32, #tpu.memory_space<hbm>>) target(%arg22 : memref<32x128xf32, #tpu.memory_space<vmem>>) target_semaphore(%arg23 : memref<!tpu.dma_semaphore, #tpu.memory_space<semaphore_mem>>)
    }
    %scan3A_123 = arith.constant 32 : i32
    %dma_wait3A = arith.constant 0 : i32
    %dma_wait3A_124 = arith.constant 0 : i32
    %dma_wait3A_125 = tpu.memref_slice %arg3[%dma_wait3A, %dma_wait3A_124] : memref<32x1000000xf32, #tpu.memory_space<hbm>> -> memref<32x128xf32, #tpu.memory_space<hbm>>
    %dma_wait3A_126 = arith.constant 0 : i32
    %dma_wait3A_127 = arith.constant 0 : i32
    %dma_wait3A_128 = tpu.memref_slice %arg3[%dma_wait3A_126, %dma_wait3A_127] : memref<32x1000000xf32, #tpu.memory_space<hbm>> -> memref<32x128xf32, #tpu.memory_space<hbm>>
    tpu.wait_dma2 semaphore(%arg23 : memref<!tpu.dma_semaphore, #tpu.memory_space<semaphore_mem>>) src(%dma_wait3A_128 : memref<32x128xf32, #tpu.memory_space<hbm>>) dst(%arg7 : memref<32x128xf32, #tpu.memory_space<vmem>>)
    %dma_wait3A_129 = arith.constant 0 : i32
    %dma_wait3A_130 = arith.constant 0 : i32
    %dma_wait3A_131 = tpu.memref_slice %arg3[%dma_wait3A_129, %dma_wait3A_130] : memref<32x1000000xf32, #tpu.memory_space<hbm>> -> memref<32x128xf32, #tpu.memory_space<hbm>>
    %dma_wait3A_132 = arith.constant 0 : i32
    %dma_wait3A_133 = arith.constant 0 : i32
    %dma_wait3A_134 = tpu.memref_slice %arg3[%dma_wait3A_132, %dma_wait3A_133] : memref<32x1000000xf32, #tpu.memory_space<hbm>> -> memref<32x128xf32, #tpu.memory_space<hbm>>
    tpu.wait_dma2 semaphore(%arg23 : memref<!tpu.dma_semaphore, #tpu.memory_space<semaphore_mem>>) src(%dma_wait3A_134 : memref<32x128xf32, #tpu.memory_space<hbm>>) dst(%arg8 : memref<32x128xf32, #tpu.memory_space<vmem>>)
    %dma_wait3A_135 = arith.constant 0 : i32
    %dma_wait3A_136 = arith.constant 0 : i32
    %dma_wait3A_137 = tpu.memref_slice %arg3[%dma_wait3A_135, %dma_wait3A_136] : memref<32x1000000xf32, #tpu.memory_space<hbm>> -> memref<32x128xf32, #tpu.memory_space<hbm>>
    %dma_wait3A_138 = arith.constant 0 : i32
    %dma_wait3A_139 = arith.constant 0 : i32
    %dma_wait3A_140 = tpu.memref_slice %arg3[%dma_wait3A_138, %dma_wait3A_139] : memref<32x1000000xf32, #tpu.memory_space<hbm>> -> memref<32x128xf32, #tpu.memory_space<hbm>>
    tpu.wait_dma2 semaphore(%arg23 : memref<!tpu.dma_semaphore, #tpu.memory_space<semaphore_mem>>) src(%dma_wait3A_140 : memref<32x128xf32, #tpu.memory_space<hbm>>) dst(%arg9 : memref<32x128xf32, #tpu.memory_space<vmem>>)
    %dma_wait3A_141 = arith.constant 0 : i32
    %dma_wait3A_142 = arith.constant 0 : i32
    %dma_wait3A_143 = tpu.memref_slice %arg3[%dma_wait3A_141, %dma_wait3A_142] : memref<32x1000000xf32, #tpu.memory_space<hbm>> -> memref<32x128xf32, #tpu.memory_space<hbm>>
    %dma_wait3A_144 = arith.constant 0 : i32
    %dma_wait3A_145 = arith.constant 0 : i32
    %dma_wait3A_146 = tpu.memref_slice %arg3[%dma_wait3A_144, %dma_wait3A_145] : memref<32x1000000xf32, #tpu.memory_space<hbm>> -> memref<32x128xf32, #tpu.memory_space<hbm>>
    tpu.wait_dma2 semaphore(%arg23 : memref<!tpu.dma_semaphore, #tpu.memory_space<semaphore_mem>>) src(%dma_wait3A_146 : memref<32x128xf32, #tpu.memory_space<hbm>>) dst(%arg10 : memref<32x128xf32, #tpu.memory_space<vmem>>)
    %dma_wait3A_147 = arith.constant 0 : i32
    %dma_wait3A_148 = arith.constant 0 : i32
    %dma_wait3A_149 = tpu.memref_slice %arg3[%dma_wait3A_147, %dma_wait3A_148] : memref<32x1000000xf32, #tpu.memory_space<hbm>> -> memref<32x128xf32, #tpu.memory_space<hbm>>
    %dma_wait3A_150 = arith.constant 0 : i32
    %dma_wait3A_151 = arith.constant 0 : i32
    %dma_wait3A_152 = tpu.memref_slice %arg3[%dma_wait3A_150, %dma_wait3A_151] : memref<32x1000000xf32, #tpu.memory_space<hbm>> -> memref<32x128xf32, #tpu.memory_space<hbm>>
    tpu.wait_dma2 semaphore(%arg23 : memref<!tpu.dma_semaphore, #tpu.memory_space<semaphore_mem>>) src(%dma_wait3A_152 : memref<32x128xf32, #tpu.memory_space<hbm>>) dst(%arg11 : memref<32x128xf32, #tpu.memory_space<vmem>>)
    %dma_wait3A_153 = arith.constant 0 : i32
    %dma_wait3A_154 = arith.constant 0 : i32
    %dma_wait3A_155 = tpu.memref_slice %arg3[%dma_wait3A_153, %dma_wait3A_154] : memref<32x1000000xf32, #tpu.memory_space<hbm>> -> memref<32x128xf32, #tpu.memory_space<hbm>>
    %dma_wait3A_156 = arith.constant 0 : i32
    %dma_wait3A_157 = arith.constant 0 : i32
    %dma_wait3A_158 = tpu.memref_slice %arg3[%dma_wait3A_156, %dma_wait3A_157] : memref<32x1000000xf32, #tpu.memory_space<hbm>> -> memref<32x128xf32, #tpu.memory_space<hbm>>
    tpu.wait_dma2 semaphore(%arg23 : memref<!tpu.dma_semaphore, #tpu.memory_space<semaphore_mem>>) src(%dma_wait3A_158 : memref<32x128xf32, #tpu.memory_space<hbm>>) dst(%arg12 : memref<32x128xf32, #tpu.memory_space<vmem>>)
    %dma_wait3A_159 = arith.constant 0 : i32
    %dma_wait3A_160 = arith.constant 0 : i32
    %dma_wait3A_161 = tpu.memref_slice %arg3[%dma_wait3A_159, %dma_wait3A_160] : memref<32x1000000xf32, #tpu.memory_space<hbm>> -> memref<32x128xf32, #tpu.memory_space<hbm>>
    %dma_wait3A_162 = arith.constant 0 : i32
    %dma_wait3A_163 = arith.constant 0 : i32
    %dma_wait3A_164 = tpu.memref_slice %arg3[%dma_wait3A_162, %dma_wait3A_163] : memref<32x1000000xf32, #tpu.memory_space<hbm>> -> memref<32x128xf32, #tpu.memory_space<hbm>>
    tpu.wait_dma2 semaphore(%arg23 : memref<!tpu.dma_semaphore, #tpu.memory_space<semaphore_mem>>) src(%dma_wait3A_164 : memref<32x128xf32, #tpu.memory_space<hbm>>) dst(%arg13 : memref<32x128xf32, #tpu.memory_space<vmem>>)
    %dma_wait3A_165 = arith.constant 0 : i32
    %dma_wait3A_166 = arith.constant 0 : i32
    %dma_wait3A_167 = tpu.memref_slice %arg3[%dma_wait3A_165, %dma_wait3A_166] : memref<32x1000000xf32, #tpu.memory_space<hbm>> -> memref<32x128xf32, #tpu.memory_space<hbm>>
    %dma_wait3A_168 = arith.constant 0 : i32
    %dma_wait3A_169 = arith.constant 0 : i32
    %dma_wait3A_170 = tpu.memref_slice %arg3[%dma_wait3A_168, %dma_wait3A_169] : memref<32x1000000xf32, #tpu.memory_space<hbm>> -> memref<32x128xf32, #tpu.memory_space<hbm>>
    tpu.wait_dma2 semaphore(%arg23 : memref<!tpu.dma_semaphore, #tpu.memory_space<semaphore_mem>>) src(%dma_wait3A_170 : memref<32x128xf32, #tpu.memory_space<hbm>>) dst(%arg14 : memref<32x128xf32, #tpu.memory_space<vmem>>)
    %dma_wait3A_171 = arith.constant 0 : i32
    %dma_wait3A_172 = arith.constant 0 : i32
    %dma_wait3A_173 = tpu.memref_slice %arg3[%dma_wait3A_171, %dma_wait3A_172] : memref<32x1000000xf32, #tpu.memory_space<hbm>> -> memref<32x128xf32, #tpu.memory_space<hbm>>
    %dma_wait3A_174 = arith.constant 0 : i32
    %dma_wait3A_175 = arith.constant 0 : i32
    %dma_wait3A_176 = tpu.memref_slice %arg3[%dma_wait3A_174, %dma_wait3A_175] : memref<32x1000000xf32, #tpu.memory_space<hbm>> -> memref<32x128xf32, #tpu.memory_space<hbm>>
    tpu.wait_dma2 semaphore(%arg23 : memref<!tpu.dma_semaphore, #tpu.memory_space<semaphore_mem>>) src(%dma_wait3A_176 : memref<32x128xf32, #tpu.memory_space<hbm>>) dst(%arg15 : memref<32x128xf32, #tpu.memory_space<vmem>>)
    %dma_wait3A_177 = arith.constant 0 : i32
    %dma_wait3A_178 = arith.constant 0 : i32
    %dma_wait3A_179 = tpu.memref_slice %arg3[%dma_wait3A_177, %dma_wait3A_178] : memref<32x1000000xf32, #tpu.memory_space<hbm>> -> memref<32x128xf32, #tpu.memory_space<hbm>>
    %dma_wait3A_180 = arith.constant 0 : i32
    %dma_wait3A_181 = arith.constant 0 : i32
    %dma_wait3A_182 = tpu.memref_slice %arg3[%dma_wait3A_180, %dma_wait3A_181] : memref<32x1000000xf32, #tpu.memory_space<hbm>> -> memref<32x128xf32, #tpu.memory_space<hbm>>
    tpu.wait_dma2 semaphore(%arg23 : memref<!tpu.dma_semaphore, #tpu.memory_space<semaphore_mem>>) src(%dma_wait3A_182 : memref<32x128xf32, #tpu.memory_space<hbm>>) dst(%arg16 : memref<32x128xf32, #tpu.memory_space<vmem>>)
    %dma_wait3A_183 = arith.constant 0 : i32
    %dma_wait3A_184 = arith.constant 0 : i32
    %dma_wait3A_185 = tpu.memref_slice %arg3[%dma_wait3A_183, %dma_wait3A_184] : memref<32x1000000xf32, #tpu.memory_space<hbm>> -> memref<32x128xf32, #tpu.memory_space<hbm>>
    %dma_wait3A_186 = arith.constant 0 : i32
    %dma_wait3A_187 = arith.constant 0 : i32
    %dma_wait3A_188 = tpu.memref_slice %arg3[%dma_wait3A_186, %dma_wait3A_187] : memref<32x1000000xf32, #tpu.memory_space<hbm>> -> memref<32x128xf32, #tpu.memory_space<hbm>>
    tpu.wait_dma2 semaphore(%arg23 : memref<!tpu.dma_semaphore, #tpu.memory_space<semaphore_mem>>) src(%dma_wait3A_188 : memref<32x128xf32, #tpu.memory_space<hbm>>) dst(%arg17 : memref<32x128xf32, #tpu.memory_space<vmem>>)
    %dma_wait3A_189 = arith.constant 0 : i32
    %dma_wait3A_190 = arith.constant 0 : i32
    %dma_wait3A_191 = tpu.memref_slice %arg3[%dma_wait3A_189, %dma_wait3A_190] : memref<32x1000000xf32, #tpu.memory_space<hbm>> -> memref<32x128xf32, #tpu.memory_space<hbm>>
    %dma_wait3A_192 = arith.constant 0 : i32
    %dma_wait3A_193 = arith.constant 0 : i32
    %dma_wait3A_194 = tpu.memref_slice %arg3[%dma_wait3A_192, %dma_wait3A_193] : memref<32x1000000xf32, #tpu.memory_space<hbm>> -> memref<32x128xf32, #tpu.memory_space<hbm>>
    tpu.wait_dma2 semaphore(%arg23 : memref<!tpu.dma_semaphore, #tpu.memory_space<semaphore_mem>>) src(%dma_wait3A_194 : memref<32x128xf32, #tpu.memory_space<hbm>>) dst(%arg18 : memref<32x128xf32, #tpu.memory_space<vmem>>)
    %dma_wait3A_195 = arith.constant 0 : i32
    %dma_wait3A_196 = arith.constant 0 : i32
    %dma_wait3A_197 = tpu.memref_slice %arg3[%dma_wait3A_195, %dma_wait3A_196] : memref<32x1000000xf32, #tpu.memory_space<hbm>> -> memref<32x128xf32, #tpu.memory_space<hbm>>
    %dma_wait3A_198 = arith.constant 0 : i32
    %dma_wait3A_199 = arith.constant 0 : i32
    %dma_wait3A_200 = tpu.memref_slice %arg3[%dma_wait3A_198, %dma_wait3A_199] : memref<32x1000000xf32, #tpu.memory_space<hbm>> -> memref<32x128xf32, #tpu.memory_space<hbm>>
    tpu.wait_dma2 semaphore(%arg23 : memref<!tpu.dma_semaphore, #tpu.memory_space<semaphore_mem>>) src(%dma_wait3A_200 : memref<32x128xf32, #tpu.memory_space<hbm>>) dst(%arg19 : memref<32x128xf32, #tpu.memory_space<vmem>>)
    %dma_wait3A_201 = arith.constant 0 : i32
    %dma_wait3A_202 = arith.constant 0 : i32
    %dma_wait3A_203 = tpu.memref_slice %arg3[%dma_wait3A_201, %dma_wait3A_202] : memref<32x1000000xf32, #tpu.memory_space<hbm>> -> memref<32x128xf32, #tpu.memory_space<hbm>>
    %dma_wait3A_204 = arith.constant 0 : i32
    %dma_wait3A_205 = arith.constant 0 : i32
    %dma_wait3A_206 = tpu.memref_slice %arg3[%dma_wait3A_204, %dma_wait3A_205] : memref<32x1000000xf32, #tpu.memory_space<hbm>> -> memref<32x128xf32, #tpu.memory_space<hbm>>
    tpu.wait_dma2 semaphore(%arg23 : memref<!tpu.dma_semaphore, #tpu.memory_space<semaphore_mem>>) src(%dma_wait3A_206 : memref<32x128xf32, #tpu.memory_space<hbm>>) dst(%arg20 : memref<32x128xf32, #tpu.memory_space<vmem>>)
    %dma_wait3A_207 = arith.constant 0 : i32
    %dma_wait3A_208 = arith.constant 0 : i32
    %dma_wait3A_209 = tpu.memref_slice %arg3[%dma_wait3A_207, %dma_wait3A_208] : memref<32x1000000xf32, #tpu.memory_space<hbm>> -> memref<32x128xf32, #tpu.memory_space<hbm>>
    %dma_wait3A_210 = arith.constant 0 : i32
    %dma_wait3A_211 = arith.constant 0 : i32
    %dma_wait3A_212 = tpu.memref_slice %arg3[%dma_wait3A_210, %dma_wait3A_211] : memref<32x1000000xf32, #tpu.memory_space<hbm>> -> memref<32x128xf32, #tpu.memory_space<hbm>>
    tpu.wait_dma2 semaphore(%arg23 : memref<!tpu.dma_semaphore, #tpu.memory_space<semaphore_mem>>) src(%dma_wait3A_212 : memref<32x128xf32, #tpu.memory_space<hbm>>) dst(%arg21 : memref<32x128xf32, #tpu.memory_space<vmem>>)
    %dma_wait3A_213 = arith.constant 0 : i32
    %dma_wait3A_214 = arith.constant 0 : i32
    %dma_wait3A_215 = tpu.memref_slice %arg3[%dma_wait3A_213, %dma_wait3A_214] : memref<32x1000000xf32, #tpu.memory_space<hbm>> -> memref<32x128xf32, #tpu.memory_space<hbm>>
    %dma_wait3A_216 = arith.constant 0 : i32
    %dma_wait3A_217 = arith.constant 0 : i32
    %dma_wait3A_218 = tpu.memref_slice %arg3[%dma_wait3A_216, %dma_wait3A_217] : memref<32x1000000xf32, #tpu.memory_space<hbm>> -> memref<32x128xf32, #tpu.memory_space<hbm>>
    tpu.wait_dma2 semaphore(%arg23 : memref<!tpu.dma_semaphore, #tpu.memory_space<semaphore_mem>>) src(%dma_wait3A_218 : memref<32x128xf32, #tpu.memory_space<hbm>>) dst(%arg22 : memref<32x128xf32, #tpu.memory_space<vmem>>)
    %run_scoped3A = arith.constant 0 : i32
    "tpu.region"() ({
      %run_scoped3A_250 = tpu.sem_alloc : memref<!tpu.dma_semaphore, #tpu.memory_space<semaphore_mem>>
      %dma_start3A_251 = arith.constant 0 : i32
      %dma_start3A_252 = tpu.memref_slice %arg6[%dma_start3A_251] : memref<16384xf32, #tpu.memory_space<vmem>> -> memref<512xf32, #tpu.memory_space<vmem>>
      %dma_start3A_253 = tpu.memref_slice %arg4[%run_scoped3A, %multiple_of3A] : memref<32x16384xf32, #tpu.memory_space<hbm>> -> memref<1x512xf32, #tpu.memory_space<hbm>>
      %dma_start3A_254 = tpu.memref_squeeze %dma_start3A_253 : memref<1x512xf32, #tpu.memory_space<hbm>> -> memref<512xf32, #tpu.memory_space<hbm>>
      %dma_start3A_255 = tpu.memref_slice %arg4[%run_scoped3A, %multiple_of3A] : memref<32x16384xf32, #tpu.memory_space<hbm>> -> memref<1x512xf32, #tpu.memory_space<hbm>>
      %dma_start3A_256 = tpu.memref_squeeze %dma_start3A_255 : memref<1x512xf32, #tpu.memory_space<hbm>> -> memref<512xf32, #tpu.memory_space<hbm>>
      %dma_start3A_257 = arith.constant 0 : i32
      %dma_start3A_258 = tpu.memref_slice %arg6[%dma_start3A_257] : memref<16384xf32, #tpu.memory_space<vmem>> -> memref<512xf32, #tpu.memory_space<vmem>>
      tpu.enqueue_dma source(%dma_start3A_258 : memref<512xf32, #tpu.memory_space<vmem>>) target(%dma_start3A_256 : memref<512xf32, #tpu.memory_space<hbm>>) target_semaphore(%run_scoped3A_250 : memref<!tpu.dma_semaphore, #tpu.memory_space<semaphore_mem>>)
      %dma_wait3A_259 = arith.constant 0 : i32
      %dma_wait3A_260 = tpu.memref_slice %arg6[%dma_wait3A_259] : memref<16384xf32, #tpu.memory_space<vmem>> -> memref<512xf32, #tpu.memory_space<vmem>>
      %dma_wait3A_261 = tpu.memref_slice %arg4[%run_scoped3A, %multiple_of3A] : memref<32x16384xf32, #tpu.memory_space<hbm>> -> memref<1x512xf32, #tpu.memory_space<hbm>>
      %dma_wait3A_262 = tpu.memref_squeeze %dma_wait3A_261 : memref<1x512xf32, #tpu.memory_space<hbm>> -> memref<512xf32, #tpu.memory_space<hbm>>
      %dma_wait3A_263 = tpu.memref_slice %arg4[%run_scoped3A, %multiple_of3A] : memref<32x16384xf32, #tpu.memory_space<hbm>> -> memref<1x512xf32, #tpu.memory_space<hbm>>
      %dma_wait3A_264 = tpu.memref_squeeze %dma_wait3A_263 : memref<1x512xf32, #tpu.memory_space<hbm>> -> memref<512xf32, #tpu.memory_space<hbm>>
      %dma_wait3A_265 = arith.constant 0 : i32
      %dma_wait3A_266 = tpu.memref_slice %arg6[%dma_wait3A_265] : memref<16384xf32, #tpu.memory_space<vmem>> -> memref<512xf32, #tpu.memory_space<vmem>>
      tpu.wait_dma2 semaphore(%run_scoped3A_250 : memref<!tpu.dma_semaphore, #tpu.memory_space<semaphore_mem>>) src(%dma_wait3A_266 : memref<512xf32, #tpu.memory_space<vmem>>) dst(%dma_wait3A_264 : memref<512xf32, #tpu.memory_space<hbm>>)
      tpu.yield
    }) : () -> ()
    %run_scoped3A_219 = arith.constant 1 : i32
    "tpu.region"() ({
      %run_scoped3A_250 = tpu.sem_alloc : memref<!tpu.dma_semaphore, #tpu.memory_space<semaphore_mem>>
      %dma_start3A_251 = arith.constant 512 : i32
      %dma_start3A_252 = tpu.memref_slice %arg6[%dma_start3A_251] : memref<16384xf32, #tpu.memory_space<vmem>> -> memref<512xf32, #tpu.memory_space<vmem>>
      %dma_start3A_253 = tpu.memref_slice %arg4[%run_scoped3A_219, %multiple_of3A] : memref<32x16384xf32, #tpu.memory_space<hbm>> -> memref<1x512xf32, #tpu.memory_space<hbm>>
      %dma_start3A_254 = tpu.memref_squeeze %dma_start3A_253 : memref<1x512xf32, #tpu.memory_space<hbm>> -> memref<512xf32, #tpu.memory_space<hbm>>
      %dma_start3A_255 = tpu.memref_slice %arg4[%run_scoped3A_219, %multiple_of3A] : memref<32x16384xf32, #tpu.memory_space<hbm>> -> memref<1x512xf32, #tpu.memory_space<hbm>>
      %dma_start3A_256 = tpu.memref_squeeze %dma_start3A_255 : memref<1x512xf32, #tpu.memory_space<hbm>> -> memref<512xf32, #tpu.memory_space<hbm>>
      %dma_start3A_257 = arith.constant 512 : i32
      %dma_start3A_258 = tpu.memref_slice %arg6[%dma_start3A_257] : memref<16384xf32, #tpu.memory_space<vmem>> -> memref<512xf32, #tpu.memory_space<vmem>>
      tpu.enqueue_dma source(%dma_start3A_258 : memref<512xf32, #tpu.memory_space<vmem>>) target(%dma_start3A_256 : memref<512xf32, #tpu.memory_space<hbm>>) target_semaphore(%run_scoped3A_250 : memref<!tpu.dma_semaphore, #tpu.memory_space<semaphore_mem>>)
      %dma_wait3A_259 = arith.constant 512 : i32
      %dma_wait3A_260 = tpu.memref_slice %arg6[%dma_wait3A_259] : memref<16384xf32, #tpu.memory_space<vmem>> -> memref<512xf32, #tpu.memory_space<vmem>>
      %dma_wait3A_261 = tpu.memref_slice %arg4[%run_scoped3A_219, %multiple_of3A] : memref<32x16384xf32, #tpu.memory_space<hbm>> -> memref<1x512xf32, #tpu.memory_space<hbm>>
      %dma_wait3A_262 = tpu.memref_squeeze %dma_wait3A_261 : memref<1x512xf32, #tpu.memory_space<hbm>> -> memref<512xf32, #tpu.memory_space<hbm>>
      %dma_wait3A_263 = tpu.memref_slice %arg4[%run_scoped3A_219, %multiple_of3A] : memref<32x16384xf32, #tpu.memory_space<hbm>> -> memref<1x512xf32, #tpu.memory_space<hbm>>
      %dma_wait3A_264 = tpu.memref_squeeze %dma_wait3A_263 : memref<1x512xf32, #tpu.memory_space<hbm>> -> memref<512xf32, #tpu.memory_space<hbm>>
      %dma_wait3A_265 = arith.constant 512 : i32
      %dma_wait3A_266 = tpu.memref_slice %arg6[%dma_wait3A_265] : memref<16384xf32, #tpu.memory_space<vmem>> -> memref<512xf32, #tpu.memory_space<vmem>>
      tpu.wait_dma2 semaphore(%run_scoped3A_250 : memref<!tpu.dma_semaphore, #tpu.memory_space<semaphore_mem>>) src(%dma_wait3A_266 : memref<512xf32, #tpu.memory_space<vmem>>) dst(%dma_wait3A_264 : memref<512xf32, #tpu.memory_space<hbm>>)
      tpu.yield
    }) : () -> ()
    %run_scoped3A_220 = arith.constant 2 : i32
    "tpu.region"() ({
      %run_scoped3A_250 = tpu.sem_alloc : memref<!tpu.dma_semaphore, #tpu.memory_space<semaphore_mem>>
      %dma_start3A_251 = arith.constant 1024 : i32
      %dma_start3A_252 = tpu.memref_slice %arg6[%dma_start3A_251] : memref<16384xf32, #tpu.memory_space<vmem>> -> memref<512xf32, #tpu.memory_space<vmem>>
      %dma_start3A_253 = tpu.memref_slice %arg4[%run_scoped3A_220, %multiple_of3A] : memref<32x16384xf32, #tpu.memory_space<hbm>> -> memref<1x512xf32, #tpu.memory_space<hbm>>
      %dma_start3A_254 = tpu.memref_squeeze %dma_start3A_253 : memref<1x512xf32, #tpu.memory_space<hbm>> -> memref<512xf32, #tpu.memory_space<hbm>>
      %dma_start3A_255 = tpu.memref_slice %arg4[%run_scoped3A_220, %multiple_of3A] : memref<32x16384xf32, #tpu.memory_space<hbm>> -> memref<1x512xf32, #tpu.memory_space<hbm>>
      %dma_start3A_256 = tpu.memref_squeeze %dma_start3A_255 : memref<1x512xf32, #tpu.memory_space<hbm>> -> memref<512xf32, #tpu.memory_space<hbm>>
      %dma_start3A_257 = arith.constant 1024 : i32
      %dma_start3A_258 = tpu.memref_slice %arg6[%dma_start3A_257] : memref<16384xf32, #tpu.memory_space<vmem>> -> memref<512xf32, #tpu.memory_space<vmem>>
      tpu.enqueue_dma source(%dma_start3A_258 : memref<512xf32, #tpu.memory_space<vmem>>) target(%dma_start3A_256 : memref<512xf32, #tpu.memory_space<hbm>>) target_semaphore(%run_scoped3A_250 : memref<!tpu.dma_semaphore, #tpu.memory_space<semaphore_mem>>)
      %dma_wait3A_259 = arith.constant 1024 : i32
      %dma_wait3A_260 = tpu.memref_slice %arg6[%dma_wait3A_259] : memref<16384xf32, #tpu.memory_space<vmem>> -> memref<512xf32, #tpu.memory_space<vmem>>
      %dma_wait3A_261 = tpu.memref_slice %arg4[%run_scoped3A_220, %multiple_of3A] : memref<32x16384xf32, #tpu.memory_space<hbm>> -> memref<1x512xf32, #tpu.memory_space<hbm>>
      %dma_wait3A_262 = tpu.memref_squeeze %dma_wait3A_261 : memref<1x512xf32, #tpu.memory_space<hbm>> -> memref<512xf32, #tpu.memory_space<hbm>>
      %dma_wait3A_263 = tpu.memref_slice %arg4[%run_scoped3A_220, %multiple_of3A] : memref<32x16384xf32, #tpu.memory_space<hbm>> -> memref<1x512xf32, #tpu.memory_space<hbm>>
      %dma_wait3A_264 = tpu.memref_squeeze %dma_wait3A_263 : memref<1x512xf32, #tpu.memory_space<hbm>> -> memref<512xf32, #tpu.memory_space<hbm>>
      %dma_wait3A_265 = arith.constant 1024 : i32
      %dma_wait3A_266 = tpu.memref_slice %arg6[%dma_wait3A_265] : memref<16384xf32, #tpu.memory_space<vmem>> -> memref<512xf32, #tpu.memory_space<vmem>>
      tpu.wait_dma2 semaphore(%run_scoped3A_250 : memref<!tpu.dma_semaphore, #tpu.memory_space<semaphore_mem>>) src(%dma_wait3A_266 : memref<512xf32, #tpu.memory_space<vmem>>) dst(%dma_wait3A_264 : memref<512xf32, #tpu.memory_space<hbm>>)
      tpu.yield
    }) : () -> ()
    %run_scoped3A_221 = arith.constant 3 : i32
    "tpu.region"() ({
      %run_scoped3A_250 = tpu.sem_alloc : memref<!tpu.dma_semaphore, #tpu.memory_space<semaphore_mem>>
      %dma_start3A_251 = arith.constant 1536 : i32
      %dma_start3A_252 = tpu.memref_slice %arg6[%dma_start3A_251] : memref<16384xf32, #tpu.memory_space<vmem>> -> memref<512xf32, #tpu.memory_space<vmem>>
      %dma_start3A_253 = tpu.memref_slice %arg4[%run_scoped3A_221, %multiple_of3A] : memref<32x16384xf32, #tpu.memory_space<hbm>> -> memref<1x512xf32, #tpu.memory_space<hbm>>
      %dma_start3A_254 = tpu.memref_squeeze %dma_start3A_253 : memref<1x512xf32, #tpu.memory_space<hbm>> -> memref<512xf32, #tpu.memory_space<hbm>>
      %dma_start3A_255 = tpu.memref_slice %arg4[%run_scoped3A_221, %multiple_of3A] : memref<32x16384xf32, #tpu.memory_space<hbm>> -> memref<1x512xf32, #tpu.memory_space<hbm>>
      %dma_start3A_256 = tpu.memref_squeeze %dma_start3A_255 : memref<1x512xf32, #tpu.memory_space<hbm>> -> memref<512xf32, #tpu.memory_space<hbm>>
      %dma_start3A_257 = arith.constant 1536 : i32
      %dma_start3A_258 = tpu.memref_slice %arg6[%dma_start3A_257] : memref<16384xf32, #tpu.memory_space<vmem>> -> memref<512xf32, #tpu.memory_space<vmem>>
      tpu.enqueue_dma source(%dma_start3A_258 : memref<512xf32, #tpu.memory_space<vmem>>) target(%dma_start3A_256 : memref<512xf32, #tpu.memory_space<hbm>>) target_semaphore(%run_scoped3A_250 : memref<!tpu.dma_semaphore, #tpu.memory_space<semaphore_mem>>)
      %dma_wait3A_259 = arith.constant 1536 : i32
      %dma_wait3A_260 = tpu.memref_slice %arg6[%dma_wait3A_259] : memref<16384xf32, #tpu.memory_space<vmem>> -> memref<512xf32, #tpu.memory_space<vmem>>
      %dma_wait3A_261 = tpu.memref_slice %arg4[%run_scoped3A_221, %multiple_of3A] : memref<32x16384xf32, #tpu.memory_space<hbm>> -> memref<1x512xf32, #tpu.memory_space<hbm>>
      %dma_wait3A_262 = tpu.memref_squeeze %dma_wait3A_261 : memref<1x512xf32, #tpu.memory_space<hbm>> -> memref<512xf32, #tpu.memory_space<hbm>>
      %dma_wait3A_263 = tpu.memref_slice %arg4[%run_scoped3A_221, %multiple_of3A] : memref<32x16384xf32, #tpu.memory_space<hbm>> -> memref<1x512xf32, #tpu.memory_space<hbm>>
      %dma_wait3A_264 = tpu.memref_squeeze %dma_wait3A_263 : memref<1x512xf32, #tpu.memory_space<hbm>> -> memref<512xf32, #tpu.memory_space<hbm>>
      %dma_wait3A_265 = arith.constant 1536 : i32
      %dma_wait3A_266 = tpu.memref_slice %arg6[%dma_wait3A_265] : memref<16384xf32, #tpu.memory_space<vmem>> -> memref<512xf32, #tpu.memory_space<vmem>>
      tpu.wait_dma2 semaphore(%run_scoped3A_250 : memref<!tpu.dma_semaphore, #tpu.memory_space<semaphore_mem>>) src(%dma_wait3A_266 : memref<512xf32, #tpu.memory_space<vmem>>) dst(%dma_wait3A_264 : memref<512xf32, #tpu.memory_space<hbm>>)
      tpu.yield
    }) : () -> ()
    %run_scoped3A_222 = arith.constant 4 : i32
    "tpu.region"() ({
      %run_scoped3A_250 = tpu.sem_alloc : memref<!tpu.dma_semaphore, #tpu.memory_space<semaphore_mem>>
      %dma_start3A_251 = arith.constant 2048 : i32
      %dma_start3A_252 = tpu.memref_slice %arg6[%dma_start3A_251] : memref<16384xf32, #tpu.memory_space<vmem>> -> memref<512xf32, #tpu.memory_space<vmem>>
      %dma_start3A_253 = tpu.memref_slice %arg4[%run_scoped3A_222, %multiple_of3A] : memref<32x16384xf32, #tpu.memory_space<hbm>> -> memref<1x512xf32, #tpu.memory_space<hbm>>
      %dma_start3A_254 = tpu.memref_squeeze %dma_start3A_253 : memref<1x512xf32, #tpu.memory_space<hbm>> -> memref<512xf32, #tpu.memory_space<hbm>>
      %dma_start3A_255 = tpu.memref_slice %arg4[%run_scoped3A_222, %multiple_of3A] : memref<32x16384xf32, #tpu.memory_space<hbm>> -> memref<1x512xf32, #tpu.memory_space<hbm>>
      %dma_start3A_256 = tpu.memref_squeeze %dma_start3A_255 : memref<1x512xf32, #tpu.memory_space<hbm>> -> memref<512xf32, #tpu.memory_space<hbm>>
      %dma_start3A_257 = arith.constant 2048 : i32
      %dma_start3A_258 = tpu.memref_slice %arg6[%dma_start3A_257] : memref<16384xf32, #tpu.memory_space<vmem>> -> memref<512xf32, #tpu.memory_space<vmem>>
      tpu.enqueue_dma source(%dma_start3A_258 : memref<512xf32, #tpu.memory_space<vmem>>) target(%dma_start3A_256 : memref<512xf32, #tpu.memory_space<hbm>>) target_semaphore(%run_scoped3A_250 : memref<!tpu.dma_semaphore, #tpu.memory_space<semaphore_mem>>)
      %dma_wait3A_259 = arith.constant 2048 : i32
      %dma_wait3A_260 = tpu.memref_slice %arg6[%dma_wait3A_259] : memref<16384xf32, #tpu.memory_space<vmem>> -> memref<512xf32, #tpu.memory_space<vmem>>
      %dma_wait3A_261 = tpu.memref_slice %arg4[%run_scoped3A_222, %multiple_of3A] : memref<32x16384xf32, #tpu.memory_space<hbm>> -> memref<1x512xf32, #tpu.memory_space<hbm>>
      %dma_wait3A_262 = tpu.memref_squeeze %dma_wait3A_261 : memref<1x512xf32, #tpu.memory_space<hbm>> -> memref<512xf32, #tpu.memory_space<hbm>>
      %dma_wait3A_263 = tpu.memref_slice %arg4[%run_scoped3A_222, %multiple_of3A] : memref<32x16384xf32, #tpu.memory_space<hbm>> -> memref<1x512xf32, #tpu.memory_space<hbm>>
      %dma_wait3A_264 = tpu.memref_squeeze %dma_wait3A_263 : memref<1x512xf32, #tpu.memory_space<hbm>> -> memref<512xf32, #tpu.memory_space<hbm>>
      %dma_wait3A_265 = arith.constant 2048 : i32
      %dma_wait3A_266 = tpu.memref_slice %arg6[%dma_wait3A_265] : memref<16384xf32, #tpu.memory_space<vmem>> -> memref<512xf32, #tpu.memory_space<vmem>>
      tpu.wait_dma2 semaphore(%run_scoped3A_250 : memref<!tpu.dma_semaphore, #tpu.memory_space<semaphore_mem>>) src(%dma_wait3A_266 : memref<512xf32, #tpu.memory_space<vmem>>) dst(%dma_wait3A_264 : memref<512xf32, #tpu.memory_space<hbm>>)
      tpu.yield
    }) : () -> ()
    %run_scoped3A_223 = arith.constant 5 : i32
    "tpu.region"() ({
      %run_scoped3A_250 = tpu.sem_alloc : memref<!tpu.dma_semaphore, #tpu.memory_space<semaphore_mem>>
      %dma_start3A_251 = arith.constant 2560 : i32
      %dma_start3A_252 = tpu.memref_slice %arg6[%dma_start3A_251] : memref<16384xf32, #tpu.memory_space<vmem>> -> memref<512xf32, #tpu.memory_space<vmem>>
      %dma_start3A_253 = tpu.memref_slice %arg4[%run_scoped3A_223, %multiple_of3A] : memref<32x16384xf32, #tpu.memory_space<hbm>> -> memref<1x512xf32, #tpu.memory_space<hbm>>
      %dma_start3A_254 = tpu.memref_squeeze %dma_start3A_253 : memref<1x512xf32, #tpu.memory_space<hbm>> -> memref<512xf32, #tpu.memory_space<hbm>>
      %dma_start3A_255 = tpu.memref_slice %arg4[%run_scoped3A_223, %multiple_of3A] : memref<32x16384xf32, #tpu.memory_space<hbm>> -> memref<1x512xf32, #tpu.memory_space<hbm>>
      %dma_start3A_256 = tpu.memref_squeeze %dma_start3A_255 : memref<1x512xf32, #tpu.memory_space<hbm>> -> memref<512xf32, #tpu.memory_space<hbm>>
      %dma_start3A_257 = arith.constant 2560 : i32
      %dma_start3A_258 = tpu.memref_slice %arg6[%dma_start3A_257] : memref<16384xf32, #tpu.memory_space<vmem>> -> memref<512xf32, #tpu.memory_space<vmem>>
      tpu.enqueue_dma source(%dma_start3A_258 : memref<512xf32, #tpu.memory_space<vmem>>) target(%dma_start3A_256 : memref<512xf32, #tpu.memory_space<hbm>>) target_semaphore(%run_scoped3A_250 : memref<!tpu.dma_semaphore, #tpu.memory_space<semaphore_mem>>)
      %dma_wait3A_259 = arith.constant 2560 : i32
      %dma_wait3A_260 = tpu.memref_slice %arg6[%dma_wait3A_259] : memref<16384xf32, #tpu.memory_space<vmem>> -> memref<512xf32, #tpu.memory_space<vmem>>
      %dma_wait3A_261 = tpu.memref_slice %arg4[%run_scoped3A_223, %multiple_of3A] : memref<32x16384xf32, #tpu.memory_space<hbm>> -> memref<1x512xf32, #tpu.memory_space<hbm>>
      %dma_wait3A_262 = tpu.memref_squeeze %dma_wait3A_261 : memref<1x512xf32, #tpu.memory_space<hbm>> -> memref<512xf32, #tpu.memory_space<hbm>>
      %dma_wait3A_263 = tpu.memref_slice %arg4[%run_scoped3A_223, %multiple_of3A] : memref<32x16384xf32, #tpu.memory_space<hbm>> -> memref<1x512xf32, #tpu.memory_space<hbm>>
      %dma_wait3A_264 = tpu.memref_squeeze %dma_wait3A_263 : memref<1x512xf32, #tpu.memory_space<hbm>> -> memref<512xf32, #tpu.memory_space<hbm>>
      %dma_wait3A_265 = arith.constant 2560 : i32
      %dma_wait3A_266 = tpu.memref_slice %arg6[%dma_wait3A_265] : memref<16384xf32, #tpu.memory_space<vmem>> -> memref<512xf32, #tpu.memory_space<vmem>>
      tpu.wait_dma2 semaphore(%run_scoped3A_250 : memref<!tpu.dma_semaphore, #tpu.memory_space<semaphore_mem>>) src(%dma_wait3A_266 : memref<512xf32, #tpu.memory_space<vmem>>) dst(%dma_wait3A_264 : memref<512xf32, #tpu.memory_space<hbm>>)
      tpu.yield
    }) : () -> ()
    %run_scoped3A_224 = arith.constant 6 : i32
    "tpu.region"() ({
      %run_scoped3A_250 = tpu.sem_alloc : memref<!tpu.dma_semaphore, #tpu.memory_space<semaphore_mem>>
      %dma_start3A_251 = arith.constant 3072 : i32
      %dma_start3A_252 = tpu.memref_slice %arg6[%dma_start3A_251] : memref<16384xf32, #tpu.memory_space<vmem>> -> memref<512xf32, #tpu.memory_space<vmem>>
      %dma_start3A_253 = tpu.memref_slice %arg4[%run_scoped3A_224, %multiple_of3A] : memref<32x16384xf32, #tpu.memory_space<hbm>> -> memref<1x512xf32, #tpu.memory_space<hbm>>
      %dma_start3A_254 = tpu.memref_squeeze %dma_start3A_253 : memref<1x512xf32, #tpu.memory_space<hbm>> -> memref<512xf32, #tpu.memory_space<hbm>>
      %dma_start3A_255 = tpu.memref_slice %arg4[%run_scoped3A_224, %multiple_of3A] : memref<32x16384xf32, #tpu.memory_space<hbm>> -> memref<1x512xf32, #tpu.memory_space<hbm>>
      %dma_start3A_256 = tpu.memref_squeeze %dma_start3A_255 : memref<1x512xf32, #tpu.memory_space<hbm>> -> memref<512xf32, #tpu.memory_space<hbm>>
      %dma_start3A_257 = arith.constant 3072 : i32
      %dma_start3A_258 = tpu.memref_slice %arg6[%dma_start3A_257] : memref<16384xf32, #tpu.memory_space<vmem>> -> memref<512xf32, #tpu.memory_space<vmem>>
      tpu.enqueue_dma source(%dma_start3A_258 : memref<512xf32, #tpu.memory_space<vmem>>) target(%dma_start3A_256 : memref<512xf32, #tpu.memory_space<hbm>>) target_semaphore(%run_scoped3A_250 : memref<!tpu.dma_semaphore, #tpu.memory_space<semaphore_mem>>)
      %dma_wait3A_259 = arith.constant 3072 : i32
      %dma_wait3A_260 = tpu.memref_slice %arg6[%dma_wait3A_259] : memref<16384xf32, #tpu.memory_space<vmem>> -> memref<512xf32, #tpu.memory_space<vmem>>
      %dma_wait3A_261 = tpu.memref_slice %arg4[%run_scoped3A_224, %multiple_of3A] : memref<32x16384xf32, #tpu.memory_space<hbm>> -> memref<1x512xf32, #tpu.memory_space<hbm>>
      %dma_wait3A_262 = tpu.memref_squeeze %dma_wait3A_261 : memref<1x512xf32, #tpu.memory_space<hbm>> -> memref<512xf32, #tpu.memory_space<hbm>>
      %dma_wait3A_263 = tpu.memref_slice %arg4[%run_scoped3A_224, %multiple_of3A] : memref<32x16384xf32, #tpu.memory_space<hbm>> -> memref<1x512xf32, #tpu.memory_space<hbm>>
      %dma_wait3A_264 = tpu.memref_squeeze %dma_wait3A_263 : memref<1x512xf32, #tpu.memory_space<hbm>> -> memref<512xf32, #tpu.memory_space<hbm>>
      %dma_wait3A_265 = arith.constant 3072 : i32
      %dma_wait3A_266 = tpu.memref_slice %arg6[%dma_wait3A_265] : memref<16384xf32, #tpu.memory_space<vmem>> -> memref<512xf32, #tpu.memory_space<vmem>>
      tpu.wait_dma2 semaphore(%run_scoped3A_250 : memref<!tpu.dma_semaphore, #tpu.memory_space<semaphore_mem>>) src(%dma_wait3A_266 : memref<512xf32, #tpu.memory_space<vmem>>) dst(%dma_wait3A_264 : memref<512xf32, #tpu.memory_space<hbm>>)
      tpu.yield
    }) : () -> ()
    %run_scoped3A_225 = arith.constant 7 : i32
    "tpu.region"() ({
      %run_scoped3A_250 = tpu.sem_alloc : memref<!tpu.dma_semaphore, #tpu.memory_space<semaphore_mem>>
      %dma_start3A_251 = arith.constant 3584 : i32
      %dma_start3A_252 = tpu.memref_slice %arg6[%dma_start3A_251] : memref<16384xf32, #tpu.memory_space<vmem>> -> memref<512xf32, #tpu.memory_space<vmem>>
      %dma_start3A_253 = tpu.memref_slice %arg4[%run_scoped3A_225, %multiple_of3A] : memref<32x16384xf32, #tpu.memory_space<hbm>> -> memref<1x512xf32, #tpu.memory_space<hbm>>
      %dma_start3A_254 = tpu.memref_squeeze %dma_start3A_253 : memref<1x512xf32, #tpu.memory_space<hbm>> -> memref<512xf32, #tpu.memory_space<hbm>>
      %dma_start3A_255 = tpu.memref_slice %arg4[%run_scoped3A_225, %multiple_of3A] : memref<32x16384xf32, #tpu.memory_space<hbm>> -> memref<1x512xf32, #tpu.memory_space<hbm>>
      %dma_start3A_256 = tpu.memref_squeeze %dma_start3A_255 : memref<1x512xf32, #tpu.memory_space<hbm>> -> memref<512xf32, #tpu.memory_space<hbm>>
      %dma_start3A_257 = arith.constant 3584 : i32
      %dma_start3A_258 = tpu.memref_slice %arg6[%dma_start3A_257] : memref<16384xf32, #tpu.memory_space<vmem>> -> memref<512xf32, #tpu.memory_space<vmem>>
      tpu.enqueue_dma source(%dma_start3A_258 : memref<512xf32, #tpu.memory_space<vmem>>) target(%dma_start3A_256 : memref<512xf32, #tpu.memory_space<hbm>>) target_semaphore(%run_scoped3A_250 : memref<!tpu.dma_semaphore, #tpu.memory_space<semaphore_mem>>)
      %dma_wait3A_259 = arith.constant 3584 : i32
      %dma_wait3A_260 = tpu.memref_slice %arg6[%dma_wait3A_259] : memref<16384xf32, #tpu.memory_space<vmem>> -> memref<512xf32, #tpu.memory_space<vmem>>
      %dma_wait3A_261 = tpu.memref_slice %arg4[%run_scoped3A_225, %multiple_of3A] : memref<32x16384xf32, #tpu.memory_space<hbm>> -> memref<1x512xf32, #tpu.memory_space<hbm>>
      %dma_wait3A_262 = tpu.memref_squeeze %dma_wait3A_261 : memref<1x512xf32, #tpu.memory_space<hbm>> -> memref<512xf32, #tpu.memory_space<hbm>>
      %dma_wait3A_263 = tpu.memref_slice %arg4[%run_scoped3A_225, %multiple_of3A] : memref<32x16384xf32, #tpu.memory_space<hbm>> -> memref<1x512xf32, #tpu.memory_space<hbm>>
      %dma_wait3A_264 = tpu.memref_squeeze %dma_wait3A_263 : memref<1x512xf32, #tpu.memory_space<hbm>> -> memref<512xf32, #tpu.memory_space<hbm>>
      %dma_wait3A_265 = arith.constant 3584 : i32
      %dma_wait3A_266 = tpu.memref_slice %arg6[%dma_wait3A_265] : memref<16384xf32, #tpu.memory_space<vmem>> -> memref<512xf32, #tpu.memory_space<vmem>>
      tpu.wait_dma2 semaphore(%run_scoped3A_250 : memref<!tpu.dma_semaphore, #tpu.memory_space<semaphore_mem>>) src(%dma_wait3A_266 : memref<512xf32, #tpu.memory_space<vmem>>) dst(%dma_wait3A_264 : memref<512xf32, #tpu.memory_space<hbm>>)
      tpu.yield
    }) : () -> ()
    %run_scoped3A_226 = arith.constant 8 : i32
    "tpu.region"() ({
      %run_scoped3A_250 = tpu.sem_alloc : memref<!tpu.dma_semaphore, #tpu.memory_space<semaphore_mem>>
      %dma_start3A_251 = arith.constant 4096 : i32
      %dma_start3A_252 = tpu.memref_slice %arg6[%dma_start3A_251] : memref<16384xf32, #tpu.memory_space<vmem>> -> memref<512xf32, #tpu.memory_space<vmem>>
      %dma_start3A_253 = tpu.memref_slice %arg4[%run_scoped3A_226, %multiple_of3A] : memref<32x16384xf32, #tpu.memory_space<hbm>> -> memref<1x512xf32, #tpu.memory_space<hbm>>
      %dma_start3A_254 = tpu.memref_squeeze %dma_start3A_253 : memref<1x512xf32, #tpu.memory_space<hbm>> -> memref<512xf32, #tpu.memory_space<hbm>>
      %dma_start3A_255 = tpu.memref_slice %arg4[%run_scoped3A_226, %multiple_of3A] : memref<32x16384xf32, #tpu.memory_space<hbm>> -> memref<1x512xf32, #tpu.memory_space<hbm>>
      %dma_start3A_256 = tpu.memref_squeeze %dma_start3A_255 : memref<1x512xf32, #tpu.memory_space<hbm>> -> memref<512xf32, #tpu.memory_space<hbm>>
      %dma_start3A_257 = arith.constant 4096 : i32
      %dma_start3A_258 = tpu.memref_slice %arg6[%dma_start3A_257] : memref<16384xf32, #tpu.memory_space<vmem>> -> memref<512xf32, #tpu.memory_space<vmem>>
      tpu.enqueue_dma source(%dma_start3A_258 : memref<512xf32, #tpu.memory_space<vmem>>) target(%dma_start3A_256 : memref<512xf32, #tpu.memory_space<hbm>>) target_semaphore(%run_scoped3A_250 : memref<!tpu.dma_semaphore, #tpu.memory_space<semaphore_mem>>)
      %dma_wait3A_259 = arith.constant 4096 : i32
      %dma_wait3A_260 = tpu.memref_slice %arg6[%dma_wait3A_259] : memref<16384xf32, #tpu.memory_space<vmem>> -> memref<512xf32, #tpu.memory_space<vmem>>
      %dma_wait3A_261 = tpu.memref_slice %arg4[%run_scoped3A_226, %multiple_of3A] : memref<32x16384xf32, #tpu.memory_space<hbm>> -> memref<1x512xf32, #tpu.memory_space<hbm>>
      %dma_wait3A_262 = tpu.memref_squeeze %dma_wait3A_261 : memref<1x512xf32, #tpu.memory_space<hbm>> -> memref<512xf32, #tpu.memory_space<hbm>>
      %dma_wait3A_263 = tpu.memref_slice %arg4[%run_scoped3A_226, %multiple_of3A] : memref<32x16384xf32, #tpu.memory_space<hbm>> -> memref<1x512xf32, #tpu.memory_space<hbm>>
      %dma_wait3A_264 = tpu.memref_squeeze %dma_wait3A_263 : memref<1x512xf32, #tpu.memory_space<hbm>> -> memref<512xf32, #tpu.memory_space<hbm>>
      %dma_wait3A_265 = arith.constant 4096 : i32
      %dma_wait3A_266 = tpu.memref_slice %arg6[%dma_wait3A_265] : memref<16384xf32, #tpu.memory_space<vmem>> -> memref<512xf32, #tpu.memory_space<vmem>>
      tpu.wait_dma2 semaphore(%run_scoped3A_250 : memref<!tpu.dma_semaphore, #tpu.memory_space<semaphore_mem>>) src(%dma_wait3A_266 : memref<512xf32, #tpu.memory_space<vmem>>) dst(%dma_wait3A_264 : memref<512xf32, #tpu.memory_space<hbm>>)
      tpu.yield
    }) : () -> ()
    %run_scoped3A_227 = arith.constant 9 : i32
    "tpu.region"() ({
      %run_scoped3A_250 = tpu.sem_alloc : memref<!tpu.dma_semaphore, #tpu.memory_space<semaphore_mem>>
      %dma_start3A_251 = arith.constant 4608 : i32
      %dma_start3A_252 = tpu.memref_slice %arg6[%dma_start3A_251] : memref<16384xf32, #tpu.memory_space<vmem>> -> memref<512xf32, #tpu.memory_space<vmem>>
      %dma_start3A_253 = tpu.memref_slice %arg4[%run_scoped3A_227, %multiple_of3A] : memref<32x16384xf32, #tpu.memory_space<hbm>> -> memref<1x512xf32, #tpu.memory_space<hbm>>
      %dma_start3A_254 = tpu.memref_squeeze %dma_start3A_253 : memref<1x512xf32, #tpu.memory_space<hbm>> -> memref<512xf32, #tpu.memory_space<hbm>>
      %dma_start3A_255 = tpu.memref_slice %arg4[%run_scoped3A_227, %multiple_of3A] : memref<32x16384xf32, #tpu.memory_space<hbm>> -> memref<1x512xf32, #tpu.memory_space<hbm>>
      %dma_start3A_256 = tpu.memref_squeeze %dma_start3A_255 : memref<1x512xf32, #tpu.memory_space<hbm>> -> memref<512xf32, #tpu.memory_space<hbm>>
      %dma_start3A_257 = arith.constant 4608 : i32
      %dma_start3A_258 = tpu.memref_slice %arg6[%dma_start3A_257] : memref<16384xf32, #tpu.memory_space<vmem>> -> memref<512xf32, #tpu.memory_space<vmem>>
      tpu.enqueue_dma source(%dma_start3A_258 : memref<512xf32, #tpu.memory_space<vmem>>) target(%dma_start3A_256 : memref<512xf32, #tpu.memory_space<hbm>>) target_semaphore(%run_scoped3A_250 : memref<!tpu.dma_semaphore, #tpu.memory_space<semaphore_mem>>)
      %dma_wait3A_259 = arith.constant 4608 : i32
      %dma_wait3A_260 = tpu.memref_slice %arg6[%dma_wait3A_259] : memref<16384xf32, #tpu.memory_space<vmem>> -> memref<512xf32, #tpu.memory_space<vmem>>
      %dma_wait3A_261 = tpu.memref_slice %arg4[%run_scoped3A_227, %multiple_of3A] : memref<32x16384xf32, #tpu.memory_space<hbm>> -> memref<1x512xf32, #tpu.memory_space<hbm>>
      %dma_wait3A_262 = tpu.memref_squeeze %dma_wait3A_261 : memref<1x512xf32, #tpu.memory_space<hbm>> -> memref<512xf32, #tpu.memory_space<hbm>>
      %dma_wait3A_263 = tpu.memref_slice %arg4[%run_scoped3A_227, %multiple_of3A] : memref<32x16384xf32, #tpu.memory_space<hbm>> -> memref<1x512xf32, #tpu.memory_space<hbm>>
      %dma_wait3A_264 = tpu.memref_squeeze %dma_wait3A_263 : memref<1x512xf32, #tpu.memory_space<hbm>> -> memref<512xf32, #tpu.memory_space<hbm>>
      %dma_wait3A_265 = arith.constant 4608 : i32
      %dma_wait3A_266 = tpu.memref_slice %arg6[%dma_wait3A_265] : memref<16384xf32, #tpu.memory_space<vmem>> -> memref<512xf32, #tpu.memory_space<vmem>>
      tpu.wait_dma2 semaphore(%run_scoped3A_250 : memref<!tpu.dma_semaphore, #tpu.memory_space<semaphore_mem>>) src(%dma_wait3A_266 : memref<512xf32, #tpu.memory_space<vmem>>) dst(%dma_wait3A_264 : memref<512xf32, #tpu.memory_space<hbm>>)
      tpu.yield
    }) : () -> ()
    %run_scoped3A_228 = arith.constant 10 : i32
    "tpu.region"() ({
      %run_scoped3A_250 = tpu.sem_alloc : memref<!tpu.dma_semaphore, #tpu.memory_space<semaphore_mem>>
      %dma_start3A_251 = arith.constant 5120 : i32
      %dma_start3A_252 = tpu.memref_slice %arg6[%dma_start3A_251] : memref<16384xf32, #tpu.memory_space<vmem>> -> memref<512xf32, #tpu.memory_space<vmem>>
      %dma_start3A_253 = tpu.memref_slice %arg4[%run_scoped3A_228, %multiple_of3A] : memref<32x16384xf32, #tpu.memory_space<hbm>> -> memref<1x512xf32, #tpu.memory_space<hbm>>
      %dma_start3A_254 = tpu.memref_squeeze %dma_start3A_253 : memref<1x512xf32, #tpu.memory_space<hbm>> -> memref<512xf32, #tpu.memory_space<hbm>>
      %dma_start3A_255 = tpu.memref_slice %arg4[%run_scoped3A_228, %multiple_of3A] : memref<32x16384xf32, #tpu.memory_space<hbm>> -> memref<1x512xf32, #tpu.memory_space<hbm>>
      %dma_start3A_256 = tpu.memref_squeeze %dma_start3A_255 : memref<1x512xf32, #tpu.memory_space<hbm>> -> memref<512xf32, #tpu.memory_space<hbm>>
      %dma_start3A_257 = arith.constant 5120 : i32
      %dma_start3A_258 = tpu.memref_slice %arg6[%dma_start3A_257] : memref<16384xf32, #tpu.memory_space<vmem>> -> memref<512xf32, #tpu.memory_space<vmem>>
      tpu.enqueue_dma source(%dma_start3A_258 : memref<512xf32, #tpu.memory_space<vmem>>) target(%dma_start3A_256 : memref<512xf32, #tpu.memory_space<hbm>>) target_semaphore(%run_scoped3A_250 : memref<!tpu.dma_semaphore, #tpu.memory_space<semaphore_mem>>)
      %dma_wait3A_259 = arith.constant 5120 : i32
      %dma_wait3A_260 = tpu.memref_slice %arg6[%dma_wait3A_259] : memref<16384xf32, #tpu.memory_space<vmem>> -> memref<512xf32, #tpu.memory_space<vmem>>
      %dma_wait3A_261 = tpu.memref_slice %arg4[%run_scoped3A_228, %multiple_of3A] : memref<32x16384xf32, #tpu.memory_space<hbm>> -> memref<1x512xf32, #tpu.memory_space<hbm>>
      %dma_wait3A_262 = tpu.memref_squeeze %dma_wait3A_261 : memref<1x512xf32, #tpu.memory_space<hbm>> -> memref<512xf32, #tpu.memory_space<hbm>>
      %dma_wait3A_263 = tpu.memref_slice %arg4[%run_scoped3A_228, %multiple_of3A] : memref<32x16384xf32, #tpu.memory_space<hbm>> -> memref<1x512xf32, #tpu.memory_space<hbm>>
      %dma_wait3A_264 = tpu.memref_squeeze %dma_wait3A_263 : memref<1x512xf32, #tpu.memory_space<hbm>> -> memref<512xf32, #tpu.memory_space<hbm>>
      %dma_wait3A_265 = arith.constant 5120 : i32
      %dma_wait3A_266 = tpu.memref_slice %arg6[%dma_wait3A_265] : memref<16384xf32, #tpu.memory_space<vmem>> -> memref<512xf32, #tpu.memory_space<vmem>>
      tpu.wait_dma2 semaphore(%run_scoped3A_250 : memref<!tpu.dma_semaphore, #tpu.memory_space<semaphore_mem>>) src(%dma_wait3A_266 : memref<512xf32, #tpu.memory_space<vmem>>) dst(%dma_wait3A_264 : memref<512xf32, #tpu.memory_space<hbm>>)
      tpu.yield
    }) : () -> ()
    %run_scoped3A_229 = arith.constant 11 : i32
    "tpu.region"() ({
      %run_scoped3A_250 = tpu.sem_alloc : memref<!tpu.dma_semaphore, #tpu.memory_space<semaphore_mem>>
      %dma_start3A_251 = arith.constant 5632 : i32
      %dma_start3A_252 = tpu.memref_slice %arg6[%dma_start3A_251] : memref<16384xf32, #tpu.memory_space<vmem>> -> memref<512xf32, #tpu.memory_space<vmem>>
      %dma_start3A_253 = tpu.memref_slice %arg4[%run_scoped3A_229, %multiple_of3A] : memref<32x16384xf32, #tpu.memory_space<hbm>> -> memref<1x512xf32, #tpu.memory_space<hbm>>
      %dma_start3A_254 = tpu.memref_squeeze %dma_start3A_253 : memref<1x512xf32, #tpu.memory_space<hbm>> -> memref<512xf32, #tpu.memory_space<hbm>>
      %dma_start3A_255 = tpu.memref_slice %arg4[%run_scoped3A_229, %multiple_of3A] : memref<32x16384xf32, #tpu.memory_space<hbm>> -> memref<1x512xf32, #tpu.memory_space<hbm>>
      %dma_start3A_256 = tpu.memref_squeeze %dma_start3A_255 : memref<1x512xf32, #tpu.memory_space<hbm>> -> memref<512xf32, #tpu.memory_space<hbm>>
      %dma_start3A_257 = arith.constant 5632 : i32
      %dma_start3A_258 = tpu.memref_slice %arg6[%dma_start3A_257] : memref<16384xf32, #tpu.memory_space<vmem>> -> memref<512xf32, #tpu.memory_space<vmem>>
      tpu.enqueue_dma source(%dma_start3A_258 : memref<512xf32, #tpu.memory_space<vmem>>) target(%dma_start3A_256 : memref<512xf32, #tpu.memory_space<hbm>>) target_semaphore(%run_scoped3A_250 : memref<!tpu.dma_semaphore, #tpu.memory_space<semaphore_mem>>)
      %dma_wait3A_259 = arith.constant 5632 : i32
      %dma_wait3A_260 = tpu.memref_slice %arg6[%dma_wait3A_259] : memref<16384xf32, #tpu.memory_space<vmem>> -> memref<512xf32, #tpu.memory_space<vmem>>
      %dma_wait3A_261 = tpu.memref_slice %arg4[%run_scoped3A_229, %multiple_of3A] : memref<32x16384xf32, #tpu.memory_space<hbm>> -> memref<1x512xf32, #tpu.memory_space<hbm>>
      %dma_wait3A_262 = tpu.memref_squeeze %dma_wait3A_261 : memref<1x512xf32, #tpu.memory_space<hbm>> -> memref<512xf32, #tpu.memory_space<hbm>>
      %dma_wait3A_263 = tpu.memref_slice %arg4[%run_scoped3A_229, %multiple_of3A] : memref<32x16384xf32, #tpu.memory_space<hbm>> -> memref<1x512xf32, #tpu.memory_space<hbm>>
      %dma_wait3A_264 = tpu.memref_squeeze %dma_wait3A_263 : memref<1x512xf32, #tpu.memory_space<hbm>> -> memref<512xf32, #tpu.memory_space<hbm>>
      %dma_wait3A_265 = arith.constant 5632 : i32
      %dma_wait3A_266 = tpu.memref_slice %arg6[%dma_wait3A_265] : memref<16384xf32, #tpu.memory_space<vmem>> -> memref<512xf32, #tpu.memory_space<vmem>>
      tpu.wait_dma2 semaphore(%run_scoped3A_250 : memref<!tpu.dma_semaphore, #tpu.memory_space<semaphore_mem>>) src(%dma_wait3A_266 : memref<512xf32, #tpu.memory_space<vmem>>) dst(%dma_wait3A_264 : memref<512xf32, #tpu.memory_space<hbm>>)
      tpu.yield
    }) : () -> ()
    %run_scoped3A_230 = arith.constant 12 : i32
    "tpu.region"() ({
      %run_scoped3A_250 = tpu.sem_alloc : memref<!tpu.dma_semaphore, #tpu.memory_space<semaphore_mem>>
      %dma_start3A_251 = arith.constant 6144 : i32
      %dma_start3A_252 = tpu.memref_slice %arg6[%dma_start3A_251] : memref<16384xf32, #tpu.memory_space<vmem>> -> memref<512xf32, #tpu.memory_space<vmem>>
      %dma_start3A_253 = tpu.memref_slice %arg4[%run_scoped3A_230, %multiple_of3A] : memref<32x16384xf32, #tpu.memory_space<hbm>> -> memref<1x512xf32, #tpu.memory_space<hbm>>
      %dma_start3A_254 = tpu.memref_squeeze %dma_start3A_253 : memref<1x512xf32, #tpu.memory_space<hbm>> -> memref<512xf32, #tpu.memory_space<hbm>>
      %dma_start3A_255 = tpu.memref_slice %arg4[%run_scoped3A_230, %multiple_of3A] : memref<32x16384xf32, #tpu.memory_space<hbm>> -> memref<1x512xf32, #tpu.memory_space<hbm>>
      %dma_start3A_256 = tpu.memref_squeeze %dma_start3A_255 : memref<1x512xf32, #tpu.memory_space<hbm>> -> memref<512xf32, #tpu.memory_space<hbm>>
      %dma_start3A_257 = arith.constant 6144 : i32
      %dma_start3A_258 = tpu.memref_slice %arg6[%dma_start3A_257] : memref<16384xf32, #tpu.memory_space<vmem>> -> memref<512xf32, #tpu.memory_space<vmem>>
      tpu.enqueue_dma source(%dma_start3A_258 : memref<512xf32, #tpu.memory_space<vmem>>) target(%dma_start3A_256 : memref<512xf32, #tpu.memory_space<hbm>>) target_semaphore(%run_scoped3A_250 : memref<!tpu.dma_semaphore, #tpu.memory_space<semaphore_mem>>)
      %dma_wait3A_259 = arith.constant 6144 : i32
      %dma_wait3A_260 = tpu.memref_slice %arg6[%dma_wait3A_259] : memref<16384xf32, #tpu.memory_space<vmem>> -> memref<512xf32, #tpu.memory_space<vmem>>
      %dma_wait3A_261 = tpu.memref_slice %arg4[%run_scoped3A_230, %multiple_of3A] : memref<32x16384xf32, #tpu.memory_space<hbm>> -> memref<1x512xf32, #tpu.memory_space<hbm>>
      %dma_wait3A_262 = tpu.memref_squeeze %dma_wait3A_261 : memref<1x512xf32, #tpu.memory_space<hbm>> -> memref<512xf32, #tpu.memory_space<hbm>>
      %dma_wait3A_263 = tpu.memref_slice %arg4[%run_scoped3A_230, %multiple_of3A] : memref<32x16384xf32, #tpu.memory_space<hbm>> -> memref<1x512xf32, #tpu.memory_space<hbm>>
      %dma_wait3A_264 = tpu.memref_squeeze %dma_wait3A_263 : memref<1x512xf32, #tpu.memory_space<hbm>> -> memref<512xf32, #tpu.memory_space<hbm>>
      %dma_wait3A_265 = arith.constant 6144 : i32
      %dma_wait3A_266 = tpu.memref_slice %arg6[%dma_wait3A_265] : memref<16384xf32, #tpu.memory_space<vmem>> -> memref<512xf32, #tpu.memory_space<vmem>>
      tpu.wait_dma2 semaphore(%run_scoped3A_250 : memref<!tpu.dma_semaphore, #tpu.memory_space<semaphore_mem>>) src(%dma_wait3A_266 : memref<512xf32, #tpu.memory_space<vmem>>) dst(%dma_wait3A_264 : memref<512xf32, #tpu.memory_space<hbm>>)
      tpu.yield
    }) : () -> ()
    %run_scoped3A_231 = arith.constant 13 : i32
    "tpu.region"() ({
      %run_scoped3A_250 = tpu.sem_alloc : memref<!tpu.dma_semaphore, #tpu.memory_space<semaphore_mem>>
      %dma_start3A_251 = arith.constant 6656 : i32
      %dma_start3A_252 = tpu.memref_slice %arg6[%dma_start3A_251] : memref<16384xf32, #tpu.memory_space<vmem>> -> memref<512xf32, #tpu.memory_space<vmem>>
      %dma_start3A_253 = tpu.memref_slice %arg4[%run_scoped3A_231, %multiple_of3A] : memref<32x16384xf32, #tpu.memory_space<hbm>> -> memref<1x512xf32, #tpu.memory_space<hbm>>
      %dma_start3A_254 = tpu.memref_squeeze %dma_start3A_253 : memref<1x512xf32, #tpu.memory_space<hbm>> -> memref<512xf32, #tpu.memory_space<hbm>>
      %dma_start3A_255 = tpu.memref_slice %arg4[%run_scoped3A_231, %multiple_of3A] : memref<32x16384xf32, #tpu.memory_space<hbm>> -> memref<1x512xf32, #tpu.memory_space<hbm>>
      %dma_start3A_256 = tpu.memref_squeeze %dma_start3A_255 : memref<1x512xf32, #tpu.memory_space<hbm>> -> memref<512xf32, #tpu.memory_space<hbm>>
      %dma_start3A_257 = arith.constant 6656 : i32
      %dma_start3A_258 = tpu.memref_slice %arg6[%dma_start3A_257] : memref<16384xf32, #tpu.memory_space<vmem>> -> memref<512xf32, #tpu.memory_space<vmem>>
      tpu.enqueue_dma source(%dma_start3A_258 : memref<512xf32, #tpu.memory_space<vmem>>) target(%dma_start3A_256 : memref<512xf32, #tpu.memory_space<hbm>>) target_semaphore(%run_scoped3A_250 : memref<!tpu.dma_semaphore, #tpu.memory_space<semaphore_mem>>)
      %dma_wait3A_259 = arith.constant 6656 : i32
      %dma_wait3A_260 = tpu.memref_slice %arg6[%dma_wait3A_259] : memref<16384xf32, #tpu.memory_space<vmem>> -> memref<512xf32, #tpu.memory_space<vmem>>
      %dma_wait3A_261 = tpu.memref_slice %arg4[%run_scoped3A_231, %multiple_of3A] : memref<32x16384xf32, #tpu.memory_space<hbm>> -> memref<1x512xf32, #tpu.memory_space<hbm>>
      %dma_wait3A_262 = tpu.memref_squeeze %dma_wait3A_261 : memref<1x512xf32, #tpu.memory_space<hbm>> -> memref<512xf32, #tpu.memory_space<hbm>>
      %dma_wait3A_263 = tpu.memref_slice %arg4[%run_scoped3A_231, %multiple_of3A] : memref<32x16384xf32, #tpu.memory_space<hbm>> -> memref<1x512xf32, #tpu.memory_space<hbm>>
      %dma_wait3A_264 = tpu.memref_squeeze %dma_wait3A_263 : memref<1x512xf32, #tpu.memory_space<hbm>> -> memref<512xf32, #tpu.memory_space<hbm>>
      %dma_wait3A_265 = arith.constant 6656 : i32
      %dma_wait3A_266 = tpu.memref_slice %arg6[%dma_wait3A_265] : memref<16384xf32, #tpu.memory_space<vmem>> -> memref<512xf32, #tpu.memory_space<vmem>>
      tpu.wait_dma2 semaphore(%run_scoped3A_250 : memref<!tpu.dma_semaphore, #tpu.memory_space<semaphore_mem>>) src(%dma_wait3A_266 : memref<512xf32, #tpu.memory_space<vmem>>) dst(%dma_wait3A_264 : memref<512xf32, #tpu.memory_space<hbm>>)
      tpu.yield
    }) : () -> ()
    %run_scoped3A_232 = arith.constant 14 : i32
    "tpu.region"() ({
      %run_scoped3A_250 = tpu.sem_alloc : memref<!tpu.dma_semaphore, #tpu.memory_space<semaphore_mem>>
      %dma_start3A_251 = arith.constant 7168 : i32
      %dma_start3A_252 = tpu.memref_slice %arg6[%dma_start3A_251] : memref<16384xf32, #tpu.memory_space<vmem>> -> memref<512xf32, #tpu.memory_space<vmem>>
      %dma_start3A_253 = tpu.memref_slice %arg4[%run_scoped3A_232, %multiple_of3A] : memref<32x16384xf32, #tpu.memory_space<hbm>> -> memref<1x512xf32, #tpu.memory_space<hbm>>
      %dma_start3A_254 = tpu.memref_squeeze %dma_start3A_253 : memref<1x512xf32, #tpu.memory_space<hbm>> -> memref<512xf32, #tpu.memory_space<hbm>>
      %dma_start3A_255 = tpu.memref_slice %arg4[%run_scoped3A_232, %multiple_of3A] : memref<32x16384xf32, #tpu.memory_space<hbm>> -> memref<1x512xf32, #tpu.memory_space<hbm>>
      %dma_start3A_256 = tpu.memref_squeeze %dma_start3A_255 : memref<1x512xf32, #tpu.memory_space<hbm>> -> memref<512xf32, #tpu.memory_space<hbm>>
      %dma_start3A_257 = arith.constant 7168 : i32
      %dma_start3A_258 = tpu.memref_slice %arg6[%dma_start3A_257] : memref<16384xf32, #tpu.memory_space<vmem>> -> memref<512xf32, #tpu.memory_space<vmem>>
      tpu.enqueue_dma source(%dma_start3A_258 : memref<512xf32, #tpu.memory_space<vmem>>) target(%dma_start3A_256 : memref<512xf32, #tpu.memory_space<hbm>>) target_semaphore(%run_scoped3A_250 : memref<!tpu.dma_semaphore, #tpu.memory_space<semaphore_mem>>)
      %dma_wait3A_259 = arith.constant 7168 : i32
      %dma_wait3A_260 = tpu.memref_slice %arg6[%dma_wait3A_259] : memref<16384xf32, #tpu.memory_space<vmem>> -> memref<512xf32, #tpu.memory_space<vmem>>
      %dma_wait3A_261 = tpu.memref_slice %arg4[%run_scoped3A_232, %multiple_of3A] : memref<32x16384xf32, #tpu.memory_space<hbm>> -> memref<1x512xf32, #tpu.memory_space<hbm>>
      %dma_wait3A_262 = tpu.memref_squeeze %dma_wait3A_261 : memref<1x512xf32, #tpu.memory_space<hbm>> -> memref<512xf32, #tpu.memory_space<hbm>>
      %dma_wait3A_263 = tpu.memref_slice %arg4[%run_scoped3A_232, %multiple_of3A] : memref<32x16384xf32, #tpu.memory_space<hbm>> -> memref<1x512xf32, #tpu.memory_space<hbm>>
      %dma_wait3A_264 = tpu.memref_squeeze %dma_wait3A_263 : memref<1x512xf32, #tpu.memory_space<hbm>> -> memref<512xf32, #tpu.memory_space<hbm>>
      %dma_wait3A_265 = arith.constant 7168 : i32
      %dma_wait3A_266 = tpu.memref_slice %arg6[%dma_wait3A_265] : memref<16384xf32, #tpu.memory_space<vmem>> -> memref<512xf32, #tpu.memory_space<vmem>>
      tpu.wait_dma2 semaphore(%run_scoped3A_250 : memref<!tpu.dma_semaphore, #tpu.memory_space<semaphore_mem>>) src(%dma_wait3A_266 : memref<512xf32, #tpu.memory_space<vmem>>) dst(%dma_wait3A_264 : memref<512xf32, #tpu.memory_space<hbm>>)
      tpu.yield
    }) : () -> ()
    %run_scoped3A_233 = arith.constant 15 : i32
    "tpu.region"() ({
      %run_scoped3A_250 = tpu.sem_alloc : memref<!tpu.dma_semaphore, #tpu.memory_space<semaphore_mem>>
      %dma_start3A_251 = arith.constant 7680 : i32
      %dma_start3A_252 = tpu.memref_slice %arg6[%dma_start3A_251] : memref<16384xf32, #tpu.memory_space<vmem>> -> memref<512xf32, #tpu.memory_space<vmem>>
      %dma_start3A_253 = tpu.memref_slice %arg4[%run_scoped3A_233, %multiple_of3A] : memref<32x16384xf32, #tpu.memory_space<hbm>> -> memref<1x512xf32, #tpu.memory_space<hbm>>
      %dma_start3A_254 = tpu.memref_squeeze %dma_start3A_253 : memref<1x512xf32, #tpu.memory_space<hbm>> -> memref<512xf32, #tpu.memory_space<hbm>>
      %dma_start3A_255 = tpu.memref_slice %arg4[%run_scoped3A_233, %multiple_of3A] : memref<32x16384xf32, #tpu.memory_space<hbm>> -> memref<1x512xf32, #tpu.memory_space<hbm>>
      %dma_start3A_256 = tpu.memref_squeeze %dma_start3A_255 : memref<1x512xf32, #tpu.memory_space<hbm>> -> memref<512xf32, #tpu.memory_space<hbm>>
      %dma_start3A_257 = arith.constant 7680 : i32
      %dma_start3A_258 = tpu.memref_slice %arg6[%dma_start3A_257] : memref<16384xf32, #tpu.memory_space<vmem>> -> memref<512xf32, #tpu.memory_space<vmem>>
      tpu.enqueue_dma source(%dma_start3A_258 : memref<512xf32, #tpu.memory_space<vmem>>) target(%dma_start3A_256 : memref<512xf32, #tpu.memory_space<hbm>>) target_semaphore(%run_scoped3A_250 : memref<!tpu.dma_semaphore, #tpu.memory_space<semaphore_mem>>)
      %dma_wait3A_259 = arith.constant 7680 : i32
      %dma_wait3A_260 = tpu.memref_slice %arg6[%dma_wait3A_259] : memref<16384xf32, #tpu.memory_space<vmem>> -> memref<512xf32, #tpu.memory_space<vmem>>
      %dma_wait3A_261 = tpu.memref_slice %arg4[%run_scoped3A_233, %multiple_of3A] : memref<32x16384xf32, #tpu.memory_space<hbm>> -> memref<1x512xf32, #tpu.memory_space<hbm>>
      %dma_wait3A_262 = tpu.memref_squeeze %dma_wait3A_261 : memref<1x512xf32, #tpu.memory_space<hbm>> -> memref<512xf32, #tpu.memory_space<hbm>>
      %dma_wait3A_263 = tpu.memref_slice %arg4[%run_scoped3A_233, %multiple_of3A] : memref<32x16384xf32, #tpu.memory_space<hbm>> -> memref<1x512xf32, #tpu.memory_space<hbm>>
      %dma_wait3A_264 = tpu.memref_squeeze %dma_wait3A_263 : memref<1x512xf32, #tpu.memory_space<hbm>> -> memref<512xf32, #tpu.memory_space<hbm>>
      %dma_wait3A_265 = arith.constant 7680 : i32
      %dma_wait3A_266 = tpu.memref_slice %arg6[%dma_wait3A_265] : memref<16384xf32, #tpu.memory_space<vmem>> -> memref<512xf32, #tpu.memory_space<vmem>>
      tpu.wait_dma2 semaphore(%run_scoped3A_250 : memref<!tpu.dma_semaphore, #tpu.memory_space<semaphore_mem>>) src(%dma_wait3A_266 : memref<512xf32, #tpu.memory_space<vmem>>) dst(%dma_wait3A_264 : memref<512xf32, #tpu.memory_space<hbm>>)
      tpu.yield
    }) : () -> ()
    %run_scoped3A_234 = arith.constant 16 : i32
    "tpu.region"() ({
      %run_scoped3A_250 = tpu.sem_alloc : memref<!tpu.dma_semaphore, #tpu.memory_space<semaphore_mem>>
      %dma_start3A_251 = arith.constant 8192 : i32
      %dma_start3A_252 = tpu.memref_slice %arg6[%dma_start3A_251] : memref<16384xf32, #tpu.memory_space<vmem>> -> memref<512xf32, #tpu.memory_space<vmem>>
      %dma_start3A_253 = tpu.memref_slice %arg4[%run_scoped3A_234, %multiple_of3A] : memref<32x16384xf32, #tpu.memory_space<hbm>> -> memref<1x512xf32, #tpu.memory_space<hbm>>
      %dma_start3A_254 = tpu.memref_squeeze %dma_start3A_253 : memref<1x512xf32, #tpu.memory_space<hbm>> -> memref<512xf32, #tpu.memory_space<hbm>>
      %dma_start3A_255 = tpu.memref_slice %arg4[%run_scoped3A_234, %multiple_of3A] : memref<32x16384xf32, #tpu.memory_space<hbm>> -> memref<1x512xf32, #tpu.memory_space<hbm>>
      %dma_start3A_256 = tpu.memref_squeeze %dma_start3A_255 : memref<1x512xf32, #tpu.memory_space<hbm>> -> memref<512xf32, #tpu.memory_space<hbm>>
      %dma_start3A_257 = arith.constant 8192 : i32
      %dma_start3A_258 = tpu.memref_slice %arg6[%dma_start3A_257] : memref<16384xf32, #tpu.memory_space<vmem>> -> memref<512xf32, #tpu.memory_space<vmem>>
      tpu.enqueue_dma source(%dma_start3A_258 : memref<512xf32, #tpu.memory_space<vmem>>) target(%dma_start3A_256 : memref<512xf32, #tpu.memory_space<hbm>>) target_semaphore(%run_scoped3A_250 : memref<!tpu.dma_semaphore, #tpu.memory_space<semaphore_mem>>)
      %dma_wait3A_259 = arith.constant 8192 : i32
      %dma_wait3A_260 = tpu.memref_slice %arg6[%dma_wait3A_259] : memref<16384xf32, #tpu.memory_space<vmem>> -> memref<512xf32, #tpu.memory_space<vmem>>
      %dma_wait3A_261 = tpu.memref_slice %arg4[%run_scoped3A_234, %multiple_of3A] : memref<32x16384xf32, #tpu.memory_space<hbm>> -> memref<1x512xf32, #tpu.memory_space<hbm>>
      %dma_wait3A_262 = tpu.memref_squeeze %dma_wait3A_261 : memref<1x512xf32, #tpu.memory_space<hbm>> -> memref<512xf32, #tpu.memory_space<hbm>>
      %dma_wait3A_263 = tpu.memref_slice %arg4[%run_scoped3A_234, %multiple_of3A] : memref<32x16384xf32, #tpu.memory_space<hbm>> -> memref<1x512xf32, #tpu.memory_space<hbm>>
      %dma_wait3A_264 = tpu.memref_squeeze %dma_wait3A_263 : memref<1x512xf32, #tpu.memory_space<hbm>> -> memref<512xf32, #tpu.memory_space<hbm>>
      %dma_wait3A_265 = arith.constant 8192 : i32
      %dma_wait3A_266 = tpu.memref_slice %arg6[%dma_wait3A_265] : memref<16384xf32, #tpu.memory_space<vmem>> -> memref<512xf32, #tpu.memory_space<vmem>>
      tpu.wait_dma2 semaphore(%run_scoped3A_250 : memref<!tpu.dma_semaphore, #tpu.memory_space<semaphore_mem>>) src(%dma_wait3A_266 : memref<512xf32, #tpu.memory_space<vmem>>) dst(%dma_wait3A_264 : memref<512xf32, #tpu.memory_space<hbm>>)
      tpu.yield
    }) : () -> ()
    %run_scoped3A_235 = arith.constant 17 : i32
    "tpu.region"() ({
      %run_scoped3A_250 = tpu.sem_alloc : memref<!tpu.dma_semaphore, #tpu.memory_space<semaphore_mem>>
      %dma_start3A_251 = arith.constant 8704 : i32
      %dma_start3A_252 = tpu.memref_slice %arg6[%dma_start3A_251] : memref<16384xf32, #tpu.memory_space<vmem>> -> memref<512xf32, #tpu.memory_space<vmem>>
      %dma_start3A_253 = tpu.memref_slice %arg4[%run_scoped3A_235, %multiple_of3A] : memref<32x16384xf32, #tpu.memory_space<hbm>> -> memref<1x512xf32, #tpu.memory_space<hbm>>
      %dma_start3A_254 = tpu.memref_squeeze %dma_start3A_253 : memref<1x512xf32, #tpu.memory_space<hbm>> -> memref<512xf32, #tpu.memory_space<hbm>>
      %dma_start3A_255 = tpu.memref_slice %arg4[%run_scoped3A_235, %multiple_of3A] : memref<32x16384xf32, #tpu.memory_space<hbm>> -> memref<1x512xf32, #tpu.memory_space<hbm>>
      %dma_start3A_256 = tpu.memref_squeeze %dma_start3A_255 : memref<1x512xf32, #tpu.memory_space<hbm>> -> memref<512xf32, #tpu.memory_space<hbm>>
      %dma_start3A_257 = arith.constant 8704 : i32
      %dma_start3A_258 = tpu.memref_slice %arg6[%dma_start3A_257] : memref<16384xf32, #tpu.memory_space<vmem>> -> memref<512xf32, #tpu.memory_space<vmem>>
      tpu.enqueue_dma source(%dma_start3A_258 : memref<512xf32, #tpu.memory_space<vmem>>) target(%dma_start3A_256 : memref<512xf32, #tpu.memory_space<hbm>>) target_semaphore(%run_scoped3A_250 : memref<!tpu.dma_semaphore, #tpu.memory_space<semaphore_mem>>)
      %dma_wait3A_259 = arith.constant 8704 : i32
      %dma_wait3A_260 = tpu.memref_slice %arg6[%dma_wait3A_259] : memref<16384xf32, #tpu.memory_space<vmem>> -> memref<512xf32, #tpu.memory_space<vmem>>
      %dma_wait3A_261 = tpu.memref_slice %arg4[%run_scoped3A_235, %multiple_of3A] : memref<32x16384xf32, #tpu.memory_space<hbm>> -> memref<1x512xf32, #tpu.memory_space<hbm>>
      %dma_wait3A_262 = tpu.memref_squeeze %dma_wait3A_261 : memref<1x512xf32, #tpu.memory_space<hbm>> -> memref<512xf32, #tpu.memory_space<hbm>>
      %dma_wait3A_263 = tpu.memref_slice %arg4[%run_scoped3A_235, %multiple_of3A] : memref<32x16384xf32, #tpu.memory_space<hbm>> -> memref<1x512xf32, #tpu.memory_space<hbm>>
      %dma_wait3A_264 = tpu.memref_squeeze %dma_wait3A_263 : memref<1x512xf32, #tpu.memory_space<hbm>> -> memref<512xf32, #tpu.memory_space<hbm>>
      %dma_wait3A_265 = arith.constant 8704 : i32
      %dma_wait3A_266 = tpu.memref_slice %arg6[%dma_wait3A_265] : memref<16384xf32, #tpu.memory_space<vmem>> -> memref<512xf32, #tpu.memory_space<vmem>>
      tpu.wait_dma2 semaphore(%run_scoped3A_250 : memref<!tpu.dma_semaphore, #tpu.memory_space<semaphore_mem>>) src(%dma_wait3A_266 : memref<512xf32, #tpu.memory_space<vmem>>) dst(%dma_wait3A_264 : memref<512xf32, #tpu.memory_space<hbm>>)
      tpu.yield
    }) : () -> ()
    %run_scoped3A_236 = arith.constant 18 : i32
    "tpu.region"() ({
      %run_scoped3A_250 = tpu.sem_alloc : memref<!tpu.dma_semaphore, #tpu.memory_space<semaphore_mem>>
      %dma_start3A_251 = arith.constant 9216 : i32
      %dma_start3A_252 = tpu.memref_slice %arg6[%dma_start3A_251] : memref<16384xf32, #tpu.memory_space<vmem>> -> memref<512xf32, #tpu.memory_space<vmem>>
      %dma_start3A_253 = tpu.memref_slice %arg4[%run_scoped3A_236, %multiple_of3A] : memref<32x16384xf32, #tpu.memory_space<hbm>> -> memref<1x512xf32, #tpu.memory_space<hbm>>
      %dma_start3A_254 = tpu.memref_squeeze %dma_start3A_253 : memref<1x512xf32, #tpu.memory_space<hbm>> -> memref<512xf32, #tpu.memory_space<hbm>>
      %dma_start3A_255 = tpu.memref_slice %arg4[%run_scoped3A_236, %multiple_of3A] : memref<32x16384xf32, #tpu.memory_space<hbm>> -> memref<1x512xf32, #tpu.memory_space<hbm>>
      %dma_start3A_256 = tpu.memref_squeeze %dma_start3A_255 : memref<1x512xf32, #tpu.memory_space<hbm>> -> memref<512xf32, #tpu.memory_space<hbm>>
      %dma_start3A_257 = arith.constant 9216 : i32
      %dma_start3A_258 = tpu.memref_slice %arg6[%dma_start3A_257] : memref<16384xf32, #tpu.memory_space<vmem>> -> memref<512xf32, #tpu.memory_space<vmem>>
      tpu.enqueue_dma source(%dma_start3A_258 : memref<512xf32, #tpu.memory_space<vmem>>) target(%dma_start3A_256 : memref<512xf32, #tpu.memory_space<hbm>>) target_semaphore(%run_scoped3A_250 : memref<!tpu.dma_semaphore, #tpu.memory_space<semaphore_mem>>)
      %dma_wait3A_259 = arith.constant 9216 : i32
      %dma_wait3A_260 = tpu.memref_slice %arg6[%dma_wait3A_259] : memref<16384xf32, #tpu.memory_space<vmem>> -> memref<512xf32, #tpu.memory_space<vmem>>
      %dma_wait3A_261 = tpu.memref_slice %arg4[%run_scoped3A_236, %multiple_of3A] : memref<32x16384xf32, #tpu.memory_space<hbm>> -> memref<1x512xf32, #tpu.memory_space<hbm>>
      %dma_wait3A_262 = tpu.memref_squeeze %dma_wait3A_261 : memref<1x512xf32, #tpu.memory_space<hbm>> -> memref<512xf32, #tpu.memory_space<hbm>>
      %dma_wait3A_263 = tpu.memref_slice %arg4[%run_scoped3A_236, %multiple_of3A] : memref<32x16384xf32, #tpu.memory_space<hbm>> -> memref<1x512xf32, #tpu.memory_space<hbm>>
      %dma_wait3A_264 = tpu.memref_squeeze %dma_wait3A_263 : memref<1x512xf32, #tpu.memory_space<hbm>> -> memref<512xf32, #tpu.memory_space<hbm>>
      %dma_wait3A_265 = arith.constant 9216 : i32
      %dma_wait3A_266 = tpu.memref_slice %arg6[%dma_wait3A_265] : memref<16384xf32, #tpu.memory_space<vmem>> -> memref<512xf32, #tpu.memory_space<vmem>>
      tpu.wait_dma2 semaphore(%run_scoped3A_250 : memref<!tpu.dma_semaphore, #tpu.memory_space<semaphore_mem>>) src(%dma_wait3A_266 : memref<512xf32, #tpu.memory_space<vmem>>) dst(%dma_wait3A_264 : memref<512xf32, #tpu.memory_space<hbm>>)
      tpu.yield
    }) : () -> ()
    %run_scoped3A_237 = arith.constant 19 : i32
    "tpu.region"() ({
      %run_scoped3A_250 = tpu.sem_alloc : memref<!tpu.dma_semaphore, #tpu.memory_space<semaphore_mem>>
      %dma_start3A_251 = arith.constant 9728 : i32
      %dma_start3A_252 = tpu.memref_slice %arg6[%dma_start3A_251] : memref<16384xf32, #tpu.memory_space<vmem>> -> memref<512xf32, #tpu.memory_space<vmem>>
      %dma_start3A_253 = tpu.memref_slice %arg4[%run_scoped3A_237, %multiple_of3A] : memref<32x16384xf32, #tpu.memory_space<hbm>> -> memref<1x512xf32, #tpu.memory_space<hbm>>
      %dma_start3A_254 = tpu.memref_squeeze %dma_start3A_253 : memref<1x512xf32, #tpu.memory_space<hbm>> -> memref<512xf32, #tpu.memory_space<hbm>>
      %dma_start3A_255 = tpu.memref_slice %arg4[%run_scoped3A_237, %multiple_of3A] : memref<32x16384xf32, #tpu.memory_space<hbm>> -> memref<1x512xf32, #tpu.memory_space<hbm>>
      %dma_start3A_256 = tpu.memref_squeeze %dma_start3A_255 : memref<1x512xf32, #tpu.memory_space<hbm>> -> memref<512xf32, #tpu.memory_space<hbm>>
      %dma_start3A_257 = arith.constant 9728 : i32
      %dma_start3A_258 = tpu.memref_slice %arg6[%dma_start3A_257] : memref<16384xf32, #tpu.memory_space<vmem>> -> memref<512xf32, #tpu.memory_space<vmem>>
      tpu.enqueue_dma source(%dma_start3A_258 : memref<512xf32, #tpu.memory_space<vmem>>) target(%dma_start3A_256 : memref<512xf32, #tpu.memory_space<hbm>>) target_semaphore(%run_scoped3A_250 : memref<!tpu.dma_semaphore, #tpu.memory_space<semaphore_mem>>)
      %dma_wait3A_259 = arith.constant 9728 : i32
      %dma_wait3A_260 = tpu.memref_slice %arg6[%dma_wait3A_259] : memref<16384xf32, #tpu.memory_space<vmem>> -> memref<512xf32, #tpu.memory_space<vmem>>
      %dma_wait3A_261 = tpu.memref_slice %arg4[%run_scoped3A_237, %multiple_of3A] : memref<32x16384xf32, #tpu.memory_space<hbm>> -> memref<1x512xf32, #tpu.memory_space<hbm>>
      %dma_wait3A_262 = tpu.memref_squeeze %dma_wait3A_261 : memref<1x512xf32, #tpu.memory_space<hbm>> -> memref<512xf32, #tpu.memory_space<hbm>>
      %dma_wait3A_263 = tpu.memref_slice %arg4[%run_scoped3A_237, %multiple_of3A] : memref<32x16384xf32, #tpu.memory_space<hbm>> -> memref<1x512xf32, #tpu.memory_space<hbm>>
      %dma_wait3A_264 = tpu.memref_squeeze %dma_wait3A_263 : memref<1x512xf32, #tpu.memory_space<hbm>> -> memref<512xf32, #tpu.memory_space<hbm>>
      %dma_wait3A_265 = arith.constant 9728 : i32
      %dma_wait3A_266 = tpu.memref_slice %arg6[%dma_wait3A_265] : memref<16384xf32, #tpu.memory_space<vmem>> -> memref<512xf32, #tpu.memory_space<vmem>>
      tpu.wait_dma2 semaphore(%run_scoped3A_250 : memref<!tpu.dma_semaphore, #tpu.memory_space<semaphore_mem>>) src(%dma_wait3A_266 : memref<512xf32, #tpu.memory_space<vmem>>) dst(%dma_wait3A_264 : memref<512xf32, #tpu.memory_space<hbm>>)
      tpu.yield
    }) : () -> ()
    %run_scoped3A_238 = arith.constant 20 : i32
    "tpu.region"() ({
      %run_scoped3A_250 = tpu.sem_alloc : memref<!tpu.dma_semaphore, #tpu.memory_space<semaphore_mem>>
      %dma_start3A_251 = arith.constant 10240 : i32
      %dma_start3A_252 = tpu.memref_slice %arg6[%dma_start3A_251] : memref<16384xf32, #tpu.memory_space<vmem>> -> memref<512xf32, #tpu.memory_space<vmem>>
      %dma_start3A_253 = tpu.memref_slice %arg4[%run_scoped3A_238, %multiple_of3A] : memref<32x16384xf32, #tpu.memory_space<hbm>> -> memref<1x512xf32, #tpu.memory_space<hbm>>
      %dma_start3A_254 = tpu.memref_squeeze %dma_start3A_253 : memref<1x512xf32, #tpu.memory_space<hbm>> -> memref<512xf32, #tpu.memory_space<hbm>>
      %dma_start3A_255 = tpu.memref_slice %arg4[%run_scoped3A_238, %multiple_of3A] : memref<32x16384xf32, #tpu.memory_space<hbm>> -> memref<1x512xf32, #tpu.memory_space<hbm>>
      %dma_start3A_256 = tpu.memref_squeeze %dma_start3A_255 : memref<1x512xf32, #tpu.memory_space<hbm>> -> memref<512xf32, #tpu.memory_space<hbm>>
      %dma_start3A_257 = arith.constant 10240 : i32
      %dma_start3A_258 = tpu.memref_slice %arg6[%dma_start3A_257] : memref<16384xf32, #tpu.memory_space<vmem>> -> memref<512xf32, #tpu.memory_space<vmem>>
      tpu.enqueue_dma source(%dma_start3A_258 : memref<512xf32, #tpu.memory_space<vmem>>) target(%dma_start3A_256 : memref<512xf32, #tpu.memory_space<hbm>>) target_semaphore(%run_scoped3A_250 : memref<!tpu.dma_semaphore, #tpu.memory_space<semaphore_mem>>)
      %dma_wait3A_259 = arith.constant 10240 : i32
      %dma_wait3A_260 = tpu.memref_slice %arg6[%dma_wait3A_259] : memref<16384xf32, #tpu.memory_space<vmem>> -> memref<512xf32, #tpu.memory_space<vmem>>
      %dma_wait3A_261 = tpu.memref_slice %arg4[%run_scoped3A_238, %multiple_of3A] : memref<32x16384xf32, #tpu.memory_space<hbm>> -> memref<1x512xf32, #tpu.memory_space<hbm>>
      %dma_wait3A_262 = tpu.memref_squeeze %dma_wait3A_261 : memref<1x512xf32, #tpu.memory_space<hbm>> -> memref<512xf32, #tpu.memory_space<hbm>>
      %dma_wait3A_263 = tpu.memref_slice %arg4[%run_scoped3A_238, %multiple_of3A] : memref<32x16384xf32, #tpu.memory_space<hbm>> -> memref<1x512xf32, #tpu.memory_space<hbm>>
      %dma_wait3A_264 = tpu.memref_squeeze %dma_wait3A_263 : memref<1x512xf32, #tpu.memory_space<hbm>> -> memref<512xf32, #tpu.memory_space<hbm>>
      %dma_wait3A_265 = arith.constant 10240 : i32
      %dma_wait3A_266 = tpu.memref_slice %arg6[%dma_wait3A_265] : memref<16384xf32, #tpu.memory_space<vmem>> -> memref<512xf32, #tpu.memory_space<vmem>>
      tpu.wait_dma2 semaphore(%run_scoped3A_250 : memref<!tpu.dma_semaphore, #tpu.memory_space<semaphore_mem>>) src(%dma_wait3A_266 : memref<512xf32, #tpu.memory_space<vmem>>) dst(%dma_wait3A_264 : memref<512xf32, #tpu.memory_space<hbm>>)
      tpu.yield
    }) : () -> ()
    %run_scoped3A_239 = arith.constant 21 : i32
    "tpu.region"() ({
      %run_scoped3A_250 = tpu.sem_alloc : memref<!tpu.dma_semaphore, #tpu.memory_space<semaphore_mem>>
      %dma_start3A_251 = arith.constant 10752 : i32
      %dma_start3A_252 = tpu.memref_slice %arg6[%dma_start3A_251] : memref<16384xf32, #tpu.memory_space<vmem>> -> memref<512xf32, #tpu.memory_space<vmem>>
      %dma_start3A_253 = tpu.memref_slice %arg4[%run_scoped3A_239, %multiple_of3A] : memref<32x16384xf32, #tpu.memory_space<hbm>> -> memref<1x512xf32, #tpu.memory_space<hbm>>
      %dma_start3A_254 = tpu.memref_squeeze %dma_start3A_253 : memref<1x512xf32, #tpu.memory_space<hbm>> -> memref<512xf32, #tpu.memory_space<hbm>>
      %dma_start3A_255 = tpu.memref_slice %arg4[%run_scoped3A_239, %multiple_of3A] : memref<32x16384xf32, #tpu.memory_space<hbm>> -> memref<1x512xf32, #tpu.memory_space<hbm>>
      %dma_start3A_256 = tpu.memref_squeeze %dma_start3A_255 : memref<1x512xf32, #tpu.memory_space<hbm>> -> memref<512xf32, #tpu.memory_space<hbm>>
      %dma_start3A_257 = arith.constant 10752 : i32
      %dma_start3A_258 = tpu.memref_slice %arg6[%dma_start3A_257] : memref<16384xf32, #tpu.memory_space<vmem>> -> memref<512xf32, #tpu.memory_space<vmem>>
      tpu.enqueue_dma source(%dma_start3A_258 : memref<512xf32, #tpu.memory_space<vmem>>) target(%dma_start3A_256 : memref<512xf32, #tpu.memory_space<hbm>>) target_semaphore(%run_scoped3A_250 : memref<!tpu.dma_semaphore, #tpu.memory_space<semaphore_mem>>)
      %dma_wait3A_259 = arith.constant 10752 : i32
      %dma_wait3A_260 = tpu.memref_slice %arg6[%dma_wait3A_259] : memref<16384xf32, #tpu.memory_space<vmem>> -> memref<512xf32, #tpu.memory_space<vmem>>
      %dma_wait3A_261 = tpu.memref_slice %arg4[%run_scoped3A_239, %multiple_of3A] : memref<32x16384xf32, #tpu.memory_space<hbm>> -> memref<1x512xf32, #tpu.memory_space<hbm>>
      %dma_wait3A_262 = tpu.memref_squeeze %dma_wait3A_261 : memref<1x512xf32, #tpu.memory_space<hbm>> -> memref<512xf32, #tpu.memory_space<hbm>>
      %dma_wait3A_263 = tpu.memref_slice %arg4[%run_scoped3A_239, %multiple_of3A] : memref<32x16384xf32, #tpu.memory_space<hbm>> -> memref<1x512xf32, #tpu.memory_space<hbm>>
      %dma_wait3A_264 = tpu.memref_squeeze %dma_wait3A_263 : memref<1x512xf32, #tpu.memory_space<hbm>> -> memref<512xf32, #tpu.memory_space<hbm>>
      %dma_wait3A_265 = arith.constant 10752 : i32
      %dma_wait3A_266 = tpu.memref_slice %arg6[%dma_wait3A_265] : memref<16384xf32, #tpu.memory_space<vmem>> -> memref<512xf32, #tpu.memory_space<vmem>>
      tpu.wait_dma2 semaphore(%run_scoped3A_250 : memref<!tpu.dma_semaphore, #tpu.memory_space<semaphore_mem>>) src(%dma_wait3A_266 : memref<512xf32, #tpu.memory_space<vmem>>) dst(%dma_wait3A_264 : memref<512xf32, #tpu.memory_space<hbm>>)
      tpu.yield
    }) : () -> ()
    %run_scoped3A_240 = arith.constant 22 : i32
    "tpu.region"() ({
      %run_scoped3A_250 = tpu.sem_alloc : memref<!tpu.dma_semaphore, #tpu.memory_space<semaphore_mem>>
      %dma_start3A_251 = arith.constant 11264 : i32
      %dma_start3A_252 = tpu.memref_slice %arg6[%dma_start3A_251] : memref<16384xf32, #tpu.memory_space<vmem>> -> memref<512xf32, #tpu.memory_space<vmem>>
      %dma_start3A_253 = tpu.memref_slice %arg4[%run_scoped3A_240, %multiple_of3A] : memref<32x16384xf32, #tpu.memory_space<hbm>> -> memref<1x512xf32, #tpu.memory_space<hbm>>
      %dma_start3A_254 = tpu.memref_squeeze %dma_start3A_253 : memref<1x512xf32, #tpu.memory_space<hbm>> -> memref<512xf32, #tpu.memory_space<hbm>>
      %dma_start3A_255 = tpu.memref_slice %arg4[%run_scoped3A_240, %multiple_of3A] : memref<32x16384xf32, #tpu.memory_space<hbm>> -> memref<1x512xf32, #tpu.memory_space<hbm>>
      %dma_start3A_256 = tpu.memref_squeeze %dma_start3A_255 : memref<1x512xf32, #tpu.memory_space<hbm>> -> memref<512xf32, #tpu.memory_space<hbm>>
      %dma_start3A_257 = arith.constant 11264 : i32
      %dma_start3A_258 = tpu.memref_slice %arg6[%dma_start3A_257] : memref<16384xf32, #tpu.memory_space<vmem>> -> memref<512xf32, #tpu.memory_space<vmem>>
      tpu.enqueue_dma source(%dma_start3A_258 : memref<512xf32, #tpu.memory_space<vmem>>) target(%dma_start3A_256 : memref<512xf32, #tpu.memory_space<hbm>>) target_semaphore(%run_scoped3A_250 : memref<!tpu.dma_semaphore, #tpu.memory_space<semaphore_mem>>)
      %dma_wait3A_259 = arith.constant 11264 : i32
      %dma_wait3A_260 = tpu.memref_slice %arg6[%dma_wait3A_259] : memref<16384xf32, #tpu.memory_space<vmem>> -> memref<512xf32, #tpu.memory_space<vmem>>
      %dma_wait3A_261 = tpu.memref_slice %arg4[%run_scoped3A_240, %multiple_of3A] : memref<32x16384xf32, #tpu.memory_space<hbm>> -> memref<1x512xf32, #tpu.memory_space<hbm>>
      %dma_wait3A_262 = tpu.memref_squeeze %dma_wait3A_261 : memref<1x512xf32, #tpu.memory_space<hbm>> -> memref<512xf32, #tpu.memory_space<hbm>>
      %dma_wait3A_263 = tpu.memref_slice %arg4[%run_scoped3A_240, %multiple_of3A] : memref<32x16384xf32, #tpu.memory_space<hbm>> -> memref<1x512xf32, #tpu.memory_space<hbm>>
      %dma_wait3A_264 = tpu.memref_squeeze %dma_wait3A_263 : memref<1x512xf32, #tpu.memory_space<hbm>> -> memref<512xf32, #tpu.memory_space<hbm>>
      %dma_wait3A_265 = arith.constant 11264 : i32
      %dma_wait3A_266 = tpu.memref_slice %arg6[%dma_wait3A_265] : memref<16384xf32, #tpu.memory_space<vmem>> -> memref<512xf32, #tpu.memory_space<vmem>>
      tpu.wait_dma2 semaphore(%run_scoped3A_250 : memref<!tpu.dma_semaphore, #tpu.memory_space<semaphore_mem>>) src(%dma_wait3A_266 : memref<512xf32, #tpu.memory_space<vmem>>) dst(%dma_wait3A_264 : memref<512xf32, #tpu.memory_space<hbm>>)
      tpu.yield
    }) : () -> ()
    %run_scoped3A_241 = arith.constant 23 : i32
    "tpu.region"() ({
      %run_scoped3A_250 = tpu.sem_alloc : memref<!tpu.dma_semaphore, #tpu.memory_space<semaphore_mem>>
      %dma_start3A_251 = arith.constant 11776 : i32
      %dma_start3A_252 = tpu.memref_slice %arg6[%dma_start3A_251] : memref<16384xf32, #tpu.memory_space<vmem>> -> memref<512xf32, #tpu.memory_space<vmem>>
      %dma_start3A_253 = tpu.memref_slice %arg4[%run_scoped3A_241, %multiple_of3A] : memref<32x16384xf32, #tpu.memory_space<hbm>> -> memref<1x512xf32, #tpu.memory_space<hbm>>
      %dma_start3A_254 = tpu.memref_squeeze %dma_start3A_253 : memref<1x512xf32, #tpu.memory_space<hbm>> -> memref<512xf32, #tpu.memory_space<hbm>>
      %dma_start3A_255 = tpu.memref_slice %arg4[%run_scoped3A_241, %multiple_of3A] : memref<32x16384xf32, #tpu.memory_space<hbm>> -> memref<1x512xf32, #tpu.memory_space<hbm>>
      %dma_start3A_256 = tpu.memref_squeeze %dma_start3A_255 : memref<1x512xf32, #tpu.memory_space<hbm>> -> memref<512xf32, #tpu.memory_space<hbm>>
      %dma_start3A_257 = arith.constant 11776 : i32
      %dma_start3A_258 = tpu.memref_slice %arg6[%dma_start3A_257] : memref<16384xf32, #tpu.memory_space<vmem>> -> memref<512xf32, #tpu.memory_space<vmem>>
      tpu.enqueue_dma source(%dma_start3A_258 : memref<512xf32, #tpu.memory_space<vmem>>) target(%dma_start3A_256 : memref<512xf32, #tpu.memory_space<hbm>>) target_semaphore(%run_scoped3A_250 : memref<!tpu.dma_semaphore, #tpu.memory_space<semaphore_mem>>)
      %dma_wait3A_259 = arith.constant 11776 : i32
      %dma_wait3A_260 = tpu.memref_slice %arg6[%dma_wait3A_259] : memref<16384xf32, #tpu.memory_space<vmem>> -> memref<512xf32, #tpu.memory_space<vmem>>
      %dma_wait3A_261 = tpu.memref_slice %arg4[%run_scoped3A_241, %multiple_of3A] : memref<32x16384xf32, #tpu.memory_space<hbm>> -> memref<1x512xf32, #tpu.memory_space<hbm>>
      %dma_wait3A_262 = tpu.memref_squeeze %dma_wait3A_261 : memref<1x512xf32, #tpu.memory_space<hbm>> -> memref<512xf32, #tpu.memory_space<hbm>>
      %dma_wait3A_263 = tpu.memref_slice %arg4[%run_scoped3A_241, %multiple_of3A] : memref<32x16384xf32, #tpu.memory_space<hbm>> -> memref<1x512xf32, #tpu.memory_space<hbm>>
      %dma_wait3A_264 = tpu.memref_squeeze %dma_wait3A_263 : memref<1x512xf32, #tpu.memory_space<hbm>> -> memref<512xf32, #tpu.memory_space<hbm>>
      %dma_wait3A_265 = arith.constant 11776 : i32
      %dma_wait3A_266 = tpu.memref_slice %arg6[%dma_wait3A_265] : memref<16384xf32, #tpu.memory_space<vmem>> -> memref<512xf32, #tpu.memory_space<vmem>>
      tpu.wait_dma2 semaphore(%run_scoped3A_250 : memref<!tpu.dma_semaphore, #tpu.memory_space<semaphore_mem>>) src(%dma_wait3A_266 : memref<512xf32, #tpu.memory_space<vmem>>) dst(%dma_wait3A_264 : memref<512xf32, #tpu.memory_space<hbm>>)
      tpu.yield
    }) : () -> ()
    %run_scoped3A_242 = arith.constant 24 : i32
    "tpu.region"() ({
      %run_scoped3A_250 = tpu.sem_alloc : memref<!tpu.dma_semaphore, #tpu.memory_space<semaphore_mem>>
      %dma_start3A_251 = arith.constant 12288 : i32
      %dma_start3A_252 = tpu.memref_slice %arg6[%dma_start3A_251] : memref<16384xf32, #tpu.memory_space<vmem>> -> memref<512xf32, #tpu.memory_space<vmem>>
      %dma_start3A_253 = tpu.memref_slice %arg4[%run_scoped3A_242, %multiple_of3A] : memref<32x16384xf32, #tpu.memory_space<hbm>> -> memref<1x512xf32, #tpu.memory_space<hbm>>
      %dma_start3A_254 = tpu.memref_squeeze %dma_start3A_253 : memref<1x512xf32, #tpu.memory_space<hbm>> -> memref<512xf32, #tpu.memory_space<hbm>>
      %dma_start3A_255 = tpu.memref_slice %arg4[%run_scoped3A_242, %multiple_of3A] : memref<32x16384xf32, #tpu.memory_space<hbm>> -> memref<1x512xf32, #tpu.memory_space<hbm>>
      %dma_start3A_256 = tpu.memref_squeeze %dma_start3A_255 : memref<1x512xf32, #tpu.memory_space<hbm>> -> memref<512xf32, #tpu.memory_space<hbm>>
      %dma_start3A_257 = arith.constant 12288 : i32
      %dma_start3A_258 = tpu.memref_slice %arg6[%dma_start3A_257] : memref<16384xf32, #tpu.memory_space<vmem>> -> memref<512xf32, #tpu.memory_space<vmem>>
      tpu.enqueue_dma source(%dma_start3A_258 : memref<512xf32, #tpu.memory_space<vmem>>) target(%dma_start3A_256 : memref<512xf32, #tpu.memory_space<hbm>>) target_semaphore(%run_scoped3A_250 : memref<!tpu.dma_semaphore, #tpu.memory_space<semaphore_mem>>)
      %dma_wait3A_259 = arith.constant 12288 : i32
      %dma_wait3A_260 = tpu.memref_slice %arg6[%dma_wait3A_259] : memref<16384xf32, #tpu.memory_space<vmem>> -> memref<512xf32, #tpu.memory_space<vmem>>
      %dma_wait3A_261 = tpu.memref_slice %arg4[%run_scoped3A_242, %multiple_of3A] : memref<32x16384xf32, #tpu.memory_space<hbm>> -> memref<1x512xf32, #tpu.memory_space<hbm>>
      %dma_wait3A_262 = tpu.memref_squeeze %dma_wait3A_261 : memref<1x512xf32, #tpu.memory_space<hbm>> -> memref<512xf32, #tpu.memory_space<hbm>>
      %dma_wait3A_263 = tpu.memref_slice %arg4[%run_scoped3A_242, %multiple_of3A] : memref<32x16384xf32, #tpu.memory_space<hbm>> -> memref<1x512xf32, #tpu.memory_space<hbm>>
      %dma_wait3A_264 = tpu.memref_squeeze %dma_wait3A_263 : memref<1x512xf32, #tpu.memory_space<hbm>> -> memref<512xf32, #tpu.memory_space<hbm>>
      %dma_wait3A_265 = arith.constant 12288 : i32
      %dma_wait3A_266 = tpu.memref_slice %arg6[%dma_wait3A_265] : memref<16384xf32, #tpu.memory_space<vmem>> -> memref<512xf32, #tpu.memory_space<vmem>>
      tpu.wait_dma2 semaphore(%run_scoped3A_250 : memref<!tpu.dma_semaphore, #tpu.memory_space<semaphore_mem>>) src(%dma_wait3A_266 : memref<512xf32, #tpu.memory_space<vmem>>) dst(%dma_wait3A_264 : memref<512xf32, #tpu.memory_space<hbm>>)
      tpu.yield
    }) : () -> ()
    %run_scoped3A_243 = arith.constant 25 : i32
    "tpu.region"() ({
      %run_scoped3A_250 = tpu.sem_alloc : memref<!tpu.dma_semaphore, #tpu.memory_space<semaphore_mem>>
      %dma_start3A_251 = arith.constant 12800 : i32
      %dma_start3A_252 = tpu.memref_slice %arg6[%dma_start3A_251] : memref<16384xf32, #tpu.memory_space<vmem>> -> memref<512xf32, #tpu.memory_space<vmem>>
      %dma_start3A_253 = tpu.memref_slice %arg4[%run_scoped3A_243, %multiple_of3A] : memref<32x16384xf32, #tpu.memory_space<hbm>> -> memref<1x512xf32, #tpu.memory_space<hbm>>
      %dma_start3A_254 = tpu.memref_squeeze %dma_start3A_253 : memref<1x512xf32, #tpu.memory_space<hbm>> -> memref<512xf32, #tpu.memory_space<hbm>>
      %dma_start3A_255 = tpu.memref_slice %arg4[%run_scoped3A_243, %multiple_of3A] : memref<32x16384xf32, #tpu.memory_space<hbm>> -> memref<1x512xf32, #tpu.memory_space<hbm>>
      %dma_start3A_256 = tpu.memref_squeeze %dma_start3A_255 : memref<1x512xf32, #tpu.memory_space<hbm>> -> memref<512xf32, #tpu.memory_space<hbm>>
      %dma_start3A_257 = arith.constant 12800 : i32
      %dma_start3A_258 = tpu.memref_slice %arg6[%dma_start3A_257] : memref<16384xf32, #tpu.memory_space<vmem>> -> memref<512xf32, #tpu.memory_space<vmem>>
      tpu.enqueue_dma source(%dma_start3A_258 : memref<512xf32, #tpu.memory_space<vmem>>) target(%dma_start3A_256 : memref<512xf32, #tpu.memory_space<hbm>>) target_semaphore(%run_scoped3A_250 : memref<!tpu.dma_semaphore, #tpu.memory_space<semaphore_mem>>)
      %dma_wait3A_259 = arith.constant 12800 : i32
      %dma_wait3A_260 = tpu.memref_slice %arg6[%dma_wait3A_259] : memref<16384xf32, #tpu.memory_space<vmem>> -> memref<512xf32, #tpu.memory_space<vmem>>
      %dma_wait3A_261 = tpu.memref_slice %arg4[%run_scoped3A_243, %multiple_of3A] : memref<32x16384xf32, #tpu.memory_space<hbm>> -> memref<1x512xf32, #tpu.memory_space<hbm>>
      %dma_wait3A_262 = tpu.memref_squeeze %dma_wait3A_261 : memref<1x512xf32, #tpu.memory_space<hbm>> -> memref<512xf32, #tpu.memory_space<hbm>>
      %dma_wait3A_263 = tpu.memref_slice %arg4[%run_scoped3A_243, %multiple_of3A] : memref<32x16384xf32, #tpu.memory_space<hbm>> -> memref<1x512xf32, #tpu.memory_space<hbm>>
      %dma_wait3A_264 = tpu.memref_squeeze %dma_wait3A_263 : memref<1x512xf32, #tpu.memory_space<hbm>> -> memref<512xf32, #tpu.memory_space<hbm>>
      %dma_wait3A_265 = arith.constant 12800 : i32
      %dma_wait3A_266 = tpu.memref_slice %arg6[%dma_wait3A_265] : memref<16384xf32, #tpu.memory_space<vmem>> -> memref<512xf32, #tpu.memory_space<vmem>>
      tpu.wait_dma2 semaphore(%run_scoped3A_250 : memref<!tpu.dma_semaphore, #tpu.memory_space<semaphore_mem>>) src(%dma_wait3A_266 : memref<512xf32, #tpu.memory_space<vmem>>) dst(%dma_wait3A_264 : memref<512xf32, #tpu.memory_space<hbm>>)
      tpu.yield
    }) : () -> ()
    %run_scoped3A_244 = arith.constant 26 : i32
    "tpu.region"() ({
      %run_scoped3A_250 = tpu.sem_alloc : memref<!tpu.dma_semaphore, #tpu.memory_space<semaphore_mem>>
      %dma_start3A_251 = arith.constant 13312 : i32
      %dma_start3A_252 = tpu.memref_slice %arg6[%dma_start3A_251] : memref<16384xf32, #tpu.memory_space<vmem>> -> memref<512xf32, #tpu.memory_space<vmem>>
      %dma_start3A_253 = tpu.memref_slice %arg4[%run_scoped3A_244, %multiple_of3A] : memref<32x16384xf32, #tpu.memory_space<hbm>> -> memref<1x512xf32, #tpu.memory_space<hbm>>
      %dma_start3A_254 = tpu.memref_squeeze %dma_start3A_253 : memref<1x512xf32, #tpu.memory_space<hbm>> -> memref<512xf32, #tpu.memory_space<hbm>>
      %dma_start3A_255 = tpu.memref_slice %arg4[%run_scoped3A_244, %multiple_of3A] : memref<32x16384xf32, #tpu.memory_space<hbm>> -> memref<1x512xf32, #tpu.memory_space<hbm>>
      %dma_start3A_256 = tpu.memref_squeeze %dma_start3A_255 : memref<1x512xf32, #tpu.memory_space<hbm>> -> memref<512xf32, #tpu.memory_space<hbm>>
      %dma_start3A_257 = arith.constant 13312 : i32
      %dma_start3A_258 = tpu.memref_slice %arg6[%dma_start3A_257] : memref<16384xf32, #tpu.memory_space<vmem>> -> memref<512xf32, #tpu.memory_space<vmem>>
      tpu.enqueue_dma source(%dma_start3A_258 : memref<512xf32, #tpu.memory_space<vmem>>) target(%dma_start3A_256 : memref<512xf32, #tpu.memory_space<hbm>>) target_semaphore(%run_scoped3A_250 : memref<!tpu.dma_semaphore, #tpu.memory_space<semaphore_mem>>)
      %dma_wait3A_259 = arith.constant 13312 : i32
      %dma_wait3A_260 = tpu.memref_slice %arg6[%dma_wait3A_259] : memref<16384xf32, #tpu.memory_space<vmem>> -> memref<512xf32, #tpu.memory_space<vmem>>
      %dma_wait3A_261 = tpu.memref_slice %arg4[%run_scoped3A_244, %multiple_of3A] : memref<32x16384xf32, #tpu.memory_space<hbm>> -> memref<1x512xf32, #tpu.memory_space<hbm>>
      %dma_wait3A_262 = tpu.memref_squeeze %dma_wait3A_261 : memref<1x512xf32, #tpu.memory_space<hbm>> -> memref<512xf32, #tpu.memory_space<hbm>>
      %dma_wait3A_263 = tpu.memref_slice %arg4[%run_scoped3A_244, %multiple_of3A] : memref<32x16384xf32, #tpu.memory_space<hbm>> -> memref<1x512xf32, #tpu.memory_space<hbm>>
      %dma_wait3A_264 = tpu.memref_squeeze %dma_wait3A_263 : memref<1x512xf32, #tpu.memory_space<hbm>> -> memref<512xf32, #tpu.memory_space<hbm>>
      %dma_wait3A_265 = arith.constant 13312 : i32
      %dma_wait3A_266 = tpu.memref_slice %arg6[%dma_wait3A_265] : memref<16384xf32, #tpu.memory_space<vmem>> -> memref<512xf32, #tpu.memory_space<vmem>>
      tpu.wait_dma2 semaphore(%run_scoped3A_250 : memref<!tpu.dma_semaphore, #tpu.memory_space<semaphore_mem>>) src(%dma_wait3A_266 : memref<512xf32, #tpu.memory_space<vmem>>) dst(%dma_wait3A_264 : memref<512xf32, #tpu.memory_space<hbm>>)
      tpu.yield
    }) : () -> ()
    %run_scoped3A_245 = arith.constant 27 : i32
    "tpu.region"() ({
      %run_scoped3A_250 = tpu.sem_alloc : memref<!tpu.dma_semaphore, #tpu.memory_space<semaphore_mem>>
      %dma_start3A_251 = arith.constant 13824 : i32
      %dma_start3A_252 = tpu.memref_slice %arg6[%dma_start3A_251] : memref<16384xf32, #tpu.memory_space<vmem>> -> memref<512xf32, #tpu.memory_space<vmem>>
      %dma_start3A_253 = tpu.memref_slice %arg4[%run_scoped3A_245, %multiple_of3A] : memref<32x16384xf32, #tpu.memory_space<hbm>> -> memref<1x512xf32, #tpu.memory_space<hbm>>
      %dma_start3A_254 = tpu.memref_squeeze %dma_start3A_253 : memref<1x512xf32, #tpu.memory_space<hbm>> -> memref<512xf32, #tpu.memory_space<hbm>>
      %dma_start3A_255 = tpu.memref_slice %arg4[%run_scoped3A_245, %multiple_of3A] : memref<32x16384xf32, #tpu.memory_space<hbm>> -> memref<1x512xf32, #tpu.memory_space<hbm>>
      %dma_start3A_256 = tpu.memref_squeeze %dma_start3A_255 : memref<1x512xf32, #tpu.memory_space<hbm>> -> memref<512xf32, #tpu.memory_space<hbm>>
      %dma_start3A_257 = arith.constant 13824 : i32
      %dma_start3A_258 = tpu.memref_slice %arg6[%dma_start3A_257] : memref<16384xf32, #tpu.memory_space<vmem>> -> memref<512xf32, #tpu.memory_space<vmem>>
      tpu.enqueue_dma source(%dma_start3A_258 : memref<512xf32, #tpu.memory_space<vmem>>) target(%dma_start3A_256 : memref<512xf32, #tpu.memory_space<hbm>>) target_semaphore(%run_scoped3A_250 : memref<!tpu.dma_semaphore, #tpu.memory_space<semaphore_mem>>)
      %dma_wait3A_259 = arith.constant 13824 : i32
      %dma_wait3A_260 = tpu.memref_slice %arg6[%dma_wait3A_259] : memref<16384xf32, #tpu.memory_space<vmem>> -> memref<512xf32, #tpu.memory_space<vmem>>
      %dma_wait3A_261 = tpu.memref_slice %arg4[%run_scoped3A_245, %multiple_of3A] : memref<32x16384xf32, #tpu.memory_space<hbm>> -> memref<1x512xf32, #tpu.memory_space<hbm>>
      %dma_wait3A_262 = tpu.memref_squeeze %dma_wait3A_261 : memref<1x512xf32, #tpu.memory_space<hbm>> -> memref<512xf32, #tpu.memory_space<hbm>>
      %dma_wait3A_263 = tpu.memref_slice %arg4[%run_scoped3A_245, %multiple_of3A] : memref<32x16384xf32, #tpu.memory_space<hbm>> -> memref<1x512xf32, #tpu.memory_space<hbm>>
      %dma_wait3A_264 = tpu.memref_squeeze %dma_wait3A_263 : memref<1x512xf32, #tpu.memory_space<hbm>> -> memref<512xf32, #tpu.memory_space<hbm>>
      %dma_wait3A_265 = arith.constant 13824 : i32
      %dma_wait3A_266 = tpu.memref_slice %arg6[%dma_wait3A_265] : memref<16384xf32, #tpu.memory_space<vmem>> -> memref<512xf32, #tpu.memory_space<vmem>>
      tpu.wait_dma2 semaphore(%run_scoped3A_250 : memref<!tpu.dma_semaphore, #tpu.memory_space<semaphore_mem>>) src(%dma_wait3A_266 : memref<512xf32, #tpu.memory_space<vmem>>) dst(%dma_wait3A_264 : memref<512xf32, #tpu.memory_space<hbm>>)
      tpu.yield
    }) : () -> ()
    %run_scoped3A_246 = arith.constant 28 : i32
    "tpu.region"() ({
      %run_scoped3A_250 = tpu.sem_alloc : memref<!tpu.dma_semaphore, #tpu.memory_space<semaphore_mem>>
      %dma_start3A_251 = arith.constant 14336 : i32
      %dma_start3A_252 = tpu.memref_slice %arg6[%dma_start3A_251] : memref<16384xf32, #tpu.memory_space<vmem>> -> memref<512xf32, #tpu.memory_space<vmem>>
      %dma_start3A_253 = tpu.memref_slice %arg4[%run_scoped3A_246, %multiple_of3A] : memref<32x16384xf32, #tpu.memory_space<hbm>> -> memref<1x512xf32, #tpu.memory_space<hbm>>
      %dma_start3A_254 = tpu.memref_squeeze %dma_start3A_253 : memref<1x512xf32, #tpu.memory_space<hbm>> -> memref<512xf32, #tpu.memory_space<hbm>>
      %dma_start3A_255 = tpu.memref_slice %arg4[%run_scoped3A_246, %multiple_of3A] : memref<32x16384xf32, #tpu.memory_space<hbm>> -> memref<1x512xf32, #tpu.memory_space<hbm>>
      %dma_start3A_256 = tpu.memref_squeeze %dma_start3A_255 : memref<1x512xf32, #tpu.memory_space<hbm>> -> memref<512xf32, #tpu.memory_space<hbm>>
      %dma_start3A_257 = arith.constant 14336 : i32
      %dma_start3A_258 = tpu.memref_slice %arg6[%dma_start3A_257] : memref<16384xf32, #tpu.memory_space<vmem>> -> memref<512xf32, #tpu.memory_space<vmem>>
      tpu.enqueue_dma source(%dma_start3A_258 : memref<512xf32, #tpu.memory_space<vmem>>) target(%dma_start3A_256 : memref<512xf32, #tpu.memory_space<hbm>>) target_semaphore(%run_scoped3A_250 : memref<!tpu.dma_semaphore, #tpu.memory_space<semaphore_mem>>)
      %dma_wait3A_259 = arith.constant 14336 : i32
      %dma_wait3A_260 = tpu.memref_slice %arg6[%dma_wait3A_259] : memref<16384xf32, #tpu.memory_space<vmem>> -> memref<512xf32, #tpu.memory_space<vmem>>
      %dma_wait3A_261 = tpu.memref_slice %arg4[%run_scoped3A_246, %multiple_of3A] : memref<32x16384xf32, #tpu.memory_space<hbm>> -> memref<1x512xf32, #tpu.memory_space<hbm>>
      %dma_wait3A_262 = tpu.memref_squeeze %dma_wait3A_261 : memref<1x512xf32, #tpu.memory_space<hbm>> -> memref<512xf32, #tpu.memory_space<hbm>>
      %dma_wait3A_263 = tpu.memref_slice %arg4[%run_scoped3A_246, %multiple_of3A] : memref<32x16384xf32, #tpu.memory_space<hbm>> -> memref<1x512xf32, #tpu.memory_space<hbm>>
      %dma_wait3A_264 = tpu.memref_squeeze %dma_wait3A_263 : memref<1x512xf32, #tpu.memory_space<hbm>> -> memref<512xf32, #tpu.memory_space<hbm>>
      %dma_wait3A_265 = arith.constant 14336 : i32
      %dma_wait3A_266 = tpu.memref_slice %arg6[%dma_wait3A_265] : memref<16384xf32, #tpu.memory_space<vmem>> -> memref<512xf32, #tpu.memory_space<vmem>>
      tpu.wait_dma2 semaphore(%run_scoped3A_250 : memref<!tpu.dma_semaphore, #tpu.memory_space<semaphore_mem>>) src(%dma_wait3A_266 : memref<512xf32, #tpu.memory_space<vmem>>) dst(%dma_wait3A_264 : memref<512xf32, #tpu.memory_space<hbm>>)
      tpu.yield
    }) : () -> ()
    %run_scoped3A_247 = arith.constant 29 : i32
    "tpu.region"() ({
      %run_scoped3A_250 = tpu.sem_alloc : memref<!tpu.dma_semaphore, #tpu.memory_space<semaphore_mem>>
      %dma_start3A_251 = arith.constant 14848 : i32
      %dma_start3A_252 = tpu.memref_slice %arg6[%dma_start3A_251] : memref<16384xf32, #tpu.memory_space<vmem>> -> memref<512xf32, #tpu.memory_space<vmem>>
      %dma_start3A_253 = tpu.memref_slice %arg4[%run_scoped3A_247, %multiple_of3A] : memref<32x16384xf32, #tpu.memory_space<hbm>> -> memref<1x512xf32, #tpu.memory_space<hbm>>
      %dma_start3A_254 = tpu.memref_squeeze %dma_start3A_253 : memref<1x512xf32, #tpu.memory_space<hbm>> -> memref<512xf32, #tpu.memory_space<hbm>>
      %dma_start3A_255 = tpu.memref_slice %arg4[%run_scoped3A_247, %multiple_of3A] : memref<32x16384xf32, #tpu.memory_space<hbm>> -> memref<1x512xf32, #tpu.memory_space<hbm>>
      %dma_start3A_256 = tpu.memref_squeeze %dma_start3A_255 : memref<1x512xf32, #tpu.memory_space<hbm>> -> memref<512xf32, #tpu.memory_space<hbm>>
      %dma_start3A_257 = arith.constant 14848 : i32
      %dma_start3A_258 = tpu.memref_slice %arg6[%dma_start3A_257] : memref<16384xf32, #tpu.memory_space<vmem>> -> memref<512xf32, #tpu.memory_space<vmem>>
      tpu.enqueue_dma source(%dma_start3A_258 : memref<512xf32, #tpu.memory_space<vmem>>) target(%dma_start3A_256 : memref<512xf32, #tpu.memory_space<hbm>>) target_semaphore(%run_scoped3A_250 : memref<!tpu.dma_semaphore, #tpu.memory_space<semaphore_mem>>)
      %dma_wait3A_259 = arith.constant 14848 : i32
      %dma_wait3A_260 = tpu.memref_slice %arg6[%dma_wait3A_259] : memref<16384xf32, #tpu.memory_space<vmem>> -> memref<512xf32, #tpu.memory_space<vmem>>
      %dma_wait3A_261 = tpu.memref_slice %arg4[%run_scoped3A_247, %multiple_of3A] : memref<32x16384xf32, #tpu.memory_space<hbm>> -> memref<1x512xf32, #tpu.memory_space<hbm>>
      %dma_wait3A_262 = tpu.memref_squeeze %dma_wait3A_261 : memref<1x512xf32, #tpu.memory_space<hbm>> -> memref<512xf32, #tpu.memory_space<hbm>>
      %dma_wait3A_263 = tpu.memref_slice %arg4[%run_scoped3A_247, %multiple_of3A] : memref<32x16384xf32, #tpu.memory_space<hbm>> -> memref<1x512xf32, #tpu.memory_space<hbm>>
      %dma_wait3A_264 = tpu.memref_squeeze %dma_wait3A_263 : memref<1x512xf32, #tpu.memory_space<hbm>> -> memref<512xf32, #tpu.memory_space<hbm>>
      %dma_wait3A_265 = arith.constant 14848 : i32
      %dma_wait3A_266 = tpu.memref_slice %arg6[%dma_wait3A_265] : memref<16384xf32, #tpu.memory_space<vmem>> -> memref<512xf32, #tpu.memory_space<vmem>>
      tpu.wait_dma2 semaphore(%run_scoped3A_250 : memref<!tpu.dma_semaphore, #tpu.memory_space<semaphore_mem>>) src(%dma_wait3A_266 : memref<512xf32, #tpu.memory_space<vmem>>) dst(%dma_wait3A_264 : memref<512xf32, #tpu.memory_space<hbm>>)
      tpu.yield
    }) : () -> ()
    %run_scoped3A_248 = arith.constant 30 : i32
    "tpu.region"() ({
      %run_scoped3A_250 = tpu.sem_alloc : memref<!tpu.dma_semaphore, #tpu.memory_space<semaphore_mem>>
      %dma_start3A_251 = arith.constant 15360 : i32
      %dma_start3A_252 = tpu.memref_slice %arg6[%dma_start3A_251] : memref<16384xf32, #tpu.memory_space<vmem>> -> memref<512xf32, #tpu.memory_space<vmem>>
      %dma_start3A_253 = tpu.memref_slice %arg4[%run_scoped3A_248, %multiple_of3A] : memref<32x16384xf32, #tpu.memory_space<hbm>> -> memref<1x512xf32, #tpu.memory_space<hbm>>
      %dma_start3A_254 = tpu.memref_squeeze %dma_start3A_253 : memref<1x512xf32, #tpu.memory_space<hbm>> -> memref<512xf32, #tpu.memory_space<hbm>>
      %dma_start3A_255 = tpu.memref_slice %arg4[%run_scoped3A_248, %multiple_of3A] : memref<32x16384xf32, #tpu.memory_space<hbm>> -> memref<1x512xf32, #tpu.memory_space<hbm>>
      %dma_start3A_256 = tpu.memref_squeeze %dma_start3A_255 : memref<1x512xf32, #tpu.memory_space<hbm>> -> memref<512xf32, #tpu.memory_space<hbm>>
      %dma_start3A_257 = arith.constant 15360 : i32
      %dma_start3A_258 = tpu.memref_slice %arg6[%dma_start3A_257] : memref<16384xf32, #tpu.memory_space<vmem>> -> memref<512xf32, #tpu.memory_space<vmem>>
      tpu.enqueue_dma source(%dma_start3A_258 : memref<512xf32, #tpu.memory_space<vmem>>) target(%dma_start3A_256 : memref<512xf32, #tpu.memory_space<hbm>>) target_semaphore(%run_scoped3A_250 : memref<!tpu.dma_semaphore, #tpu.memory_space<semaphore_mem>>)
      %dma_wait3A_259 = arith.constant 15360 : i32
      %dma_wait3A_260 = tpu.memref_slice %arg6[%dma_wait3A_259] : memref<16384xf32, #tpu.memory_space<vmem>> -> memref<512xf32, #tpu.memory_space<vmem>>
      %dma_wait3A_261 = tpu.memref_slice %arg4[%run_scoped3A_248, %multiple_of3A] : memref<32x16384xf32, #tpu.memory_space<hbm>> -> memref<1x512xf32, #tpu.memory_space<hbm>>
      %dma_wait3A_262 = tpu.memref_squeeze %dma_wait3A_261 : memref<1x512xf32, #tpu.memory_space<hbm>> -> memref<512xf32, #tpu.memory_space<hbm>>
      %dma_wait3A_263 = tpu.memref_slice %arg4[%run_scoped3A_248, %multiple_of3A] : memref<32x16384xf32, #tpu.memory_space<hbm>> -> memref<1x512xf32, #tpu.memory_space<hbm>>
      %dma_wait3A_264 = tpu.memref_squeeze %dma_wait3A_263 : memref<1x512xf32, #tpu.memory_space<hbm>> -> memref<512xf32, #tpu.memory_space<hbm>>
      %dma_wait3A_265 = arith.constant 15360 : i32
      %dma_wait3A_266 = tpu.memref_slice %arg6[%dma_wait3A_265] : memref<16384xf32, #tpu.memory_space<vmem>> -> memref<512xf32, #tpu.memory_space<vmem>>
      tpu.wait_dma2 semaphore(%run_scoped3A_250 : memref<!tpu.dma_semaphore, #tpu.memory_space<semaphore_mem>>) src(%dma_wait3A_266 : memref<512xf32, #tpu.memory_space<vmem>>) dst(%dma_wait3A_264 : memref<512xf32, #tpu.memory_space<hbm>>)
      tpu.yield
    }) : () -> ()
    %run_scoped3A_249 = arith.constant 31 : i32
    "tpu.region"() ({
      %run_scoped3A_250 = tpu.sem_alloc : memref<!tpu.dma_semaphore, #tpu.memory_space<semaphore_mem>>
      %dma_start3A_251 = arith.constant 15872 : i32
      %dma_start3A_252 = tpu.memref_slice %arg6[%dma_start3A_251] : memref<16384xf32, #tpu.memory_space<vmem>> -> memref<512xf32, #tpu.memory_space<vmem>>
      %dma_start3A_253 = tpu.memref_slice %arg4[%run_scoped3A_249, %multiple_of3A] : memref<32x16384xf32, #tpu.memory_space<hbm>> -> memref<1x512xf32, #tpu.memory_space<hbm>>
      %dma_start3A_254 = tpu.memref_squeeze %dma_start3A_253 : memref<1x512xf32, #tpu.memory_space<hbm>> -> memref<512xf32, #tpu.memory_space<hbm>>
      %dma_start3A_255 = tpu.memref_slice %arg4[%run_scoped3A_249, %multiple_of3A] : memref<32x16384xf32, #tpu.memory_space<hbm>> -> memref<1x512xf32, #tpu.memory_space<hbm>>
      %dma_start3A_256 = tpu.memref_squeeze %dma_start3A_255 : memref<1x512xf32, #tpu.memory_space<hbm>> -> memref<512xf32, #tpu.memory_space<hbm>>
      %dma_start3A_257 = arith.constant 15872 : i32
      %dma_start3A_258 = tpu.memref_slice %arg6[%dma_start3A_257] : memref<16384xf32, #tpu.memory_space<vmem>> -> memref<512xf32, #tpu.memory_space<vmem>>
      tpu.enqueue_dma source(%dma_start3A_258 : memref<512xf32, #tpu.memory_space<vmem>>) target(%dma_start3A_256 : memref<512xf32, #tpu.memory_space<hbm>>) target_semaphore(%run_scoped3A_250 : memref<!tpu.dma_semaphore, #tpu.memory_space<semaphore_mem>>)
      %dma_wait3A_259 = arith.constant 15872 : i32
      %dma_wait3A_260 = tpu.memref_slice %arg6[%dma_wait3A_259] : memref<16384xf32, #tpu.memory_space<vmem>> -> memref<512xf32, #tpu.memory_space<vmem>>
      %dma_wait3A_261 = tpu.memref_slice %arg4[%run_scoped3A_249, %multiple_of3A] : memref<32x16384xf32, #tpu.memory_space<hbm>> -> memref<1x512xf32, #tpu.memory_space<hbm>>
      %dma_wait3A_262 = tpu.memref_squeeze %dma_wait3A_261 : memref<1x512xf32, #tpu.memory_space<hbm>> -> memref<512xf32, #tpu.memory_space<hbm>>
      %dma_wait3A_263 = tpu.memref_slice %arg4[%run_scoped3A_249, %multiple_of3A] : memref<32x16384xf32, #tpu.memory_space<hbm>> -> memref<1x512xf32, #tpu.memory_space<hbm>>
      %dma_wait3A_264 = tpu.memref_squeeze %dma_wait3A_263 : memref<1x512xf32, #tpu.memory_space<hbm>> -> memref<512xf32, #tpu.memory_space<hbm>>
      %dma_wait3A_265 = arith.constant 15872 : i32
      %dma_wait3A_266 = tpu.memref_slice %arg6[%dma_wait3A_265] : memref<16384xf32, #tpu.memory_space<vmem>> -> memref<512xf32, #tpu.memory_space<vmem>>
      tpu.wait_dma2 semaphore(%run_scoped3A_250 : memref<!tpu.dma_semaphore, #tpu.memory_space<semaphore_mem>>) src(%dma_wait3A_266 : memref<512xf32, #tpu.memory_space<vmem>>) dst(%dma_wait3A_264 : memref<512xf32, #tpu.memory_space<hbm>>)
      tpu.yield
    }) : () -> ()
    return
  }
}

module attributes {stable_mosaic.version = 14 : i64} {
  func.func @_tc_rest_body(%arg0: i32, %arg1: memref<4096x1xi32, #tpu.memory_space<vmem>>, %arg2: memref<4096x1xi32, #tpu.memory_space<vmem>>, %arg3: memref<4096x128xf32, #tpu.memory_space<vmem>>, %arg4: memref<1000x16xf32, #tpu.memory_space<vmem>>, %arg5: memref<1000x16xf32, #tpu.memory_space<vmem>>, %arg6: memref<192x128xf32, #tpu.memory_space<vmem>>, %arg7: memref<4096x128xf32, #tpu.memory_space<vmem>>, %arg8: memref<4096x1xf32, #tpu.memory_space<vmem>>) attributes {dimension_semantics = [#tpu.dimension_semantics<arbitrary>], iteration_bounds = array<i64: 4>, scalar_prefetch = 0 : i64, scratch_operands = 0 : i64, tpu.core_type = #tpu.core_type<tc>, window_params = [{transform_indices = @transform_0, window_bounds = array<i64: 4096, 1>}, {transform_indices = @transform_1, window_bounds = array<i64: 4096, 1>}, {transform_indices = @transform_2, window_bounds = array<i64: 4096, 128>}, {pipeline_mode = #tpu.pipeline_mode<synchronous>, transform_indices = @transform_3, window_bounds = array<i64: 1000, 16>}, {pipeline_mode = #tpu.pipeline_mode<synchronous>, transform_indices = @transform_4, window_bounds = array<i64: 1000, 16>}, {pipeline_mode = #tpu.pipeline_mode<synchronous>, transform_indices = @transform_5, window_bounds = array<i64: 192, 128>}, {transform_indices = @transform_6, window_bounds = array<i64: 4096, 128>}, {transform_indices = @transform_7, window_bounds = array<i64: 4096, 1>}]} {
    %get3A = arith.constant 0 : index
    %get3A_0 = arith.constant 0 : index
    %get3A_1 = vector.load %arg3[%get3A, %get3A_0] : memref<4096x128xf32, #tpu.memory_space<vmem>>, vector<4096x128xf32>
    %iota3A = tpu.iota {dimensions = array<i32: 1>} : vector<1x1000xi32>
    %get3A_2 = arith.constant 0 : index
    %get3A_3 = arith.constant 0 : index
    %get3A_4 = vector.load %arg1[%get3A_2, %get3A_3] : memref<4096x1xi32, #tpu.memory_space<vmem>>, vector<4096x1xi32>
    %eq3A = vector.broadcast %get3A_4 : vector<4096x1xi32> to vector<4096x1000xi32>
    %eq3A_5 = vector.broadcast %iota3A : vector<1x1000xi32> to vector<4096x1000xi32>
    %eq3A_6 = arith.cmpi eq, %eq3A, %eq3A_5 : vector<4096x1000xi32>
    %convert_element_type3A = arith.extui %eq3A_6 : vector<4096x1000xi1> to vector<4096x1000xi32>
    %convert_element_type3A_7 = arith.sitofp %convert_element_type3A : vector<4096x1000xi32> to vector<4096x1000xf32>
    %get3A_8 = arith.constant 0 : index
    %get3A_9 = arith.constant 0 : index
    %get3A_10 = vector.load %arg2[%get3A_8, %get3A_9] : memref<4096x1xi32, #tpu.memory_space<vmem>>, vector<4096x1xi32>
    %eq3A_11 = vector.broadcast %get3A_10 : vector<4096x1xi32> to vector<4096x1000xi32>
    %eq3A_12 = vector.broadcast %iota3A : vector<1x1000xi32> to vector<4096x1000xi32>
    %eq3A_13 = arith.cmpi eq, %eq3A_11, %eq3A_12 : vector<4096x1000xi32>
    %convert_element_type3A_14 = arith.extui %eq3A_13 : vector<4096x1000xi1> to vector<4096x1000xi32>
    %convert_element_type3A_15 = arith.sitofp %convert_element_type3A_14 : vector<4096x1000xi32> to vector<4096x1000xf32>
    %get3A_16 = arith.constant 0 : index
    %get3A_17 = arith.constant 0 : index
    %get3A_18 = vector.load %arg4[%get3A_16, %get3A_17] : memref<1000x16xf32, #tpu.memory_space<vmem>>, vector<1000x16xf32>
    %dot_general3A = arith.constant dense<0.000000e+00> : vector<4096x16xf32>
    %dot_general3A_19 = tpu.matmul %convert_element_type3A_7, %get3A_18, %dot_general3A {dimension_numbers = #tpu.dot_dimension_numbers<[1], [0], [0], [1], [0, 0, 1, 1], [], []>, transpose_lhs_hint = false} : vector<4096x1000xf32>, vector<1000x16xf32>, vector<4096x16xf32> -> vector<4096x16xf32>
    %get3A_20 = arith.constant 0 : index
    %get3A_21 = arith.constant 0 : index
    %get3A_22 = vector.load %arg5[%get3A_20, %get3A_21] : memref<1000x16xf32, #tpu.memory_space<vmem>>, vector<1000x16xf32>
    %dot_general3A_23 = arith.constant dense<0.000000e+00> : vector<4096x16xf32>
    %dot_general3A_24 = tpu.matmul %convert_element_type3A_15, %get3A_22, %dot_general3A_23 {dimension_numbers = #tpu.dot_dimension_numbers<[1], [0], [0], [1], [0, 0, 1, 1], [], []>, transpose_lhs_hint = false} : vector<4096x1000xf32>, vector<1000x16xf32>, vector<4096x16xf32> -> vector<4096x16xf32>
    %mul3A = arith.mulf %dot_general3A_19, %dot_general3A_19 : vector<4096x16xf32>
    %reduce_sum3A = arith.constant dense<0.000000e+00> : vector<4096xf32>
    %reduce_sum3A_25 = vector.multi_reduction <add>, %mul3A, %reduce_sum3A [1] : vector<4096x16xf32> to vector<4096xf32>
    %broadcast_in_dim3A = vector.shape_cast %reduce_sum3A_25 : vector<4096xf32> to vector<4096x1xf32>
    %mul3A_26 = arith.mulf %dot_general3A_24, %dot_general3A_24 : vector<4096x16xf32>
    %reduce_sum3A_27 = arith.constant dense<0.000000e+00> : vector<4096xf32>
    %reduce_sum3A_28 = vector.multi_reduction <add>, %mul3A_26, %reduce_sum3A_27 [1] : vector<4096x16xf32> to vector<4096xf32>
    %broadcast_in_dim3A_29 = vector.shape_cast %reduce_sum3A_28 : vector<4096xf32> to vector<4096x1xf32>
    %add3A = arith.addf %broadcast_in_dim3A, %broadcast_in_dim3A_29 : vector<4096x1xf32>
    %mul3A_30 = arith.mulf %get3A_1, %get3A_1 : vector<4096x128xf32>
    %reduce_sum3A_31 = arith.constant dense<0.000000e+00> : vector<4096xf32>
    %reduce_sum3A_32 = vector.multi_reduction <add>, %mul3A_30, %reduce_sum3A_31 [1] : vector<4096x128xf32> to vector<4096xf32>
    %broadcast_in_dim3A_33 = vector.shape_cast %reduce_sum3A_32 : vector<4096xf32> to vector<4096x1xf32>
    %add3A_34 = arith.addf %add3A, %broadcast_in_dim3A_33 : vector<4096x1xf32>
    %swap3A = arith.constant 0 : index
    %swap3A_35 = arith.constant 0 : index
    %swap3A_36 = vector.load %arg8[%swap3A, %swap3A_35] : memref<4096x1xf32, #tpu.memory_space<vmem>>, vector<4096x1xf32>
    tpu.vector_store %arg8[%swap3A, %swap3A_35], %add3A_34 {strides = array<i32>} : memref<4096x1xf32, #tpu.memory_space<vmem>>, vector<4096x1xf32>,
    %get3A_37 = arith.constant 32 : index
    %get3A_38 = arith.constant 0 : index
    %get3A_39 = vector.load %arg6[%get3A_37, %get3A_38] : memref<192x128xf32, #tpu.memory_space<vmem>>, vector<16x128xf32>
    %dot_general3A_40 = arith.constant dense<0.000000e+00> : vector<4096x128xf32>
    %dot_general3A_41 = tpu.matmul %dot_general3A_19, %get3A_39, %dot_general3A_40 {dimension_numbers = #tpu.dot_dimension_numbers<[1], [0], [0], [1], [0, 0, 1, 1], [], []>, transpose_lhs_hint = false} : vector<4096x16xf32>, vector<16x128xf32>, vector<4096x128xf32> -> vector<4096x128xf32>
    %get3A_42 = arith.constant 48 : index
    %get3A_43 = arith.constant 0 : index
    %get3A_44 = vector.load %arg6[%get3A_42, %get3A_43] : memref<192x128xf32, #tpu.memory_space<vmem>>, vector<16x128xf32>
    %dot_general3A_45 = arith.constant dense<0.000000e+00> : vector<4096x128xf32>
    %dot_general3A_46 = tpu.matmul %dot_general3A_24, %get3A_44, %dot_general3A_45 {dimension_numbers = #tpu.dot_dimension_numbers<[1], [0], [0], [1], [0, 0, 1, 1], [], []>, transpose_lhs_hint = false} : vector<4096x16xf32>, vector<16x128xf32>, vector<4096x128xf32> -> vector<4096x128xf32>
    %add3A_47 = arith.addf %dot_general3A_41, %dot_general3A_46 : vector<4096x128xf32>
    %get3A_48 = arith.constant 64 : index
    %get3A_49 = arith.constant 0 : index
    %get3A_50 = vector.load %arg6[%get3A_48, %get3A_49] : memref<192x128xf32, #tpu.memory_space<vmem>>, vector<128x128xf32>
    %dot_general3A_51 = arith.constant dense<0.000000e+00> : vector<4096x128xf32>
    %dot_general3A_52 = tpu.matmul %get3A_1, %get3A_50, %dot_general3A_51 {dimension_numbers = #tpu.dot_dimension_numbers<[1], [0], [0], [1], [0, 0, 1, 1], [], []>, transpose_lhs_hint = false} : vector<4096x128xf32>, vector<128x128xf32>, vector<4096x128xf32> -> vector<4096x128xf32>
    %add3A_53 = arith.addf %add3A_47, %dot_general3A_52 : vector<4096x128xf32>
    %swap3A_54 = arith.constant 0 : index
    %swap3A_55 = arith.constant 0 : index
    %swap3A_56 = vector.load %arg7[%swap3A_54, %swap3A_55] : memref<4096x128xf32, #tpu.memory_space<vmem>>, vector<4096x128xf32>
    tpu.vector_store %arg7[%swap3A_54, %swap3A_55], %add3A_53 {strides = array<i32>} : memref<4096x128xf32, #tpu.memory_space<vmem>>, vector<4096x128xf32>,
    return
  }
  func.func @transform_0(%arg0: i32) -> (i32, i32) {
    %c0_i32 = arith.constant 0 : i32
    %c0_i32_0 = arith.constant 0 : i32
    return %arg0, %c0_i32 : i32, i32
  }
  func.func @transform_1(%arg0: i32) -> (i32, i32) {
    %c0_i32 = arith.constant 0 : i32
    %c0_i32_0 = arith.constant 0 : i32
    return %arg0, %c0_i32 : i32, i32
  }
  func.func @transform_2(%arg0: i32) -> (i32, i32) {
    %c0_i32 = arith.constant 0 : i32
    %c0_i32_0 = arith.constant 0 : i32
    return %arg0, %c0_i32 : i32, i32
  }
  func.func @transform_3(%arg0: i32) -> (i32, i32) {
    %c0_i32 = arith.constant 0 : i32
    %c0_i32_0 = arith.constant 0 : i32
    %c0_i32_1 = arith.constant 0 : i32
    return %c0_i32, %c0_i32_0 : i32, i32
  }
  func.func @transform_4(%arg0: i32) -> (i32, i32) {
    %c0_i32 = arith.constant 0 : i32
    %c0_i32_0 = arith.constant 0 : i32
    %c0_i32_1 = arith.constant 0 : i32
    return %c0_i32, %c0_i32_0 : i32, i32
  }
  func.func @transform_5(%arg0: i32) -> (i32, i32) {
    %c0_i32 = arith.constant 0 : i32
    %c0_i32_0 = arith.constant 0 : i32
    %c0_i32_1 = arith.constant 0 : i32
    return %c0_i32, %c0_i32_0 : i32, i32
  }
  func.func @transform_6(%arg0: i32) -> (i32, i32) {
    %c0_i32 = arith.constant 0 : i32
    %c0_i32_0 = arith.constant 0 : i32
    return %arg0, %c0_i32 : i32, i32
  }
  func.func @transform_7(%arg0: i32) -> (i32, i32) {
    %c0_i32 = arith.constant 0 : i32
    %c0_i32_0 = arith.constant 0 : i32
    return %arg0, %c0_i32 : i32, i32
  }
}

module attributes {stable_mosaic.version = 14 : i64} {
  func.func @_tc_combine_body(%arg0: i32, %arg1: memref<32x4096xf32, #tpu.memory_space<vmem>>, %arg2: memref<4096x128xf32, #tpu.memory_space<vmem>>, %arg3: memref<4096x1xf32, #tpu.memory_space<vmem>>, %arg4: memref<192x128xf32, #tpu.memory_space<vmem>>, %arg5: memref<1x128xf32, #tpu.memory_space<vmem>>, %arg6: memref<4096x128xf32, #tpu.memory_space<vmem>>) attributes {dimension_semantics = [#tpu.dimension_semantics<arbitrary>], iteration_bounds = array<i64: 4>, scalar_prefetch = 0 : i64, scratch_operands = 0 : i64, tpu.core_type = #tpu.core_type<tc>, window_params = [{transform_indices = @transform_0, window_bounds = array<i64: 32, 4096>}, {transform_indices = @transform_1, window_bounds = array<i64: 4096, 128>}, {transform_indices = @transform_2, window_bounds = array<i64: 4096, 1>}, {pipeline_mode = #tpu.pipeline_mode<synchronous>, transform_indices = @transform_3, window_bounds = array<i64: 192, 128>}, {pipeline_mode = #tpu.pipeline_mode<synchronous>, transform_indices = @transform_4, window_bounds = array<i64: 1, 128>}, {transform_indices = @transform_5, window_bounds = array<i64: 4096, 128>}]} {
    %get3A = arith.constant 0 : index
    %get3A_0 = arith.constant 0 : index
    %get3A_1 = vector.load %arg1[%get3A, %get3A_0] : memref<32x4096xf32, #tpu.memory_space<vmem>>, vector<32x4096xf32>
    %broadcast_in_dim3A = arith.constant 1.000000e+00 : f32
    %broadcast_in_dim3A_2 = vector.broadcast %broadcast_in_dim3A : f32 to vector<32x1xf32>
    %get3A_3 = arith.constant 0 : index
    %get3A_4 = arith.constant 0 : index
    %get3A_5 = vector.load %arg3[%get3A_3, %get3A_4] : memref<4096x1xf32, #tpu.memory_space<vmem>>, vector<4096x1xf32>
    %mul3A = arith.mulf %get3A_1, %get3A_1 : vector<32x4096xf32>
    %dot_general3A = arith.constant dense<0.000000e+00> : vector<4096x1xf32>
    %dot_general3A_6 = tpu.matmul %mul3A, %broadcast_in_dim3A_2, %dot_general3A {dimension_numbers = #tpu.dot_dimension_numbers<[0], [0], [1], [1], [0, 1, 1, 1], [], []>, transpose_lhs_hint = false} : vector<32x4096xf32>, vector<32x1xf32>, vector<4096x1xf32> -> vector<4096x1xf32>
    %add3A = arith.addf %get3A_5, %dot_general3A_6 : vector<4096x1xf32>
    %mul3A_7 = arith.constant 0.00520833349 : f32
    %mul3A_8 = vector.broadcast %mul3A_7 : f32 to vector<4096x1xf32>
    %mul3A_9 = arith.mulf %add3A, %mul3A_8 : vector<4096x1xf32>
    %add3A_10 = arith.constant 1.1920929E-7 : f32
    %add3A_11 = vector.broadcast %add3A_10 : f32 to vector<4096x1xf32>
    %add3A_12 = arith.addf %mul3A_9, %add3A_11 : vector<4096x1xf32>
    %rsqrt3A = math.rsqrt %add3A_12 : vector<4096x1xf32>
    %get3A_13 = arith.constant 0 : index
    %get3A_14 = arith.constant 0 : index
    %get3A_15 = vector.load %arg2[%get3A_13, %get3A_14] : memref<4096x128xf32, #tpu.memory_space<vmem>>, vector<4096x128xf32>
    %get3A_16 = arith.constant 0 : index
    %get3A_17 = arith.constant 0 : index
    %get3A_18 = vector.load %arg4[%get3A_16, %get3A_17] : memref<192x128xf32, #tpu.memory_space<vmem>>, vector<32x128xf32>
    %dot_general3A_19 = arith.constant dense<0.000000e+00> : vector<4096x128xf32>
    %dot_general3A_20 = tpu.matmul %get3A_1, %get3A_18, %dot_general3A_19 {dimension_numbers = #tpu.dot_dimension_numbers<[0], [0], [1], [1], [0, 1, 1, 1], [], []>, transpose_lhs_hint = false} : vector<32x4096xf32>, vector<32x128xf32>, vector<4096x128xf32> -> vector<4096x128xf32>
    %add3A_21 = arith.addf %get3A_15, %dot_general3A_20 : vector<4096x128xf32>
    %mul3A_22 = vector.broadcast %rsqrt3A : vector<4096x1xf32> to vector<4096x128xf32>
    %mul3A_23 = arith.mulf %mul3A_22, %add3A_21 : vector<4096x128xf32>
    %get3A_24 = arith.constant 0 : index
    %get3A_25 = arith.constant 0 : index
    %get3A_26 = vector.load %arg5[%get3A_24, %get3A_25] : memref<1x128xf32, #tpu.memory_space<vmem>>, vector<1x128xf32>
    %add3A_27 = vector.broadcast %get3A_26 : vector<1x128xf32> to vector<4096x128xf32>
    %add3A_28 = arith.addf %mul3A_23, %add3A_27 : vector<4096x128xf32>
    %swap3A = arith.constant 0 : index
    %swap3A_29 = arith.constant 0 : index
    %swap3A_30 = vector.load %arg6[%swap3A, %swap3A_29] : memref<4096x128xf32, #tpu.memory_space<vmem>>, vector<4096x128xf32>
    tpu.vector_store %arg6[%swap3A, %swap3A_29], %add3A_28 {strides = array<i32>} : memref<4096x128xf32, #tpu.memory_space<vmem>>, vector<4096x128xf32>,
    return
  }
  func.func @transform_0(%arg0: i32) -> (i32, i32) {
    %c0_i32 = arith.constant 0 : i32
    %c0_i32_0 = arith.constant 0 : i32
    return %c0_i32, %arg0 : i32, i32
  }
  func.func @transform_1(%arg0: i32) -> (i32, i32) {
    %c0_i32 = arith.constant 0 : i32
    %c0_i32_0 = arith.constant 0 : i32
    return %arg0, %c0_i32 : i32, i32
  }
  func.func @transform_2(%arg0: i32) -> (i32, i32) {
    %c0_i32 = arith.constant 0 : i32
    %c0_i32_0 = arith.constant 0 : i32
    return %arg0, %c0_i32 : i32, i32
  }
  func.func @transform_3(%arg0: i32) -> (i32, i32) {
    %c0_i32 = arith.constant 0 : i32
    %c0_i32_0 = arith.constant 0 : i32
    %c0_i32_1 = arith.constant 0 : i32
    return %c0_i32, %c0_i32_0 : i32, i32
  }
  func.func @transform_4(%arg0: i32) -> (i32, i32) {
    %c0_i32 = arith.constant 0 : i32
    %c0_i32_0 = arith.constant 0 : i32
    %c0_i32_1 = arith.constant 0 : i32
    return %c0_i32, %c0_i32_0 : i32, i32
  }
  func.func @transform_5(%arg0: i32) -> (i32, i32) {
    %c0_i32 = arith.constant 0 : i32
    %c0_i32_0 = arith.constant 0 : i32
    return %arg0, %c0_i32 : i32, i32
  }
}

</mosaic_0001>

<sc_bundles>
// kernel: kernel.5.cloned.1.call-start
scs
__scs_entry_jumppad:
0x0: {  	(pc) =	sbr.rel $0x88, $3  }
0x1: {  	(tag) =	ssettag $0x0;
	lr =	simm.s32 $0x1  }
0x2: {  	[smem:$0x3F97] =	sst lr;
	_ =	strace $0xD0000000  }
0x3: {  	_ = 	snop  }
0x4: {  	_ = 	snop  }
0x5: {  	_ = 	snop  }
0x6: {  	_ = 	snop  }
0x7: {  	_ = 	snop  }
__scs_overlays_trampoline_lowered:
0x8: {  	[smem:$0x3FA6] =	sst s0  }
0x9: {  	[smem:$0x3FA7] =	sst s1  }
0xa: {  	[smem:$0x3FA8] =	sst s2  }
0xb: {  	[smem:$0x3FA9] =	sst s3  }
0xc: {  	[smem:$0x3FAA] =	sst s4  }
0xd: {  	[smem:$0x3FAB] =	sst s5  }
0xe: {  	[smem:$0x3FAC] =	sst s6  }
0xf: {  	[smem:$0x3FAD] =	sst s7  }
0x10: {  	[smem:$0x3FAE] =	sst s8  }
0x11: {  	[smem:$0x3FAF] =	sst s9;
	s0 =	simm.s32 @!p0 $0x0  }
0x12: {  	s1 =	sld [smem:$0x3F95];
	s0 =	simm.s32 @p0 $0x1  }
0x13: {  	[smem:$0x3FB0] =	sst s0;
	s0 =	simm.s32 @!p1 $0x0  }
0x14: {  	s2 =	sld [smem:$0x3F94];
	s0 =	simm.s32 @p1 $0x1  }
0x15: {  	[smem:$0x3FB1] =	sst s0;
	s0 =	simm.s32 @!p2 $0x0  }
0x16: {  	s3 =	sld [smem:$0x3FDB];
	s0 =	simm.s32 @p2 $0x1  }
0x17: {  	s4 =	simm.s32 $0x1BF5;
	[smem:$0x3FB3] =	sst s0  }
0x18: {  	s0 =	sld [smem:$0x3F96];
	_ =	swait.ge [sflag:s4], $0x0  }
0x19: {  	s7 =	sld [smem:$0x3F97]  }
0x1a: {  	s8 =	sadd.s32 $0xFFFFE003, lr  }
0x1b: {  	s9 =	sadd.s32 $0xFFFFFEF7, lr;
	s5 =	simm.s32 $0xFFFFFFFF;
	p2 =	slt.u32 s8, $0xFFFFF086  }
0x1c: {  	p1 =	slt.u32 s9, $0xF7A;
	s5 =	simm.s32 @!p2 $0x0  }
0x1d: {  	s5 =	simm.s32 @p1 $0x1;
	p0 =	seq.s32 s7, s2  }
0x1e: {  	s7 =	smul.u32 @!p0 $0xF7A, s2;
	p2 =	seq.s32 @!p0 s5, $0x0  }
0x1f: {  	s9 =	smul.u32 $0xF7A, s1;
	s8 =	simm.s32 @!p0 $0x1BF5;
	p2 =	por !p2, p0  }
0x20: {  	[sflag:s8] =	ssyncset.s32 @!p0 $0xFFFFF086;
	s6 =	sadd.s32 @!p0 s3, s7;
	s7 =	simm.s32 @!p0 $0x108  }
0x21: {  	s3 =	sadd.s32 s3, s9;
	s6 =	sadd.s32 @!p0 $0x88, s6;
	s7 =	simm.s32 @p2 $0x1082  }
0x22: {  	[simem:s7], [sflag:s8] =	dma.local @!p0 [hbm:s6], $0xF7A  }
0x23: {  	s9 =	sor.u32 $0xD0000000, s2;
	s6 =	simm.s32 $0x108;
	_ =	swait.ge @!p0 [sflag:s8], $0x0  }
0x24: {  	s3 =	sadd.s32 $0x88, s3;
	s6 =	simm.s32 @!p1 $0x1082;
	[sflag:s4] =	ssyncset.s32 $0xFFFFF086  }
0x25: {  	[simem:s6], [sflag:s4] =	dma.local [hbm:s3], $0xF7A  }
0x26: {  	[smem:$0x3F97] =	sst s1;
	(tag) =	ssettag s2;
	_ =	strace s9  }
0x27: {  	s1 =	sld [smem:$0x3FA7]  }
0x28: {  	s2 =	sld [smem:$0x3FA8]  }
0x29: {  	s4 =	sld [smem:$0x3FAA]  }
0x2a: {  	p0 =	seq.s32 s5, $0x0;
	s5 =	sld [smem:$0x3FAB]  }
0x2b: {  	s6 =	sld [smem:$0x3FAC]  }
0x2c: {  	s7 =	sld [smem:$0x3FAD]  }
0x2d: {  	s3 =	simm.s32 $0x108;
	s8 =	sld [smem:$0x3FAE]  }
0x2e: {  	s3 =	simm.s32 @!p0 $0x1082;
	s9 =	sld [smem:$0x3FAF]  }
0x2f: {  	lr =	sadd.s32 s0, s3;
	s0 =	sld [smem:$0x3FA6]  }
0x30: {  	s3 =	sld [smem:$0x3FA9]  }
0x31: {  	[smem:$0x3FB2] =	sst s10  }
0x32: {  	s10 =	sld [smem:$0x3FB0];
	_ =	sdelay $0x3  }
0x33: {  	p0 =	seq.s32 s10, $0x1;
	s10 =	sld [smem:$0x3FB2];
	_ =	sdelay $0x3  }
0x34: {  	[smem:$0x3FB2] =	sst s10  }
0x35: {  	s10 =	sld [smem:$0x3FB1];
	_ =	sdelay $0x3  }
0x36: {  	p1 =	seq.s32 s10, $0x1;
	s10 =	sld [smem:$0x3FB2];
	_ =	sdelay $0x3  }
0x37: {  	[smem:$0x3FB2] =	sst s10  }
0x38: {  	s10 =	sld [smem:$0x3FB3]  }
0x39: {  	_ = 	snop;
	(pc) =	sbr.ind lr, $3  }
0x3a: {  	_ = 	snop  }
0x3b: {  	_ = 	snop  }
0x3c: {  	p2 =	seq.s32 s10, $0x1;
	s10 =	sld [smem:$0x3FB2]  }
0x3d: {  	_ =	shalt  }
0x3e: {  	_ =	shalt  }
0x3f: {  	_ =	shalt  }
0x40: {  	_ =	shalt  }
0x41: {  	_ =	shalt  }
0x42: {  	_ =	shalt  }
0x43: {  	_ =	shalt  }
0x44: {  	_ =	shalt  }
0x45: {  	_ =	shalt  }
0x46: {  	_ =	shalt  }
0x47: {  	_ =	shalt  }
0x48: {  	_ =	shalt  }
0x49: {  	_ =	shalt  }
0x4a: {  	_ =	shalt  }
0x4b: {  	_ =	shalt  }
0x4c: {  	_ =	shalt  }
0x4d: {  	_ =	shalt  }
0x4e: {  	_ =	shalt  }
0x4f: {  	_ =	shalt  }
0x50: {  	_ =	shalt  }
0x51: {  	_ =	shalt  }
0x52: {  	_ =	shalt  }
0x53: {  	_ =	shalt  }
0x54: {  	_ =	shalt  }
0x55: {  	_ =	shalt  }
0x56: {  	_ =	shalt  }
0x57: {  	_ =	shalt  }
0x58: {  	_ =	shalt  }
0x59: {  	_ =	shalt  }
0x5a: {  	_ =	shalt  }
0x5b: {  	_ =	shalt  }
0x5c: {  	_ =	shalt  }
0x5d: {  	_ =	shalt  }
0x5e: {  	_ =	shalt  }
0x5f: {  	_ =	shalt  }
0x60: {  	_ =	shalt  }
0x61: {  	_ =	shalt  }
0x62: {  	_ =	shalt  }
0x63: {  	_ =	shalt  }
0x64: {  	_ =	shalt  }
0x65: {  	_ =	shalt  }
0x66: {  	_ =	shalt  }
0x67: {  	_ =	shalt  }
0x68: {  	_ =	shalt  }
0x69: {  	_ =	shalt  }
0x6a: {  	_ =	shalt  }
0x6b: {  	_ =	shalt  }
0x6c: {  	_ =	shalt  }
0x6d: {  	_ =	shalt  }
0x6e: {  	_ =	shalt  }
0x6f: {  	_ =	shalt  }
0x70: {  	_ =	shalt  }
0x71: {  	_ =	shalt  }
0x72: {  	_ =	shalt  }
0x73: {  	_ =	shalt  }
0x74: {  	_ =	shalt  }
0x75: {  	_ =	shalt  }
0x76: {  	_ =	shalt  }
0x77: {  	_ =	shalt  }
0x78: {  	_ =	shalt  }
0x79: {  	_ =	shalt  }
0x7a: {  	_ =	shalt  }
0x7b: {  	_ =	shalt  }
0x7c: {  	_ =	shalt  }
0x7d: {  	_ =	shalt  }
0x7e: {  	_ =	shalt  }
0x7f: {  	_ =	shalt  }
0x80: {  	_ =	shalt  }
0x81: {  	_ =	shalt  }
0x82: {  	_ =	shalt  }
0x83: {  	_ =	shalt  }
0x84: {  	_ =	shalt  }
0x85: {  	_ =	shalt  }
0x86: {  	_ =	shalt  }
0x87: {  	_ =	shalt  }
.Lfunc_end0:
.L_simem_size_0:
called_computation_lowered:
.L_overlay_start_0:
0x88: {  	s2 =	sld [smem:$0x3FD9]  }
0x89: {  	s3 =	sld [smem:$0x3FFE];
	_ =	sdelay $0x1  }
0x8a: {  	s1 =	srdreg.scid  }
0x8b: {  	s0 =	sand.u32 $0x1, s1  }
0x8c: {  	s17 =	sshll.u32 s0, $0xA;
	s2 =	sadd.s32 s3, s2  }
0x8d: {  	s2 =	sadd.s32 s2, s17  }
0x8e: {  	[smem:$0x3FBE] =	sst s2  }
0x8f: {  	_ = 	snop  }
0x90: {  	s2 =	sld [smem:$0x3FC9]  }
0x91: {  	s18 =	sld [smem:$0x3FC5];
	(tm) =	ssettm $0x1  }
0x92: {  	s4 =	sld [smem:$0x3FFB];
	_ =	sdelay $0x3  }
0x93: {  	_ =	strace s4  }
0x94: {  	s4 =	sld [smem:$0x3FFC];
	_ =	sdelay $0x3  }
0x95: {  	_ =	strace s4  }
0x96: {  	s4 =	sld [smem:$0x3FFD];
	_ =	sdelay $0x3  }
0x97: {  	_ =	strace s4  }
0x98: {  	_ =	strace $0x8FFFFFFF  }
0x99: {  	s19 =	sld [smem:$0x3FDB];
	_ =	sdelay $0x1  }
0x9a: {  	s5 =	simm.s32 $_scs_section_size  }
0x9b: {  	s6 =	simm.s32 $_size__tile_overlayer_lowered;
	s7 =	simm.s32 $_tile_overlayer_lowered  }
0x9c: {  	s22 =	simm.s32 $0x1BFF;
	s21 =	sshll.u32 s7, $0x1;
	s4 =	sadd.s32 s5, s19  }
0x9d: {  	s8 =	simm.s32 $0x0;
	s20 =	sshll.u32 s6, $0x1;
	s6 =	sadd.s32 s21, s4  }
0x9e: {  	[timem:s8], [sflag:s22] =	dma.local [hbm:s6], s20  }
0x9f: {  	_ =	swait.ge [sflag:s22], s20  }
0xa0: {  	s5 =	ssub.s32 $0x0, s20;
	[sflag:s22] =	ssyncset.done $0x0  }
0xa1: {  	[sflag:s22] =	ssyncadd.s32 s5;
	_ =	sdelay $0x1  }
0xa2: {  	s23 =	simm.s32 $0x1B8B  }
0xa3: {  	_ =	swait.ge [sflag:s23], $0x1  }
0xa4: {  	[sflag:s23] =	ssyncset.done $0x0  }
0xa5: {  	s25 =	simm.s32 $0x1B8E;
	s24 =	sld [smem:$0x3FFE];
	[sflag:s23] =	ssyncadd.s32 $0xFFFFFFFF  }
0xa6: {  	s26 =	simm.s32 $execute0_lowered;
	[smem:$0x3FD2] =	sst s25  }
0xa7: {  	s6 =	sshll.u32 s26, $0x1;
	_ =	strace $0x80000046;
	[dreg:$0x1] =	wrdreg $0xFFFFFFFF  }
0xa8: {  	s28 =	simm.s32 $_size_execute0_lowered;
	s4 =	sadd.s32 s4, s6;
	[dreg:$0x0] =	wrdreg $0x0  }
0xa9: {  	s6 =	sshll.u32 s28, $0x1;
	[dreg:$0x2] =	wrdreg s4  }
0xaa: {  	[dreg:$0x3] =	wrdreg s6  }
0xab: {  	[dreg:$0x4] =	wrdreg $0xC0  }
0xac: {  	_ =	task [dreg:s8], $0x5FFFF  }
0xad: {  	[dreg:$0x1] =	wrdreg $0xFFFFFFFF  }
0xae: {  	[dreg:$0x0] =	wrdreg $0x60  }
0xaf: {  	[dreg:$0x2] =	wrdreg s2  }
0xb0: {  	[dreg:$0x3] =	wrdreg s18  }
0xb1: {  	[dreg:$0x4] =	wrdreg s24  }
0xb2: {  	[dreg:$0x5] =	wrdreg $0x9  }
0xb3: {  	_ =	task.clear_ibuf [dreg:s8], $0x6FFFF;
	_ =	strace $0x90000046  }
0xb4: {  	s29 =	simm.s32 $0x9;
	_ =	strace $0x80000048  }
0xb5: {  	_ =	swait.ge [sflag:s29], $0x1  }
0xb6: {  	[sflag:s29] =	ssyncadd.s32 $0xFFFFFFFF  }
0xb7: {  	_ =	strace $0x90000048  }
0xb8: {  	_ =	sfence  }
0xb9: {  	s30 =	sld [smem:$0x0];
	_ =	sdelay $0x2  }
0xba: {  	s31 =	sshll.u32 s1, $0xD;
	s1 =	sshrl.u32 s1, $0x2  }
0xbb: {  	s3 =	sand.u32 $0x4000, s31;
	s1 =	sadd.s32 s1, s30  }
0xbc: {  	s0 =	sor.u32 s3, s0;
	s1 =	sshll.u32 s1, $0x11  }
0xbd: {  	s0 =	sor.u32 s1, s0  }
0xbe: {  	s0 =	sadd.s32 $0x8F2B, s0  }
0xbf: {  	[sflag:s0] =	ssyncadd.remote.s32 $0x1  }
0xc0: {  	_ =	sfence.sel $0xFFFF  }
0xc1: {  	[dreg:$0x0] =	wrdreg $0xFFFFFFFF;
	(pc) =	sbr.abs _section_cstart, $3  }
0xc2: {  	[dreg:$0x1] =	wrdreg $0xFFFFFFFF  }
0xc3: {  	_ =	task.clear_ibuf [dreg:s8], $0x2FFFF;
	_ =	strace $0x9FFFFFFF  }
0xc4: {  	(tm) =	ssettm $0x7FFFFFFF  }
0xc5: {  	_ =	shalt  }
tec
execute0_lowered:
.L_overlay_start_1:
0x0: {  	(tag) =	ssettag $0x1  }
0x1: {  	s3 =	srdreg.scid  }
0x2: {  	s4 =	simm.s32 $0x0;
	s16 =	stileid.u32;
	s3 =	sand.u32 $0x1, s3  }
0x3: {  	[smem:$0x7FF] =	sst s4;
	s4 =	sshll.u32 s16, $0xA;
	s5 =	sshll.u32 s3, $0x9  }
0x4: {  	s2 =	rddreg [dreg:$0x2];
	s4 =	sor.u32 s5, s4  }
0x5: {  	s0 =	rddreg [dreg:$0x0];
	s2 =	sadd.s32 s4, s2;
	s4 =	sshrl.u32 s4, $0x3  }
0x6: {  	s1 =	rddreg [dreg:$0x1];
	s0 =	sadd.s32 s0, s4  }
0x7: {  	_ =	strace $0x80000047;
	s18 =	sadd.s32 $0x1600, s2;
	[dreg:$0x4] =	wrdreg s0  }
0x8: {  	s19 =	sadd.s32 $0x1610, s2;
	[dreg:$0x5] =	wrdreg s18  }
0x9: {  	s20 =	sadd.s32 $0x1620, s2;
	[dreg:$0x6] =	wrdreg s19  }
0xa: {  	s21 =	sadd.s32 $0x1630, s2;
	[dreg:$0x7] =	wrdreg s20  }
0xb: {  	s22 =	sadd.s32 $0x1640, s2;
	[dreg:$0x8] =	wrdreg s21  }
0xc: {  	s23 =	sadd.s32 $0x1650, s2;
	[dreg:$0x9] =	wrdreg s22  }
0xd: {  	s24 =	sadd.s32 $0x1660, s2;
	[dreg:$0xa] =	wrdreg s23  }
0xe: {  	s25 =	sadd.s32 $0x1670, s2;
	[dreg:$0xb] =	wrdreg s24  }
0xf: {  	s26 =	sadd.s32 $0x5600, s2;
	[dreg:$0xc] =	wrdreg s25  }
0x10: {  	s4 =	sadd.s32 $0x5610, s2;
	[dreg:$0xd] =	wrdreg s26  }
0x11: {  	s5 =	sadd.s32 $0x5620, s2;
	[dreg:$0xe] =	wrdreg s4  }
0x12: {  	s6 =	sadd.s32 $0x5630, s2;
	[dreg:$0xf] =	wrdreg s5  }
0x13: {  	s7 =	sadd.s32 $0x5640, s2;
	[dreg:$0x10] =	wrdreg s6  }
0x14: {  	s8 =	sadd.s32 $0x5650, s2;
	[dreg:$0x11] =	wrdreg s7  }
0x15: {  	s9 =	sadd.s32 $0x5660, s2;
	[dreg:$0x12] =	wrdreg s8  }
0x16: {  	s10 =	sadd.s32 $0x5670, s2;
	[dreg:$0x13] =	wrdreg s9  }
0x17: {  	s28 =	simm.s32 $0x1;
	s11 =	sadd.s32 $0x9600, s2;
	[dreg:$0x14] =	wrdreg s10  }
0x18: {  	s29 =	simm.s32 $0x200;
	s12 =	sadd.s32 $0x9610, s2;
	[dreg:$0x15] =	wrdreg s11  }
0x19: {  	s30 =	simm.s32 $0x80;
	s13 =	sadd.s32 $0x9620, s2;
	[dreg:$0x16] =	wrdreg s12  }
0x1a: {  	s31 =	simm.s32 $0x0;
	s14 =	sadd.s32 $0x9630, s2;
	[dreg:$0x17] =	wrdreg s13  }
0x1b: {  	s3 =	ssub.s32 $0x2, s3;
	s15 =	sadd.s32 $0x9640, s2;
	[dreg:$0x18] =	wrdreg s14  }
0x1c: {  	s17 =	sshrl.u32 s3, $0x1;
	s16 =	sadd.s32 $0x9650, s2;
	[dreg:$0x19] =	wrdreg s15  }
0x1d: {  	s3 =	ssub.s32 s3, s17;
	s17 =	sadd.s32 $0x9660, s2;
	[dreg:$0x1a] =	wrdreg s16  }
0x1e: {  	[dreg:$0x1b] =	wrdreg s17;
	s18 =	sadd.s32 $0x9670, s2;
	s19 =	sadd.s32 $0xD600, s2  }
0x1f: {  	s20 =	sadd.s32 $0xD610, s2;
	s21 =	sadd.s32 $0xD620, s2;
	[dreg:$0x1c] =	wrdreg s18  }
0x20: {  	s22 =	sadd.s32 $0xD630, s2;
	s23 =	sadd.s32 $0xD640, s2;
	[dreg:$0x1d] =	wrdreg s19  }
0x21: {  	s24 =	sadd.s32 $0xD650, s2;
	s25 =	sadd.s32 $0xD660, s2;
	[dreg:$0x1e] =	wrdreg s20  }
0x22: {  	s26 =	sadd.s32 $0xD670, s2;
	s7 =	smax.u32 s3, $0x1;
	[dreg:$0x1f] =	wrdreg s21  }
0x23: {  	s8 =	simm.s32 $0x2;
	s9 =	simm.s32 $0x400;
	[smem:$0x7F9] =	sst s22  }
0x24: {  	s10 =	simm.s32 $0x7A1400;
	s11 =	simm.s32 $0x4200;
	[smem:$0x7FA] =	sst s23  }
0x25: {  	s12 =	simm.s32 $0x5200;
	s13 =	simm.s32 $0x6200;
	[smem:$0x7FB] =	sst s24  }
0x26: {  	s14 =	simm.s32 $0x7200;
	s15 =	simm.s32 $0x8200;
	[smem:$0x7FC] =	sst s25  }
0x27: {  	v1 =	vlaneseq.u32;
	s16 =	simm.s32 $0x9200;
	s17 =	simm.s32 $0xA200;
	[smem:$0x7FD] =	sst s26  }
0x28: {  	v0 =	vmul.u32 $0x80, v1;
	v1 =	vmul.u32 $0x200, v1;
	s18 =	simm.s32 $0xB200;
	s19 =	simm.s32 $0xC200;
	s20 =	simm.s32 $0xD200  }
0x29: {  	s21 =	simm.s32 $0xE200;
	s22 =	simm.s32 $0xF200;
	s23 =	simm.s32 $0x10200  }
0x2a: {  	v2 =	vor.u32 $0x800, v0;
	v3 =	vor.u32 $0x2000, v1;
	s24 =	simm.s32 $0x11200;
	s25 =	simm.s32 $0x12200;
	s26 =	simm.s32 $0x13200  }
.LBB2_1:
0x2b: {  	s2 =	simm.s32 $0x0;
	s0 =	rddreg [dreg:$0x4]  }
0x2c: {  	[tilespmem:s2], [sflag:$0x2] =	stream.linear.gather [hbm4b:s0+s2], $0x200, $0x38;
	[tilespmem:$0x14200] =	vst v63  }
0x2d: {  	_ =	swait.ge [sflag:s8], $0x200  }
0x2e: {  	[sflag:s8] =	ssyncset.done $0x0  }
0x2f: {  	[sflag:s8] =	ssyncadd.s32 $0xFFFFFE00  }
0x30: {  	v4 =	vld [tilespmem:$0x0];
	_ =	sdelay $0x4  }
0x31: {  	v4 =	vand.u32 $0xFFFFFF80, v4  }
0x32: {  	v4 =	vadd.s32 s1, v4  }
0x33: {  	(v2sf) =	vpush v4, $0x0;
	_ =	sdelay $0x1  }
0x34: {  	(v2sf) =	vpush v4, $0x1;
	_ =	sdelay $0x1  }
0x35: {  	(v2sf) =	vpush v4, $0x2;
	_ =	sdelay $0x1  }
0x36: {  	(v2sf) =	vpush v4, $0x3;
	_ =	sdelay $0x1  }
0x37: {  	(v2sf) =	vpush v4, $0x4;
	_ =	sdelay $0x1  }
0x38: {  	(v2sf) =	vpush v4, $0x5;
	_ =	sdelay $0x1  }
0x39: {  	(v2sf) =	vpush v4, $0x6;
	_ =	sdelay $0x1  }
0x3a: {  	(v2sf) =	vpush v4, $0x7  }
0x3b: {  	s5 =	spop (v2sf)  }
0x3c: {  	(v2sf) =	vpush v4, $0x8;
	[tilespmem:s11], [sflag:$0x1] =	stream.strided.gather [hbm4b:s5+s9], $0x1000, s10, s9, $0x38;
	[tilespmem:$0x14200] =	vst v63  }
0x3d: {  	s6 =	spop (v2sf)  }
0x3e: {  	(v2sf) =	vpush v4, $0x9;
	[tilespmem:s12], [sflag:$0x1] =	stream.strided.gather [hbm4b:s6+s9], $0x1000, s10, s9, $0x38;
	[tilespmem:$0x14200] =	vst v63  }
0x3f: {  	s3 =	spop (v2sf)  }
0x40: {  	(v2sf) =	vpush v4, $0xA;
	[tilespmem:s13], [sflag:$0x1] =	stream.strided.gather [hbm4b:s3+s9], $0x1000, s10, s9, $0x38;
	[tilespmem:$0x14200] =	vst v63  }
0x41: {  	s4 =	spop (v2sf)  }
0x42: {  	(v2sf) =	vpush v4, $0xB;
	[tilespmem:s14], [sflag:$0x1] =	stream.strided.gather [hbm4b:s4+s9], $0x1000, s10, s9, $0x38;
	[tilespmem:$0x14200] =	vst v63  }
0x43: {  	s5 =	spop (v2sf)  }
0x44: {  	(v2sf) =	vpush v4, $0xC;
	[tilespmem:s15], [sflag:$0x1] =	stream.strided.gather [hbm4b:s5+s9], $0x1000, s10, s9, $0x38;
	[tilespmem:$0x14200] =	vst v63  }
0x45: {  	s6 =	spop (v2sf)  }
0x46: {  	(v2sf) =	vpush v4, $0xD;
	[tilespmem:s16], [sflag:$0x1] =	stream.strided.gather [hbm4b:s6+s9], $0x1000, s10, s9, $0x38;
	[tilespmem:$0x14200] =	vst v63  }
0x47: {  	s3 =	spop (v2sf)  }
0x48: {  	(v2sf) =	vpush v4, $0xE;
	[tilespmem:s17], [sflag:$0x1] =	stream.strided.gather [hbm4b:s3+s9], $0x1000, s10, s9, $0x38;
	[tilespmem:$0x14200] =	vst v63  }
0x49: {  	s4 =	spop (v2sf)  }
0x4a: {  	(v2sf) =	vpush v4, $0xF;
	[tilespmem:s18], [sflag:$0x1] =	stream.strided.gather [hbm4b:s4+s9], $0x1000, s10, s9, $0x38;
	[tilespmem:$0x14200] =	vst v63  }
0x4b: {  	s5 =	spop (v2sf)  }
0x4c: {  	[tilespmem:s19], [sflag:$0x1] =	stream.strided.gather [hbm4b:s5+s9], $0x1000, s10, s9, $0x38;
	[tilespmem:$0x14200] =	vst v63  }
0x4d: {  	s6 =	spop (v2sf)  }
0x4e: {  	[tilespmem:s20], [sflag:$0x1] =	stream.strided.gather [hbm4b:s6+s9], $0x1000, s10, s9, $0x38;
	[tilespmem:$0x14200] =	vst v63  }
0x4f: {  	s3 =	spop (v2sf)  }
0x50: {  	[tilespmem:s21], [sflag:$0x1] =	stream.strided.gather [hbm4b:s3+s9], $0x1000, s10, s9, $0x38;
	[tilespmem:$0x14200] =	vst v63  }
0x51: {  	s4 =	spop (v2sf)  }
0x52: {  	[tilespmem:s22], [sflag:$0x1] =	stream.strided.gather [hbm4b:s4+s9], $0x1000, s10, s9, $0x38;
	[tilespmem:$0x14200] =	vst v63  }
0x53: {  	s5 =	spop (v2sf)  }
0x54: {  	[tilespmem:s23], [sflag:$0x1] =	stream.strided.gather [hbm4b:s5+s9], $0x1000, s10, s9, $0x38;
	[tilespmem:$0x14200] =	vst v63  }
0x55: {  	s6 =	spop (v2sf)  }
0x56: {  	[tilespmem:s24], [sflag:$0x1] =	stream.strided.gather [hbm4b:s6+s9], $0x1000, s10, s9, $0x38;
	[tilespmem:$0x14200] =	vst v63  }
0x57: {  	s3 =	spop (v2sf);
	s5 =	simm.s32 $0x10  }
0x58: {  	[tilespmem:s25], [sflag:$0x1] =	stream.strided.gather [hbm4b:s3+s9], $0x1000, s10, s9, $0x38;
	[tilespmem:$0x14200] =	vst v63  }
0x59: {  	s4 =	spop (v2sf);
	s0 =	sand.u32 $0x1F0, s5  }
0x5a: {  	[tilespmem:s26], [sflag:$0x1] =	stream.strided.gather [hbm4b:s4+s9], $0x1000, s10, s9, $0x38;
	[tilespmem:$0x14200] =	vst v63  }
0x5b: {  	v4 =	vld [tilespmem:s0+$0x0];
	_ =	sdelay $0x2  }
0x5c: {  	v5 =	vld [tilespmem:s2+$0x0];
	_ =	sdelay $0x1  }
0x5d: {  	v4 =	vand.u32 $0xFFFFFF80, v4  }
0x5e: {  	v4 =	vadd.s32 s1, v4  }
0x5f: {  	(v2sf) =	vpush v4, $0x0  }
0x60: {  	v5 =	vand.u32 $0x7F, v5  }
0x61: {  	v6 =	vbroadcast v5, $0x0;
	_ =	sdelay $0x1  }
0x62: {  	v7 =	vor.u32 v0, v6  }
0x63: {  	v6 =	vor.u32 v2, v6  }
0x64: {  	_ =	swait.ge [sflag:s28], $0x1000  }
0x65: {  	[sflag:s28] =	ssyncset.done $0x0  }
0x66: {  	s6 =	simm.s32 $0x0;
	[sflag:s28] =	ssyncadd.s32 $0xFFFFF000  }
0x67: {  	v8 =	vor.u32 s6, v1;
	v7 =	vld.idx.msk [tilespmem:v7+s11+$0x0], $0xffff  }
0x68: {  	v9 =	vor.u32 s6, v3;
	v6 =	vld.idx.msk [tilespmem:v6+s11+$0x0], $0xffff  }
0x69: {  	(v2sf) =	vpush v4, $0x1;
	_ =	sdelay $0x1  }
0x6a: {  	v10 =	vbroadcast v5, $0x1  }
0x6b: {  	[tilespmem:v8+s29+$0x0] =	vst.idx.msk $0xffff, v7  }
0x6c: {  	v45 =	vor.u32 v0, v10;
	[tilespmem:v9+s29+$0x0] =	vst.idx.msk $0xffff, v6;
	s2 =	spop (v2sf)  }
0x6d: {  	v46 =	vor.u32 v2, v10;
	[tilespmem:s11], [sflag:$0x1] =	stream.strided.gather [hbm4b:s2+s9], $0x1000, s10, s9, $0x38;
	[tilespmem:$0x14200] =	vst v63  }
0x6e: {  	_ =	swait.ge [sflag:s28], $0x1000  }
0x6f: {  	[sflag:s28] =	ssyncset.done $0x0  }
0x70: {  	s3 =	simm.s32 $0x1;
	[sflag:s28] =	ssyncadd.s32 $0xFFFFF000  }
0x71: {  	v47 =	vor.u32 s3, v1;
	v6 =	vld.idx.msk [tilespmem:v45+s12+$0x0], $0xffff  }
0x72: {  	v48 =	vor.u32 s3, v3;
	v7 =	vld.idx.msk [tilespmem:v46+s12+$0x0], $0xffff  }
0x73: {  	(v2sf) =	vpush v4, $0x2;
	_ =	sdelay $0x1  }
0x74: {  	v49 =	vbroadcast v5, $0x2  }
0x75: {  	[tilespmem:v47+s29+$0x0] =	vst.idx.msk $0xffff, v6  }
0x76: {  	v50 =	vor.u32 v0, v49;
	s4 =	spop (v2sf);
	[tilespmem:v48+s29+$0x0] =	vst.idx.msk $0xffff, v7  }
0x77: {  	v51 =	vor.u32 v2, v49;
	[tilespmem:s12], [sflag:$0x1] =	stream.strided.gather [hbm4b:s4+s9], $0x1000, s10, s9, $0x38;
	[tilespmem:$0x14200] =	vst v63  }
0x78: {  	_ =	swait.ge [sflag:s28], $0x1000  }
0x79: {  	[sflag:s28] =	ssyncset.done $0x0  }
0x7a: {  	s5 =	simm.s32 $0x2;
	[sflag:s28] =	ssyncadd.s32 $0xFFFFF000  }
0x7b: {  	v52 =	vor.u32 s5, v1;
	v6 =	vld.idx.msk [tilespmem:v50+s13+$0x0], $0xffff  }
0x7c: {  	v53 =	vor.u32 s5, v3;
	v7 =	vld.idx.msk [tilespmem:v51+s13+$0x0], $0xffff  }
0x7d: {  	(v2sf) =	vpush v4, $0x3;
	_ =	sdelay $0x1  }
0x7e: {  	v54 =	vbroadcast v5, $0x3  }
0x7f: {  	[tilespmem:v52+s29+$0x0] =	vst.idx.msk $0xffff, v6  }
0x80: {  	v55 =	vor.u32 v0, v54;
	s6 =	spop (v2sf);
	[tilespmem:v53+s29+$0x0] =	vst.idx.msk $0xffff, v7  }
0x81: {  	v56 =	vor.u32 v2, v54;
	[tilespmem:s13], [sflag:$0x1] =	stream.strided.gather [hbm4b:s6+s9], $0x1000, s10, s9, $0x38;
	[tilespmem:$0x14200] =	vst v63  }
0x82: {  	_ =	swait.ge [sflag:s28], $0x1000  }
0x83: {  	[sflag:s28] =	ssyncset.done $0x0  }
0x84: {  	s2 =	simm.s32 $0x3;
	[sflag:s28] =	ssyncadd.s32 $0xFFFFF000  }
0x85: {  	v57 =	vor.u32 s2, v1;
	v6 =	vld.idx.msk [tilespmem:v55+s14+$0x0], $0xffff  }
0x86: {  	v58 =	vor.u32 s2, v3;
	v7 =	vld.idx.msk [tilespmem:v56+s14+$0x0], $0xffff  }
0x87: {  	(v2sf) =	vpush v4, $0x4;
	_ =	sdelay $0x1  }
0x88: {  	v59 =	vbroadcast v5, $0x4  }
0x89: {  	[tilespmem:v57+s29+$0x0] =	vst.idx.msk $0xffff, v6  }
0x8a: {  	v60 =	vor.u32 v0, v59;
	s3 =	spop (v2sf);
	[tilespmem:v58+s29+$0x0] =	vst.idx.msk $0xffff, v7  }
0x8b: {  	v61 =	vor.u32 v2, v59;
	[tilespmem:s14], [sflag:$0x1] =	stream.strided.gather [hbm4b:s3+s9], $0x1000, s10, s9, $0x38;
	[tilespmem:$0x14200] =	vst v63  }
0x8c: {  	_ =	swait.ge [sflag:s28], $0x1000  }
0x8d: {  	[sflag:s28] =	ssyncset.done $0x0  }
0x8e: {  	s4 =	simm.s32 $0x4;
	[sflag:s28] =	ssyncadd.s32 $0xFFFFF000  }
0x8f: {  	v62 =	vor.u32 s4, v1;
	v6 =	vld.idx.msk [tilespmem:v60+s15+$0x0], $0xffff  }
0x90: {  	v63 =	vor.u32 s4, v3;
	v7 =	vld.idx.msk [tilespmem:v61+s15+$0x0], $0xffff  }
0x91: {  	(v2sf) =	vpush v4, $0x5;
	_ =	sdelay $0x1  }
0x92: {  	v12 =	vbroadcast v5, $0x5  }
0x93: {  	[tilespmem:v62+s29+$0x0] =	vst.idx.msk $0xffff, v6  }
0x94: {  	v13 =	vor.u32 v0, v12;
	s5 =	spop (v2sf);
	[tilespmem:v63+s29+$0x0] =	vst.idx.msk $0xffff, v7  }
0x95: {  	v14 =	vor.u32 v2, v12;
	[tilespmem:s15], [sflag:$0x1] =	stream.strided.gather [hbm4b:s5+s9], $0x1000, s10, s9, $0x38;
	[tilespmem:$0x14200] =	vst v63  }
0x96: {  	_ =	swait.ge [sflag:s28], $0x1000  }
0x97: {  	[sflag:s28] =	ssyncset.done $0x0  }
0x98: {  	s6 =	simm.s32 $0x5;
	[sflag:s28] =	ssyncadd.s32 $0xFFFFF000  }
0x99: {  	v15 =	vor.u32 s6, v1;
	v6 =	vld.idx.msk [tilespmem:v13+s16+$0x0], $0xffff  }
0x9a: {  	v16 =	vor.u32 s6, v3;
	v7 =	vld.idx.msk [tilespmem:v14+s16+$0x0], $0xffff  }
0x9b: {  	(v2sf) =	vpush v4, $0x6;
	_ =	sdelay $0x1  }
0x9c: {  	v17 =	vbroadcast v5, $0x6  }
0x9d: {  	[tilespmem:v15+s29+$0x0] =	vst.idx.msk $0xffff, v6  }
0x9e: {  	v18 =	vor.u32 v0, v17;
	s2 =	spop (v2sf);
	[tilespmem:v16+s29+$0x0] =	vst.idx.msk $0xffff, v7  }
0x9f: {  	v19 =	vor.u32 v2, v17;
	[tilespmem:s16], [sflag:$0x1] =	stream.strided.gather [hbm4b:s2+s9], $0x1000, s10, s9, $0x38;
	[tilespmem:$0x14200] =	vst v63  }
0xa0: {  	_ =	swait.ge [sflag:s28], $0x1000  }
0xa1: {  	[sflag:s28] =	ssyncset.done $0x0  }
0xa2: {  	s3 =	simm.s32 $0x6;
	[sflag:s28] =	ssyncadd.s32 $0xFFFFF000  }
0xa3: {  	v20 =	vor.u32 s3, v1;
	v6 =	vld.idx.msk [tilespmem:v18+s17+$0x0], $0xffff  }
0xa4: {  	v21 =	vor.u32 s3, v3;
	v7 =	vld.idx.msk [tilespmem:v19+s17+$0x0], $0xffff  }
0xa5: {  	(v2sf) =	vpush v4, $0x7;
	_ =	sdelay $0x1  }
0xa6: {  	v22 =	vbroadcast v5, $0x7  }
0xa7: {  	[tilespmem:v20+s29+$0x0] =	vst.idx.msk $0xffff, v6  }
0xa8: {  	v23 =	vor.u32 v0, v22;
	s4 =	spop (v2sf);
	[tilespmem:v21+s29+$0x0] =	vst.idx.msk $0xffff, v7  }
0xa9: {  	v24 =	vor.u32 v2, v22;
	[tilespmem:s17], [sflag:$0x1] =	stream.strided.gather [hbm4b:s4+s9], $0x1000, s10, s9, $0x38;
	[tilespmem:$0x14200] =	vst v63  }
0xaa: {  	_ =	swait.ge [sflag:s28], $0x1000  }
0xab: {  	[sflag:s28] =	ssyncset.done $0x0  }
0xac: {  	s5 =	simm.s32 $0x7;
	[sflag:s28] =	ssyncadd.s32 $0xFFFFF000  }
0xad: {  	v25 =	vor.u32 s5, v1;
	v6 =	vld.idx.msk [tilespmem:v23+s18+$0x0], $0xffff  }
0xae: {  	v26 =	vor.u32 s5, v3;
	v7 =	vld.idx.msk [tilespmem:v24+s18+$0x0], $0xffff  }
0xaf: {  	(v2sf) =	vpush v4, $0x8;
	_ =	sdelay $0x1  }
0xb0: {  	v27 =	vbroadcast v5, $0x8  }
0xb1: {  	[tilespmem:v25+s29+$0x0] =	vst.idx.msk $0xffff, v6  }
0xb2: {  	v28 =	vor.u32 v0, v27;
	s6 =	spop (v2sf);
	[tilespmem:v26+s29+$0x0] =	vst.idx.msk $0xffff, v7  }
0xb3: {  	v29 =	vor.u32 v2, v27;
	[tilespmem:s18], [sflag:$0x1] =	stream.strided.gather [hbm4b:s6+s9], $0x1000, s10, s9, $0x38;
	[tilespmem:$0x14200] =	vst v63  }
0xb4: {  	_ =	swait.ge [sflag:s28], $0x1000  }
0xb5: {  	[sflag:s28] =	ssyncset.done $0x0  }
0xb6: {  	s2 =	simm.s32 $0x8;
	[sflag:s28] =	ssyncadd.s32 $0xFFFFF000  }
0xb7: {  	v30 =	vor.u32 s2, v1;
	v6 =	vld.idx.msk [tilespmem:v28+s19+$0x0], $0xffff  }
0xb8: {  	v31 =	vor.u32 s2, v3;
	v7 =	vld.idx.msk [tilespmem:v29+s19+$0x0], $0xffff  }
0xb9: {  	(v2sf) =	vpush v4, $0x9;
	_ =	sdelay $0x1  }
0xba: {  	v32 =	vbroadcast v5, $0x9  }
0xbb: {  	[tilespmem:v30+s29+$0x0] =	vst.idx.msk $0xffff, v6  }
0xbc: {  	v33 =	vor.u32 v0, v32;
	s3 =	spop (v2sf);
	[tilespmem:v31+s29+$0x0] =	vst.idx.msk $0xffff, v7  }
0xbd: {  	v34 =	vor.u32 v2, v32;
	[tilespmem:s19], [sflag:$0x1] =	stream.strided.gather [hbm4b:s3+s9], $0x1000, s10, s9, $0x38;
	[tilespmem:$0x14200] =	vst v63  }
0xbe: {  	_ =	swait.ge [sflag:s28], $0x1000  }
0xbf: {  	[sflag:s28] =	ssyncset.done $0x0  }
0xc0: {  	s4 =	simm.s32 $0x9;
	[sflag:s28] =	ssyncadd.s32 $0xFFFFF000  }
0xc1: {  	v35 =	vor.u32 s4, v1;
	v6 =	vld.idx.msk [tilespmem:v33+s20+$0x0], $0xffff  }
0xc2: {  	v36 =	vor.u32 s4, v3;
	v7 =	vld.idx.msk [tilespmem:v34+s20+$0x0], $0xffff  }
0xc3: {  	(v2sf) =	vpush v4, $0xA;
	_ =	sdelay $0x1  }
0xc4: {  	v37 =	vbroadcast v5, $0xA  }
0xc5: {  	[tilespmem:v35+s29+$0x0] =	vst.idx.msk $0xffff, v6  }
0xc6: {  	v38 =	vor.u32 v0, v37;
	s5 =	spop (v2sf);
	[tilespmem:v36+s29+$0x0] =	vst.idx.msk $0xffff, v7  }
0xc7: {  	v39 =	vor.u32 v2, v37;
	[tilespmem:s20], [sflag:$0x1] =	stream.strided.gather [hbm4b:s5+s9], $0x1000, s10, s9, $0x38;
	[tilespmem:$0x14200] =	vst v63  }
0xc8: {  	_ =	swait.ge [sflag:s28], $0x1000  }
0xc9: {  	[sflag:s28] =	ssyncset.done $0x0  }
0xca: {  	s6 =	simm.s32 $0xA;
	[sflag:s28] =	ssyncadd.s32 $0xFFFFF000  }
0xcb: {  	v40 =	vor.u32 s6, v1;
	v6 =	vld.idx.msk [tilespmem:v38+s21+$0x0], $0xffff  }
0xcc: {  	v41 =	vor.u32 s6, v3;
	v7 =	vld.idx.msk [tilespmem:v39+s21+$0x0], $0xffff  }
0xcd: {  	(v2sf) =	vpush v4, $0xB;
	_ =	sdelay $0x1  }
0xce: {  	v42 =	vbroadcast v5, $0xB  }
0xcf: {  	[tilespmem:v40+s29+$0x0] =	vst.idx.msk $0xffff, v6  }
0xd0: {  	v43 =	vor.u32 v0, v42;
	s2 =	spop (v2sf);
	[tilespmem:v41+s29+$0x0] =	vst.idx.msk $0xffff, v7  }
0xd1: {  	v44 =	vor.u32 v2, v42;
	[tilespmem:s21], [sflag:$0x1] =	stream.strided.gather [hbm4b:s2+s9], $0x1000, s10, s9, $0x38;
	[tilespmem:$0x14200] =	vst v63  }
0xd2: {  	_ =	swait.ge [sflag:s28], $0x1000  }
0xd3: {  	[sflag:s28] =	ssyncset.done $0x0  }
0xd4: {  	s3 =	simm.s32 $0xB;
	[sflag:s28] =	ssyncadd.s32 $0xFFFFF000  }
0xd5: {  	v45 =	vor.u32 s3, v1;
	v6 =	vld.idx.msk [tilespmem:v43+s22+$0x0], $0xffff  }
0xd6: {  	v46 =	vor.u32 s3, v3;
	v7 =	vld.idx.msk [tilespmem:v44+s22+$0x0], $0xffff  }
0xd7: {  	(v2sf) =	vpush v4, $0xC;
	_ =	sdelay $0x1  }
0xd8: {  	v47 =	vbroadcast v5, $0xC  }
0xd9: {  	[tilespmem:v45+s29+$0x0] =	vst.idx.msk $0xffff, v6  }
0xda: {  	v48 =	vor.u32 v0, v47;
	s4 =	spop (v2sf);
	[tilespmem:v46+s29+$0x0] =	vst.idx.msk $0xffff, v7  }
0xdb: {  	v49 =	vor.u32 v2, v47;
	[tilespmem:s22], [sflag:$0x1] =	stream.strided.gather [hbm4b:s4+s9], $0x1000, s10, s9, $0x38;
	[tilespmem:$0x14200] =	vst v63  }
0xdc: {  	_ =	swait.ge [sflag:s28], $0x1000  }
0xdd: {  	[sflag:s28] =	ssyncset.done $0x0  }
0xde: {  	s5 =	simm.s32 $0xC;
	[sflag:s28] =	ssyncadd.s32 $0xFFFFF000  }
0xdf: {  	v50 =	vor.u32 s5, v1;
	v6 =	vld.idx.msk [tilespmem:v48+s23+$0x0], $0xffff  }
0xe0: {  	v51 =	vor.u32 s5, v3;
	v7 =	vld.idx.msk [tilespmem:v49+s23+$0x0], $0xffff  }
0xe1: {  	(v2sf) =	vpush v4, $0xD;
	_ =	sdelay $0x1  }
0xe2: {  	v52 =	vbroadcast v5, $0xD  }
0xe3: {  	[tilespmem:v50+s29+$0x0] =	vst.idx.msk $0xffff, v6  }
0xe4: {  	v53 =	vor.u32 v0, v52;
	s6 =	spop (v2sf);
	[tilespmem:v51+s29+$0x0] =	vst.idx.msk $0xffff, v7  }
0xe5: {  	v54 =	vor.u32 v2, v52;
	[tilespmem:s23], [sflag:$0x1] =	stream.strided.gather [hbm4b:s6+s9], $0x1000, s10, s9, $0x38;
	[tilespmem:$0x14200] =	vst v63  }
0xe6: {  	_ =	swait.ge [sflag:s28], $0x1000  }
0xe7: {  	[sflag:s28] =	ssyncset.done $0x0  }
0xe8: {  	s2 =	simm.s32 $0xD;
	[sflag:s28] =	ssyncadd.s32 $0xFFFFF000  }
0xe9: {  	v55 =	vor.u32 s2, v1;
	v6 =	vld.idx.msk [tilespmem:v53+s24+$0x0], $0xffff  }
0xea: {  	v56 =	vor.u32 s2, v3;
	v7 =	vld.idx.msk [tilespmem:v54+s24+$0x0], $0xffff  }
0xeb: {  	(v2sf) =	vpush v4, $0xE;
	_ =	sdelay $0x1  }
0xec: {  	v57 =	vbroadcast v5, $0xE  }
0xed: {  	[tilespmem:v55+s29+$0x0] =	vst.idx.msk $0xffff, v6  }
0xee: {  	v58 =	vor.u32 v0, v57;
	s3 =	spop (v2sf);
	[tilespmem:v56+s29+$0x0] =	vst.idx.msk $0xffff, v7  }
0xef: {  	v59 =	vor.u32 v2, v57;
	[tilespmem:s24], [sflag:$0x1] =	stream.strided.gather [hbm4b:s3+s9], $0x1000, s10, s9, $0x38;
	[tilespmem:$0x14200] =	vst v63  }
0xf0: {  	_ =	swait.ge [sflag:s28], $0x1000  }
0xf1: {  	[sflag:s28] =	ssyncset.done $0x0  }
0xf2: {  	s4 =	simm.s32 $0xE;
	[sflag:s28] =	ssyncadd.s32 $0xFFFFF000  }
0xf3: {  	v60 =	vor.u32 s4, v1;
	v6 =	vld.idx.msk [tilespmem:v58+s25+$0x0], $0xffff  }
0xf4: {  	v61 =	vor.u32 s4, v3;
	v7 =	vld.idx.msk [tilespmem:v59+s25+$0x0], $0xffff  }
0xf5: {  	(v2sf) =	vpush v4, $0xF;
	_ =	sdelay $0x1  }
0xf6: {  	v4 =	vbroadcast v5, $0xF  }
0xf7: {  	[tilespmem:v60+s29+$0x0] =	vst.idx.msk $0xffff, v6  }
0xf8: {  	v5 =	vor.u32 v0, v4;
	s5 =	spop (v2sf);
	[tilespmem:v61+s29+$0x0] =	vst.idx.msk $0xffff, v7  }
0xf9: {  	v4 =	vor.u32 v2, v4;
	[tilespmem:s25], [sflag:$0x1] =	stream.strided.gather [hbm4b:s5+s9], $0x1000, s10, s9, $0x38;
	[tilespmem:$0x14200] =	vst v63  }
0xfa: {  	_ =	swait.ge [sflag:s28], $0x1000  }
0xfb: {  	[sflag:s28] =	ssyncset.done $0x0  }
0xfc: {  	s6 =	simm.s32 $0xF;
	[sflag:s28] =	ssyncadd.s32 $0xFFFFF000  }
0xfd: {  	v62 =	vor.u32 s6, v1;
	v5 =	vld.idx.msk [tilespmem:v5+s26+$0x0], $0xffff  }
0xfe: {  	v63 =	vor.u32 s6, v3;
	v4 =	vld.idx.msk [tilespmem:v4+s26+$0x0], $0xffff;
	_ =	sdelay $0x2  }
0xff: {  	s0 =	simm.s32 $0x20  }
0x100: {  	s2 =	sand.u32 $0x1F0, s0;
	[tilespmem:v62+s29+$0x0] =	vst.idx.msk $0xffff, v5  }
0x101: {  	s4 =	simm.s32 $0x30;
	s3 =	simm.s32 $0x10;
	s5 =	spop (v2sf);
	[tilespmem:v63+s29+$0x0] =	vst.idx.msk $0xffff, v4  }
.LBB2_2:
0x102: {  	[tilespmem:s26], [sflag:$0x1] =	stream.strided.gather [hbm4b:s5+s9], $0x1000, s10, s9, $0x38;
	[tilespmem:$0x14200] =	vst v63  }
0x103: {  	s5 =	smov.u32 s4  }
0x104: {  	p0 =	sne.s32 s4, $0x200;
	s4 =	sadd.s32 $0x10, s4;
	v4 =	vld [tilespmem:s2+$0x0];
	s2 =	sand.u32 $0x1F0, s5  }
0x105: {  	v5 =	vld [tilespmem:s3+$0x0];
	_ =	sdelay $0x3  }
0x106: {  	v4 =	vand.u32 $0xFFFFFF80, v4  }
0x107: {  	v5 =	vand.u32 $0x7F, v5;
	v4 =	vadd.s32 s1, v4  }
0x108: {  	v6 =	vbroadcast v5, $0x0;
	v16 =	vbroadcast v5, $0x1;
	(v2sf) =	vpush v4, $0x0  }
0x109: {  	v17 =	vbroadcast v5, $0x2;
	v18 =	vbroadcast v5, $0x3  }
0x10a: {  	v21 =	vbroadcast v5, $0x4;
	v19 =	vor.u32 v0, v6;
	v20 =	vor.u32 v2, v6  }
0x10b: {  	v15 =	vbroadcast v5, $0x5;
	v14 =	vbroadcast v5, $0x6  }
0x10c: {  	v13 =	vbroadcast v5, $0x7;
	v12 =	vbroadcast v5, $0x8  }
0x10d: {  	v11 =	vbroadcast v5, $0x9;
	v10 =	vbroadcast v5, $0xA;
	_ =	swait.ge [sflag:s28], $0x1000  }
0x10e: {  	v9 =	vbroadcast v5, $0xB;
	v8 =	vbroadcast v5, $0xC;
	[sflag:s28] =	ssyncset.done $0x0  }
0x10f: {  	v7 =	vbroadcast v5, $0xD;
	v6 =	vbroadcast v5, $0xE;
	[sflag:s28] =	ssyncadd.s32 $0xFFFFF000  }
0x110: {  	s6 =	sadd.s32 $0xFFFFFFF0, s0;
	v5 =	vbroadcast v5, $0xF;
	v19 =	vld.idx.msk [tilespmem:v19+s11+$0x0], $0xffff  }
0x111: {  	v22 =	vor.u32 s6, v1;
	v20 =	vld.idx.msk [tilespmem:v20+s11+$0x0], $0xffff  }
0x112: {  	v23 =	vor.u32 s6, v3;
	_ =	sdelay $0x1  }
0x113: {  	(v2sf) =	vpush v4, $0x1;
	_ =	sdelay $0x1  }
0x114: {  	[tilespmem:v22+s29+$0x0] =	vst.idx.msk $0xffff, v19  }
0x115: {  	v19 =	vor.u32 v0, v16;
	[tilespmem:v23+s29+$0x0] =	vst.idx.msk $0xffff, v20;
	s6 =	spop (v2sf)  }
0x116: {  	v16 =	vor.u32 v2, v16;
	[tilespmem:s11], [sflag:$0x1] =	stream.strided.gather [hbm4b:s6+s9], $0x1000, s10, s9, $0x38;
	[tilespmem:$0x14200] =	vst v63  }
0x117: {  	_ =	swait.ge [sflag:s28], $0x1000  }
0x118: {  	[sflag:s28] =	ssyncset.done $0x0  }
0x119: {  	[sflag:s28] =	ssyncadd.s32 $0xFFFFF000  }
0x11a: {  	s6 =	sadd.s32 $0xFFFFFFF1, s0;
	v19 =	vld.idx.msk [tilespmem:v19+s12+$0x0], $0xffff  }
0x11b: {  	v20 =	vor.u32 s6, v1;
	v16 =	vld.idx.msk [tilespmem:v16+s12+$0x0], $0xffff  }
0x11c: {  	v22 =	vor.u32 s6, v3;
	_ =	sdelay $0x1  }
0x11d: {  	(v2sf) =	vpush v4, $0x2;
	_ =	sdelay $0x1  }
0x11e: {  	[tilespmem:v20+s29+$0x0] =	vst.idx.msk $0xffff, v19  }
0x11f: {  	[tilespmem:v22+s29+$0x0] =	vst.idx.msk $0xffff, v16;
	v16 =	vor.u32 v0, v17;
	s6 =	spop (v2sf)  }
0x120: {  	v17 =	vor.u32 v2, v17;
	[tilespmem:s12], [sflag:$0x1] =	stream.strided.gather [hbm4b:s6+s9], $0x1000, s10, s9, $0x38;
	[tilespmem:$0x14200] =	vst v63  }
0x121: {  	_ =	swait.ge [sflag:s28], $0x1000  }
0x122: {  	[sflag:s28] =	ssyncset.done $0x0  }
0x123: {  	[sflag:s28] =	ssyncadd.s32 $0xFFFFF000  }
0x124: {  	s6 =	sadd.s32 $0xFFFFFFF2, s0;
	v16 =	vld.idx.msk [tilespmem:v16+s13+$0x0], $0xffff  }
0x125: {  	v19 =	vor.u32 s6, v1;
	v17 =	vld.idx.msk [tilespmem:v17+s13+$0x0], $0xffff  }
0x126: {  	v20 =	vor.u32 s6, v3;
	_ =	sdelay $0x1  }
0x127: {  	(v2sf) =	vpush v4, $0x3;
	_ =	sdelay $0x1  }
0x128: {  	[tilespmem:v19+s29+$0x0] =	vst.idx.msk $0xffff, v16  }
0x129: {  	v16 =	vor.u32 v0, v18;
	[tilespmem:v20+s29+$0x0] =	vst.idx.msk $0xffff, v17;
	s6 =	spop (v2sf)  }
0x12a: {  	v17 =	vor.u32 v2, v18;
	[tilespmem:s13], [sflag:$0x1] =	stream.strided.gather [hbm4b:s6+s9], $0x1000, s10, s9, $0x38;
	[tilespmem:$0x14200] =	vst v63  }
0x12b: {  	_ =	swait.ge [sflag:s28], $0x1000  }
0x12c: {  	[sflag:s28] =	ssyncset.done $0x0  }
0x12d: {  	[sflag:s28] =	ssyncadd.s32 $0xFFFFF000  }
0x12e: {  	s6 =	sadd.s32 $0xFFFFFFF3, s0;
	v16 =	vld.idx.msk [tilespmem:v16+s14+$0x0], $0xffff  }
0x12f: {  	v18 =	vor.u32 s6, v1;
	v17 =	vld.idx.msk [tilespmem:v17+s14+$0x0], $0xffff  }
0x130: {  	v19 =	vor.u32 s6, v3;
	_ =	sdelay $0x1  }
0x131: {  	(v2sf) =	vpush v4, $0x4;
	_ =	sdelay $0x1  }
0x132: {  	[tilespmem:v18+s29+$0x0] =	vst.idx.msk $0xffff, v16  }
0x133: {  	v16 =	vor.u32 v0, v21;
	[tilespmem:v19+s29+$0x0] =	vst.idx.msk $0xffff, v17;
	s6 =	spop (v2sf)  }
0x134: {  	v17 =	vor.u32 v2, v21;
	[tilespmem:s14], [sflag:$0x1] =	stream.strided.gather [hbm4b:s6+s9], $0x1000, s10, s9, $0x38;
	[tilespmem:$0x14200] =	vst v63  }
0x135: {  	_ =	swait.ge [sflag:s28], $0x1000  }
0x136: {  	[sflag:s28] =	ssyncset.done $0x0  }
0x137: {  	[sflag:s28] =	ssyncadd.s32 $0xFFFFF000  }
0x138: {  	s6 =	sadd.s32 $0xFFFFFFF4, s0;
	v16 =	vld.idx.msk [tilespmem:v16+s15+$0x0], $0xffff  }
0x139: {  	v18 =	vor.u32 s6, v1;
	v17 =	vld.idx.msk [tilespmem:v17+s15+$0x0], $0xffff  }
0x13a: {  	v19 =	vor.u32 s6, v3;
	_ =	sdelay $0x1  }
0x13b: {  	(v2sf) =	vpush v4, $0x5;
	_ =	sdelay $0x1  }
0x13c: {  	[tilespmem:v18+s29+$0x0] =	vst.idx.msk $0xffff, v16  }
0x13d: {  	v16 =	vor.u32 v0, v15;
	[tilespmem:v19+s29+$0x0] =	vst.idx.msk $0xffff, v17;
	s6 =	spop (v2sf)  }
0x13e: {  	v15 =	vor.u32 v2, v15;
	[tilespmem:s15], [sflag:$0x1] =	stream.strided.gather [hbm4b:s6+s9], $0x1000, s10, s9, $0x38;
	[tilespmem:$0x14200] =	vst v63  }
0x13f: {  	_ =	swait.ge [sflag:s28], $0x1000  }
0x140: {  	[sflag:s28] =	ssyncset.done $0x0  }
0x141: {  	[sflag:s28] =	ssyncadd.s32 $0xFFFFF000  }
0x142: {  	s6 =	sadd.s32 $0xFFFFFFF5, s0;
	v16 =	vld.idx.msk [tilespmem:v16+s16+$0x0], $0xffff  }
0x143: {  	v17 =	vor.u32 s6, v1;
	v15 =	vld.idx.msk [tilespmem:v15+s16+$0x0], $0xffff  }
0x144: {  	v18 =	vor.u32 s6, v3;
	_ =	sdelay $0x1  }
0x145: {  	(v2sf) =	vpush v4, $0x6;
	_ =	sdelay $0x1  }
0x146: {  	[tilespmem:v17+s29+$0x0] =	vst.idx.msk $0xffff, v16  }
0x147: {  	[tilespmem:v18+s29+$0x0] =	vst.idx.msk $0xffff, v15;
	v15 =	vor.u32 v0, v14;
	s6 =	spop (v2sf)  }
0x148: {  	v14 =	vor.u32 v2, v14;
	[tilespmem:s16], [sflag:$0x1] =	stream.strided.gather [hbm4b:s6+s9], $0x1000, s10, s9, $0x38;
	[tilespmem:$0x14200] =	vst v63  }
0x149: {  	_ =	swait.ge [sflag:s28], $0x1000  }
0x14a: {  	[sflag:s28] =	ssyncset.done $0x0  }
0x14b: {  	[sflag:s28] =	ssyncadd.s32 $0xFFFFF000  }
0x14c: {  	s6 =	sadd.s32 $0xFFFFFFF6, s0;
	v15 =	vld.idx.msk [tilespmem:v15+s17+$0x0], $0xffff  }
0x14d: {  	v16 =	vor.u32 s6, v1;
	v14 =	vld.idx.msk [tilespmem:v14+s17+$0x0], $0xffff  }
0x14e: {  	v17 =	vor.u32 s6, v3;
	_ =	sdelay $0x1  }
0x14f: {  	(v2sf) =	vpush v4, $0x7;
	_ =	sdelay $0x1  }
0x150: {  	[tilespmem:v16+s29+$0x0] =	vst.idx.msk $0xffff, v15  }
0x151: {  	[tilespmem:v17+s29+$0x0] =	vst.idx.msk $0xffff, v14;
	v14 =	vor.u32 v0, v13;
	s6 =	spop (v2sf)  }
0x152: {  	v13 =	vor.u32 v2, v13;
	[tilespmem:s17], [sflag:$0x1] =	stream.strided.gather [hbm4b:s6+s9], $0x1000, s10, s9, $0x38;
	[tilespmem:$0x14200] =	vst v63  }
0x153: {  	_ =	swait.ge [sflag:s28], $0x1000  }
0x154: {  	[sflag:s28] =	ssyncset.done $0x0  }
0x155: {  	[sflag:s28] =	ssyncadd.s32 $0xFFFFF000  }
0x156: {  	s6 =	sadd.s32 $0xFFFFFFF7, s0;
	v14 =	vld.idx.msk [tilespmem:v14+s18+$0x0], $0xffff  }
0x157: {  	v15 =	vor.u32 s6, v1;
	v13 =	vld.idx.msk [tilespmem:v13+s18+$0x0], $0xffff  }
0x158: {  	v16 =	vor.u32 s6, v3;
	_ =	sdelay $0x1  }
0x159: {  	(v2sf) =	vpush v4, $0x8;
	_ =	sdelay $0x1  }
0x15a: {  	[tilespmem:v15+s29+$0x0] =	vst.idx.msk $0xffff, v14  }
0x15b: {  	[tilespmem:v16+s29+$0x0] =	vst.idx.msk $0xffff, v13;
	v13 =	vor.u32 v0, v12;
	s6 =	spop (v2sf)  }
0x15c: {  	v12 =	vor.u32 v2, v12;
	[tilespmem:s18], [sflag:$0x1] =	stream.strided.gather [hbm4b:s6+s9], $0x1000, s10, s9, $0x38;
	[tilespmem:$0x14200] =	vst v63  }
0x15d: {  	_ =	swait.ge [sflag:s28], $0x1000  }
0x15e: {  	[sflag:s28] =	ssyncset.done $0x0  }
0x15f: {  	[sflag:s28] =	ssyncadd.s32 $0xFFFFF000  }
0x160: {  	s6 =	sadd.s32 $0xFFFFFFF8, s0;
	v13 =	vld.idx.msk [tilespmem:v13+s19+$0x0], $0xffff  }
0x161: {  	v14 =	vor.u32 s6, v1;
	v12 =	vld.idx.msk [tilespmem:v12+s19+$0x0], $0xffff  }
0x162: {  	v15 =	vor.u32 s6, v3;
	_ =	sdelay $0x1  }
0x163: {  	(v2sf) =	vpush v4, $0x9;
	_ =	sdelay $0x1  }
0x164: {  	[tilespmem:v14+s29+$0x0] =	vst.idx.msk $0xffff, v13  }
0x165: {  	[tilespmem:v15+s29+$0x0] =	vst.idx.msk $0xffff, v12;
	v12 =	vor.u32 v0, v11;
	s6 =	spop (v2sf)  }
0x166: {  	v11 =	vor.u32 v2, v11;
	[tilespmem:s19], [sflag:$0x1] =	stream.strided.gather [hbm4b:s6+s9], $0x1000, s10, s9, $0x38;
	[tilespmem:$0x14200] =	vst v63  }
0x167: {  	_ =	swait.ge [sflag:s28], $0x1000  }
0x168: {  	[sflag:s28] =	ssyncset.done $0x0  }
0x169: {  	[sflag:s28] =	ssyncadd.s32 $0xFFFFF000  }
0x16a: {  	s6 =	sadd.s32 $0xFFFFFFF9, s0;
	v12 =	vld.idx.msk [tilespmem:v12+s20+$0x0], $0xffff  }
0x16b: {  	v13 =	vor.u32 s6, v1;
	v11 =	vld.idx.msk [tilespmem:v11+s20+$0x0], $0xffff  }
0x16c: {  	v14 =	vor.u32 s6, v3;
	_ =	sdelay $0x1  }
0x16d: {  	(v2sf) =	vpush v4, $0xA;
	_ =	sdelay $0x1  }
0x16e: {  	[tilespmem:v13+s29+$0x0] =	vst.idx.msk $0xffff, v12  }
0x16f: {  	[tilespmem:v14+s29+$0x0] =	vst.idx.msk $0xffff, v11;
	v11 =	vor.u32 v0, v10;
	s6 =	spop (v2sf)  }
0x170: {  	v10 =	vor.u32 v2, v10;
	[tilespmem:s20], [sflag:$0x1] =	stream.strided.gather [hbm4b:s6+s9], $0x1000, s10, s9, $0x38;
	[tilespmem:$0x14200] =	vst v63  }
0x171: {  	_ =	swait.ge [sflag:s28], $0x1000  }
0x172: {  	[sflag:s28] =	ssyncset.done $0x0  }
0x173: {  	[sflag:s28] =	ssyncadd.s32 $0xFFFFF000  }
0x174: {  	s6 =	sadd.s32 $0xFFFFFFFA, s0;
	v11 =	vld.idx.msk [tilespmem:v11+s21+$0x0], $0xffff  }
0x175: {  	v12 =	vor.u32 s6, v1;
	v10 =	vld.idx.msk [tilespmem:v10+s21+$0x0], $0xffff  }
0x176: {  	v13 =	vor.u32 s6, v3;
	_ =	sdelay $0x1  }
0x177: {  	(v2sf) =	vpush v4, $0xB;
	_ =	sdelay $0x1  }
0x178: {  	[tilespmem:v12+s29+$0x0] =	vst.idx.msk $0xffff, v11  }
0x179: {  	[tilespmem:v13+s29+$0x0] =	vst.idx.msk $0xffff, v10;
	v10 =	vor.u32 v0, v9;
	s6 =	spop (v2sf)  }
0x17a: {  	v9 =	vor.u32 v2, v9;
	[tilespmem:s21], [sflag:$0x1] =	stream.strided.gather [hbm4b:s6+s9], $0x1000, s10, s9, $0x38;
	[tilespmem:$0x14200] =	vst v63  }
0x17b: {  	_ =	swait.ge [sflag:s28], $0x1000  }
0x17c: {  	[sflag:s28] =	ssyncset.done $0x0  }
0x17d: {  	[sflag:s28] =	ssyncadd.s32 $0xFFFFF000  }
0x17e: {  	s6 =	sadd.s32 $0xFFFFFFFB, s0;
	v10 =	vld.idx.msk [tilespmem:v10+s22+$0x0], $0xffff  }
0x17f: {  	v11 =	vor.u32 s6, v1;
	v9 =	vld.idx.msk [tilespmem:v9+s22+$0x0], $0xffff  }
0x180: {  	v12 =	vor.u32 s6, v3;
	_ =	sdelay $0x1  }
0x181: {  	(v2sf) =	vpush v4, $0xC;
	_ =	sdelay $0x1  }
0x182: {  	[tilespmem:v11+s29+$0x0] =	vst.idx.msk $0xffff, v10  }
0x183: {  	[tilespmem:v12+s29+$0x0] =	vst.idx.msk $0xffff, v9;
	v9 =	vor.u32 v0, v8;
	s6 =	spop (v2sf)  }
0x184: {  	v8 =	vor.u32 v2, v8;
	[tilespmem:s22], [sflag:$0x1] =	stream.strided.gather [hbm4b:s6+s9], $0x1000, s10, s9, $0x38;
	[tilespmem:$0x14200] =	vst v63  }
0x185: {  	_ =	swait.ge [sflag:s28], $0x1000  }
0x186: {  	[sflag:s28] =	ssyncset.done $0x0  }
0x187: {  	[sflag:s28] =	ssyncadd.s32 $0xFFFFF000  }
0x188: {  	s6 =	sadd.s32 $0xFFFFFFFC, s0;
	v9 =	vld.idx.msk [tilespmem:v9+s23+$0x0], $0xffff  }
0x189: {  	v10 =	vor.u32 s6, v1;
	v8 =	vld.idx.msk [tilespmem:v8+s23+$0x0], $0xffff  }
0x18a: {  	v11 =	vor.u32 s6, v3;
	_ =	sdelay $0x1  }
0x18b: {  	(v2sf) =	vpush v4, $0xD;
	_ =	sdelay $0x1  }
0x18c: {  	[tilespmem:v10+s29+$0x0] =	vst.idx.msk $0xffff, v9  }
0x18d: {  	[tilespmem:v11+s29+$0x0] =	vst.idx.msk $0xffff, v8;
	v8 =	vor.u32 v0, v7;
	s6 =	spop (v2sf)  }
0x18e: {  	v7 =	vor.u32 v2, v7;
	[tilespmem:s23], [sflag:$0x1] =	stream.strided.gather [hbm4b:s6+s9], $0x1000, s10, s9, $0x38;
	[tilespmem:$0x14200] =	vst v63  }
0x18f: {  	_ =	swait.ge [sflag:s28], $0x1000  }
0x190: {  	[sflag:s28] =	ssyncset.done $0x0  }
0x191: {  	[sflag:s28] =	ssyncadd.s32 $0xFFFFF000  }
0x192: {  	s6 =	sadd.s32 $0xFFFFFFFD, s0;
	v8 =	vld.idx.msk [tilespmem:v8+s24+$0x0], $0xffff  }
0x193: {  	v9 =	vor.u32 s6, v1;
	v7 =	vld.idx.msk [tilespmem:v7+s24+$0x0], $0xffff  }
0x194: {  	v10 =	vor.u32 s6, v3;
	_ =	sdelay $0x1  }
0x195: {  	(v2sf) =	vpush v4, $0xE;
	_ =	sdelay $0x1  }
0x196: {  	[tilespmem:v9+s29+$0x0] =	vst.idx.msk $0xffff, v8  }
0x197: {  	[tilespmem:v10+s29+$0x0] =	vst.idx.msk $0xffff, v7;
	v7 =	vor.u32 v0, v6;
	s6 =	spop (v2sf)  }
0x198: {  	v6 =	vor.u32 v2, v6;
	[tilespmem:s24], [sflag:$0x1] =	stream.strided.gather [hbm4b:s6+s9], $0x1000, s10, s9, $0x38;
	[tilespmem:$0x14200] =	vst v63  }
0x199: {  	_ =	swait.ge [sflag:s28], $0x1000  }
0x19a: {  	[sflag:s28] =	ssyncset.done $0x0  }
0x19b: {  	[sflag:s28] =	ssyncadd.s32 $0xFFFFF000  }
0x19c: {  	s6 =	sadd.s32 $0xFFFFFFFE, s0;
	v7 =	vld.idx.msk [tilespmem:v7+s25+$0x0], $0xffff  }
0x19d: {  	v8 =	vor.u32 s6, v1;
	v6 =	vld.idx.msk [tilespmem:v6+s25+$0x0], $0xffff  }
0x19e: {  	v9 =	vor.u32 s6, v3;
	_ =	sdelay $0x1  }
0x19f: {  	(v2sf) =	vpush v4, $0xF;
	_ =	sdelay $0x1  }
0x1a0: {  	[tilespmem:v8+s29+$0x0] =	vst.idx.msk $0xffff, v7  }
0x1a1: {  	v4 =	vor.u32 v0, v5;
	[tilespmem:v9+s29+$0x0] =	vst.idx.msk $0xffff, v6;
	s6 =	spop (v2sf)  }
0x1a2: {  	v5 =	vor.u32 v2, v5;
	[tilespmem:s25], [sflag:$0x1] =	stream.strided.gather [hbm4b:s6+s9], $0x1000, s10, s9, $0x38;
	[tilespmem:$0x14200] =	vst v63  }
0x1a3: {  	_ =	swait.ge [sflag:s28], $0x1000  }
0x1a4: {  	[sflag:s28] =	ssyncset.done $0x0  }
0x1a5: {  	[sflag:s28] =	ssyncadd.s32 $0xFFFFF000  }
0x1a6: {  	s6 =	sadd.s32 $0xFFFFFFFF, s0;
	s0 =	smov.u32 s5;
	v4 =	vld.idx.msk [tilespmem:v4+s26+$0x0], $0xffff  }
0x1a7: {  	v6 =	vor.u32 s6, v1;
	v5 =	vld.idx.msk [tilespmem:v5+s26+$0x0], $0xffff  }
0x1a8: {  	v7 =	vor.u32 s6, v3  }
.Ltmp0:
0x1a9: {  	(pc) =	sbr.rel @p0 .LBB2_2-.Ltmp0, $3  }
0x1aa: {  	_ =	sdelay $0x1  }
0x1ab: {  	[tilespmem:v6+s29+$0x0] =	vst.idx.msk $0xffff, v4  }
0x1ac: {  	s3 =	sadd.s32 $0x10, s3;
	[tilespmem:v7+s29+$0x0] =	vst.idx.msk $0xffff, v5;
	s5 =	spop (v2sf)  }
0x1ad: {  	[tilespmem:s26], [sflag:$0x1] =	stream.strided.gather [hbm4b:s5+s9], $0x1000, s10, s9, $0x38;
	[tilespmem:$0x14200] =	vst v63  }
0x1ae: {  	v4 =	vld [tilespmem:s2+$0x0];
	_ =	sdelay $0x2  }
0x1af: {  	v5 =	vld [tilespmem:s3+$0x0];
	_ =	sdelay $0x1  }
0x1b0: {  	v4 =	vand.u32 $0xFFFFFF80, v4  }
0x1b1: {  	v4 =	vadd.s32 s1, v4  }
0x1b2: {  	(v2sf) =	vpush v4, $0x0  }
0x1b3: {  	v5 =	vand.u32 $0x7F, v5  }
0x1b4: {  	v6 =	vbroadcast v5, $0x0;
	_ =	sdelay $0x1  }
0x1b5: {  	v7 =	vor.u32 v0, v6  }
0x1b6: {  	v6 =	vor.u32 v2, v6  }
0x1b7: {  	_ =	swait.ge [sflag:s28], $0x1000  }
0x1b8: {  	[sflag:s28] =	ssyncset.done $0x0  }
0x1b9: {  	s6 =	sadd.s32 $0xFFFFFFF0, s0;
	[sflag:s28] =	ssyncadd.s32 $0xFFFFF000  }
0x1ba: {  	v8 =	vor.u32 s6, v1;
	v7 =	vld.idx.msk [tilespmem:v7+s11+$0x0], $0xffff  }
0x1bb: {  	v9 =	vor.u32 s6, v3;
	v6 =	vld.idx.msk [tilespmem:v6+s11+$0x0], $0xffff  }
0x1bc: {  	(v2sf) =	vpush v4, $0x1;
	_ =	sdelay $0x1  }
0x1bd: {  	v10 =	vbroadcast v5, $0x1  }
0x1be: {  	[tilespmem:v8+s29+$0x0] =	vst.idx.msk $0xffff, v7  }
0x1bf: {  	v45 =	vor.u32 v0, v10;
	[tilespmem:v9+s29+$0x0] =	vst.idx.msk $0xffff, v6;
	s3 =	spop (v2sf)  }
0x1c0: {  	v46 =	vor.u32 v2, v10;
	[tilespmem:s11], [sflag:$0x1] =	stream.strided.gather [hbm4b:s3+s9], $0x1000, s10, s9, $0x38;
	[tilespmem:$0x14200] =	vst v63  }
0x1c1: {  	_ =	swait.ge [sflag:s28], $0x1000  }
0x1c2: {  	[sflag:s28] =	ssyncset.done $0x0  }
0x1c3: {  	s4 =	sadd.s32 $0xFFFFFFF1, s0;
	[sflag:s28] =	ssyncadd.s32 $0xFFFFF000  }
0x1c4: {  	v47 =	vor.u32 s4, v1;
	v6 =	vld.idx.msk [tilespmem:v45+s12+$0x0], $0xffff  }
0x1c5: {  	v48 =	vor.u32 s4, v3;
	v7 =	vld.idx.msk [tilespmem:v46+s12+$0x0], $0xffff  }
0x1c6: {  	(v2sf) =	vpush v4, $0x2;
	_ =	sdelay $0x1  }
0x1c7: {  	v49 =	vbroadcast v5, $0x2  }
0x1c8: {  	[tilespmem:v47+s29+$0x0] =	vst.idx.msk $0xffff, v6  }
0x1c9: {  	v50 =	vor.u32 v0, v49;
	s5 =	spop (v2sf);
	[tilespmem:v48+s29+$0x0] =	vst.idx.msk $0xffff, v7  }
0x1ca: {  	v51 =	vor.u32 v2, v49;
	[tilespmem:s12], [sflag:$0x1] =	stream.strided.gather [hbm4b:s5+s9], $0x1000, s10, s9, $0x38;
	[tilespmem:$0x14200] =	vst v63  }
0x1cb: {  	_ =	swait.ge [sflag:s28], $0x1000  }
0x1cc: {  	[sflag:s28] =	ssyncset.done $0x0  }
0x1cd: {  	s6 =	sadd.s32 $0xFFFFFFF2, s0;
	[sflag:s28] =	ssyncadd.s32 $0xFFFFF000  }
0x1ce: {  	v52 =	vor.u32 s6, v1;
	v6 =	vld.idx.msk [tilespmem:v50+s13+$0x0], $0xffff  }
0x1cf: {  	v53 =	vor.u32 s6, v3;
	v7 =	vld.idx.msk [tilespmem:v51+s13+$0x0], $0xffff  }
0x1d0: {  	(v2sf) =	vpush v4, $0x3;
	_ =	sdelay $0x1  }
0x1d1: {  	v54 =	vbroadcast v5, $0x3  }
0x1d2: {  	[tilespmem:v52+s29+$0x0] =	vst.idx.msk $0xffff, v6  }
0x1d3: {  	v55 =	vor.u32 v0, v54;
	s3 =	spop (v2sf);
	[tilespmem:v53+s29+$0x0] =	vst.idx.msk $0xffff, v7  }
0x1d4: {  	v56 =	vor.u32 v2, v54;
	[tilespmem:s13], [sflag:$0x1] =	stream.strided.gather [hbm4b:s3+s9], $0x1000, s10, s9, $0x38;
	[tilespmem:$0x14200] =	vst v63  }
0x1d5: {  	_ =	swait.ge [sflag:s28], $0x1000  }
0x1d6: {  	[sflag:s28] =	ssyncset.done $0x0  }
0x1d7: {  	s4 =	sadd.s32 $0xFFFFFFF3, s0;
	[sflag:s28] =	ssyncadd.s32 $0xFFFFF000  }
0x1d8: {  	v57 =	vor.u32 s4, v1;
	v6 =	vld.idx.msk [tilespmem:v55+s14+$0x0], $0xffff  }
0x1d9: {  	v58 =	vor.u32 s4, v3;
	v7 =	vld.idx.msk [tilespmem:v56+s14+$0x0], $0xffff  }
0x1da: {  	(v2sf) =	vpush v4, $0x4;
	_ =	sdelay $0x1  }
0x1db: {  	v59 =	vbroadcast v5, $0x4  }
0x1dc: {  	[tilespmem:v57+s29+$0x0] =	vst.idx.msk $0xffff, v6  }
0x1dd: {  	v60 =	vor.u32 v0, v59;
	s5 =	spop (v2sf);
	[tilespmem:v58+s29+$0x0] =	vst.idx.msk $0xffff, v7  }
0x1de: {  	v61 =	vor.u32 v2, v59;
	[tilespmem:s14], [sflag:$0x1] =	stream.strided.gather [hbm4b:s5+s9], $0x1000, s10, s9, $0x38;
	[tilespmem:$0x14200] =	vst v63  }
0x1df: {  	_ =	swait.ge [sflag:s28], $0x1000  }
0x1e0: {  	[sflag:s28] =	ssyncset.done $0x0  }
0x1e1: {  	s6 =	sadd.s32 $0xFFFFFFF4, s0;
	[sflag:s28] =	ssyncadd.s32 $0xFFFFF000  }
0x1e2: {  	v62 =	vor.u32 s6, v1;
	v6 =	vld.idx.msk [tilespmem:v60+s15+$0x0], $0xffff  }
0x1e3: {  	v63 =	vor.u32 s6, v3;
	v7 =	vld.idx.msk [tilespmem:v61+s15+$0x0], $0xffff  }
0x1e4: {  	(v2sf) =	vpush v4, $0x5;
	_ =	sdelay $0x1  }
0x1e5: {  	v12 =	vbroadcast v5, $0x5  }
0x1e6: {  	[tilespmem:v62+s29+$0x0] =	vst.idx.msk $0xffff, v6  }
0x1e7: {  	v13 =	vor.u32 v0, v12;
	s3 =	spop (v2sf);
	[tilespmem:v63+s29+$0x0] =	vst.idx.msk $0xffff, v7  }
0x1e8: {  	v14 =	vor.u32 v2, v12;
	[tilespmem:s15], [sflag:$0x1] =	stream.strided.gather [hbm4b:s3+s9], $0x1000, s10, s9, $0x38;
	[tilespmem:$0x14200] =	vst v63  }
0x1e9: {  	_ =	swait.ge [sflag:s28], $0x1000  }
0x1ea: {  	[sflag:s28] =	ssyncset.done $0x0  }
0x1eb: {  	s4 =	sadd.s32 $0xFFFFFFF5, s0;
	[sflag:s28] =	ssyncadd.s32 $0xFFFFF000  }
0x1ec: {  	v15 =	vor.u32 s4, v1;
	v6 =	vld.idx.msk [tilespmem:v13+s16+$0x0], $0xffff  }
0x1ed: {  	v16 =	vor.u32 s4, v3;
	v7 =	vld.idx.msk [tilespmem:v14+s16+$0x0], $0xffff  }
0x1ee: {  	(v2sf) =	vpush v4, $0x6;
	_ =	sdelay $0x1  }
0x1ef: {  	v17 =	vbroadcast v5, $0x6  }
0x1f0: {  	[tilespmem:v15+s29+$0x0] =	vst.idx.msk $0xffff, v6  }
0x1f1: {  	v18 =	vor.u32 v0, v17;
	s5 =	spop (v2sf);
	[tilespmem:v16+s29+$0x0] =	vst.idx.msk $0xffff, v7  }
0x1f2: {  	v19 =	vor.u32 v2, v17;
	[tilespmem:s16], [sflag:$0x1] =	stream.strided.gather [hbm4b:s5+s9], $0x1000, s10, s9, $0x38;
	[tilespmem:$0x14200] =	vst v63  }
0x1f3: {  	_ =	swait.ge [sflag:s28], $0x1000  }
0x1f4: {  	[sflag:s28] =	ssyncset.done $0x0  }
0x1f5: {  	s6 =	sadd.s32 $0xFFFFFFF6, s0;
	[sflag:s28] =	ssyncadd.s32 $0xFFFFF000  }
0x1f6: {  	v20 =	vor.u32 s6, v1;
	v6 =	vld.idx.msk [tilespmem:v18+s17+$0x0], $0xffff  }
0x1f7: {  	v21 =	vor.u32 s6, v3;
	v7 =	vld.idx.msk [tilespmem:v19+s17+$0x0], $0xffff  }
0x1f8: {  	(v2sf) =	vpush v4, $0x7;
	_ =	sdelay $0x1  }
0x1f9: {  	v22 =	vbroadcast v5, $0x7  }
0x1fa: {  	[tilespmem:v20+s29+$0x0] =	vst.idx.msk $0xffff, v6  }
0x1fb: {  	v23 =	vor.u32 v0, v22;
	s3 =	spop (v2sf);
	[tilespmem:v21+s29+$0x0] =	vst.idx.msk $0xffff, v7  }
0x1fc: {  	v24 =	vor.u32 v2, v22;
	[tilespmem:s17], [sflag:$0x1] =	stream.strided.gather [hbm4b:s3+s9], $0x1000, s10, s9, $0x38;
	[tilespmem:$0x14200] =	vst v63  }
0x1fd: {  	_ =	swait.ge [sflag:s28], $0x1000  }
0x1fe: {  	[sflag:s28] =	ssyncset.done $0x0  }
0x1ff: {  	s4 =	sadd.s32 $0xFFFFFFF7, s0;
	[sflag:s28] =	ssyncadd.s32 $0xFFFFF000  }
0x200: {  	v25 =	vor.u32 s4, v1;
	v6 =	vld.idx.msk [tilespmem:v23+s18+$0x0], $0xffff  }
0x201: {  	v26 =	vor.u32 s4, v3;
	v7 =	vld.idx.msk [tilespmem:v24+s18+$0x0], $0xffff  }
0x202: {  	(v2sf) =	vpush v4, $0x8;
	_ =	sdelay $0x1  }
0x203: {  	v27 =	vbroadcast v5, $0x8  }
0x204: {  	[tilespmem:v25+s29+$0x0] =	vst.idx.msk $0xffff, v6  }
0x205: {  	v28 =	vor.u32 v0, v27;
	s5 =	spop (v2sf);
	[tilespmem:v26+s29+$0x0] =	vst.idx.msk $0xffff, v7  }
0x206: {  	v29 =	vor.u32 v2, v27;
	[tilespmem:s18], [sflag:$0x1] =	stream.strided.gather [hbm4b:s5+s9], $0x1000, s10, s9, $0x38;
	[tilespmem:$0x14200] =	vst v63  }
0x207: {  	_ =	swait.ge [sflag:s28], $0x1000  }
0x208: {  	[sflag:s28] =	ssyncset.done $0x0  }
0x209: {  	s6 =	sadd.s32 $0xFFFFFFF8, s0;
	[sflag:s28] =	ssyncadd.s32 $0xFFFFF000  }
0x20a: {  	v30 =	vor.u32 s6, v1;
	v6 =	vld.idx.msk [tilespmem:v28+s19+$0x0], $0xffff  }
0x20b: {  	v31 =	vor.u32 s6, v3;
	v7 =	vld.idx.msk [tilespmem:v29+s19+$0x0], $0xffff  }
0x20c: {  	(v2sf) =	vpush v4, $0x9;
	_ =	sdelay $0x1  }
0x20d: {  	v32 =	vbroadcast v5, $0x9  }
0x20e: {  	[tilespmem:v30+s29+$0x0] =	vst.idx.msk $0xffff, v6  }
0x20f: {  	v33 =	vor.u32 v0, v32;
	s3 =	spop (v2sf);
	[tilespmem:v31+s29+$0x0] =	vst.idx.msk $0xffff, v7  }
0x210: {  	v34 =	vor.u32 v2, v32;
	[tilespmem:s19], [sflag:$0x1] =	stream.strided.gather [hbm4b:s3+s9], $0x1000, s10, s9, $0x38;
	[tilespmem:$0x14200] =	vst v63  }
0x211: {  	_ =	swait.ge [sflag:s28], $0x1000  }
0x212: {  	[sflag:s28] =	ssyncset.done $0x0  }
0x213: {  	s4 =	sadd.s32 $0xFFFFFFF9, s0;
	[sflag:s28] =	ssyncadd.s32 $0xFFFFF000  }
0x214: {  	v35 =	vor.u32 s4, v1;
	v6 =	vld.idx.msk [tilespmem:v33+s20+$0x0], $0xffff  }
0x215: {  	v36 =	vor.u32 s4, v3;
	v7 =	vld.idx.msk [tilespmem:v34+s20+$0x0], $0xffff  }
0x216: {  	(v2sf) =	vpush v4, $0xA;
	_ =	sdelay $0x1  }
0x217: {  	v37 =	vbroadcast v5, $0xA  }
0x218: {  	[tilespmem:v35+s29+$0x0] =	vst.idx.msk $0xffff, v6  }
0x219: {  	v38 =	vor.u32 v0, v37;
	s5 =	spop (v2sf);
	[tilespmem:v36+s29+$0x0] =	vst.idx.msk $0xffff, v7  }
0x21a: {  	v39 =	vor.u32 v2, v37;
	[tilespmem:s20], [sflag:$0x1] =	stream.strided.gather [hbm4b:s5+s9], $0x1000, s10, s9, $0x38;
	[tilespmem:$0x14200] =	vst v63  }
0x21b: {  	_ =	swait.ge [sflag:s28], $0x1000  }
0x21c: {  	[sflag:s28] =	ssyncset.done $0x0  }
0x21d: {  	s6 =	sadd.s32 $0xFFFFFFFA, s0;
	[sflag:s28] =	ssyncadd.s32 $0xFFFFF000  }
0x21e: {  	v40 =	vor.u32 s6, v1;
	v6 =	vld.idx.msk [tilespmem:v38+s21+$0x0], $0xffff  }
0x21f: {  	v41 =	vor.u32 s6, v3;
	v7 =	vld.idx.msk [tilespmem:v39+s21+$0x0], $0xffff  }
0x220: {  	(v2sf) =	vpush v4, $0xB;
	_ =	sdelay $0x1  }
0x221: {  	v42 =	vbroadcast v5, $0xB  }
0x222: {  	[tilespmem:v40+s29+$0x0] =	vst.idx.msk $0xffff, v6  }
0x223: {  	v43 =	vor.u32 v0, v42;
	s3 =	spop (v2sf);
	[tilespmem:v41+s29+$0x0] =	vst.idx.msk $0xffff, v7  }
0x224: {  	v44 =	vor.u32 v2, v42;
	[tilespmem:s21], [sflag:$0x1] =	stream.strided.gather [hbm4b:s3+s9], $0x1000, s10, s9, $0x38;
	[tilespmem:$0x14200] =	vst v63  }
0x225: {  	_ =	swait.ge [sflag:s28], $0x1000  }
0x226: {  	[sflag:s28] =	ssyncset.done $0x0  }
0x227: {  	s4 =	sadd.s32 $0xFFFFFFFB, s0;
	[sflag:s28] =	ssyncadd.s32 $0xFFFFF000  }
0x228: {  	v45 =	vor.u32 s4, v1;
	v6 =	vld.idx.msk [tilespmem:v43+s22+$0x0], $0xffff  }
0x229: {  	v46 =	vor.u32 s4, v3;
	v7 =	vld.idx.msk [tilespmem:v44+s22+$0x0], $0xffff  }
0x22a: {  	(v2sf) =	vpush v4, $0xC;
	_ =	sdelay $0x1  }
0x22b: {  	v47 =	vbroadcast v5, $0xC  }
0x22c: {  	[tilespmem:v45+s29+$0x0] =	vst.idx.msk $0xffff, v6  }
0x22d: {  	v48 =	vor.u32 v0, v47;
	s5 =	spop (v2sf);
	[tilespmem:v46+s29+$0x0] =	vst.idx.msk $0xffff, v7  }
0x22e: {  	v49 =	vor.u32 v2, v47;
	[tilespmem:s22], [sflag:$0x1] =	stream.strided.gather [hbm4b:s5+s9], $0x1000, s10, s9, $0x38;
	[tilespmem:$0x14200] =	vst v63  }
0x22f: {  	_ =	swait.ge [sflag:s28], $0x1000  }
0x230: {  	[sflag:s28] =	ssyncset.done $0x0  }
0x231: {  	s6 =	sadd.s32 $0xFFFFFFFC, s0;
	[sflag:s28] =	ssyncadd.s32 $0xFFFFF000  }
0x232: {  	v50 =	vor.u32 s6, v1;
	v6 =	vld.idx.msk [tilespmem:v48+s23+$0x0], $0xffff  }
0x233: {  	v51 =	vor.u32 s6, v3;
	v7 =	vld.idx.msk [tilespmem:v49+s23+$0x0], $0xffff  }
0x234: {  	(v2sf) =	vpush v4, $0xD;
	_ =	sdelay $0x1  }
0x235: {  	v52 =	vbroadcast v5, $0xD  }
0x236: {  	[tilespmem:v50+s29+$0x0] =	vst.idx.msk $0xffff, v6  }
0x237: {  	v53 =	vor.u32 v0, v52;
	s3 =	spop (v2sf);
	[tilespmem:v51+s29+$0x0] =	vst.idx.msk $0xffff, v7  }
0x238: {  	v54 =	vor.u32 v2, v52;
	[tilespmem:s23], [sflag:$0x1] =	stream.strided.gather [hbm4b:s3+s9], $0x1000, s10, s9, $0x38;
	[tilespmem:$0x14200] =	vst v63  }
0x239: {  	_ =	swait.ge [sflag:s28], $0x1000  }
0x23a: {  	[sflag:s28] =	ssyncset.done $0x0  }
0x23b: {  	s4 =	sadd.s32 $0xFFFFFFFD, s0;
	[sflag:s28] =	ssyncadd.s32 $0xFFFFF000  }
0x23c: {  	v55 =	vor.u32 s4, v1;
	v6 =	vld.idx.msk [tilespmem:v53+s24+$0x0], $0xffff  }
0x23d: {  	v56 =	vor.u32 s4, v3;
	v7 =	vld.idx.msk [tilespmem:v54+s24+$0x0], $0xffff  }
0x23e: {  	(v2sf) =	vpush v4, $0xE;
	_ =	sdelay $0x1  }
0x23f: {  	v57 =	vbroadcast v5, $0xE  }
0x240: {  	[tilespmem:v55+s29+$0x0] =	vst.idx.msk $0xffff, v6  }
0x241: {  	v58 =	vor.u32 v0, v57;
	s5 =	spop (v2sf);
	[tilespmem:v56+s29+$0x0] =	vst.idx.msk $0xffff, v7  }
0x242: {  	v59 =	vor.u32 v2, v57;
	[tilespmem:s24], [sflag:$0x1] =	stream.strided.gather [hbm4b:s5+s9], $0x1000, s10, s9, $0x38;
	[tilespmem:$0x14200] =	vst v63  }
0x243: {  	_ =	swait.ge [sflag:s28], $0x1000  }
0x244: {  	[sflag:s28] =	ssyncset.done $0x0  }
0x245: {  	s6 =	sadd.s32 $0xFFFFFFFE, s0;
	[sflag:s28] =	ssyncadd.s32 $0xFFFFF000  }
0x246: {  	v60 =	vor.u32 s6, v1;
	v6 =	vld.idx.msk [tilespmem:v58+s25+$0x0], $0xffff  }
0x247: {  	v61 =	vor.u32 s6, v3;
	v7 =	vld.idx.msk [tilespmem:v59+s25+$0x0], $0xffff  }
0x248: {  	(v2sf) =	vpush v4, $0xF;
	_ =	sdelay $0x1  }
0x249: {  	v4 =	vbroadcast v5, $0xF  }
0x24a: {  	[tilespmem:v60+s29+$0x0] =	vst.idx.msk $0xffff, v6  }
0x24b: {  	v5 =	vor.u32 v0, v4;
	s3 =	spop (v2sf);
	[tilespmem:v61+s29+$0x0] =	vst.idx.msk $0xffff, v7  }
0x24c: {  	v4 =	vor.u32 v2, v4;
	[tilespmem:s25], [sflag:$0x1] =	stream.strided.gather [hbm4b:s3+s9], $0x1000, s10, s9, $0x38;
	[tilespmem:$0x14200] =	vst v63  }
0x24d: {  	_ =	swait.ge [sflag:s28], $0x1000  }
0x24e: {  	[sflag:s28] =	ssyncset.done $0x0  }
0x24f: {  	s4 =	sadd.s32 $0xFFFFFFFF, s0;
	[sflag:s28] =	ssyncadd.s32 $0xFFFFF000  }
0x250: {  	v62 =	vor.u32 s4, v1;
	v5 =	vld.idx.msk [tilespmem:v5+s26+$0x0], $0xffff  }
0x251: {  	v63 =	vor.u32 s4, v3;
	v4 =	vld.idx.msk [tilespmem:v4+s26+$0x0], $0xffff;
	_ =	sdelay $0x3  }
0x252: {  	[tilespmem:v62+s29+$0x0] =	vst.idx.msk $0xffff, v5  }
0x253: {  	s5 =	spop (v2sf);
	[tilespmem:v63+s29+$0x0] =	vst.idx.msk $0xffff, v4  }
0x254: {  	[tilespmem:s26], [sflag:$0x1] =	stream.strided.gather [hbm4b:s5+s9], $0x1000, s10, s9, $0x38;
	[tilespmem:$0x14200] =	vst v63  }
0x255: {  	_ =	swait.ge [sflag:s28], $0x1000  }
0x256: {  	[sflag:s28] =	ssyncset.done $0x0  }
0x257: {  	[sflag:s28] =	ssyncadd.s32 $0xFFFFF000  }
0x258: {  	_ =	swait.ge [sflag:s28], $0x1000  }
0x259: {  	[sflag:s28] =	ssyncset.done $0x0  }
0x25a: {  	[sflag:s28] =	ssyncadd.s32 $0xFFFFF000  }
0x25b: {  	_ =	swait.ge [sflag:s28], $0x1000  }
0x25c: {  	[sflag:s28] =	ssyncset.done $0x0  }
0x25d: {  	[sflag:s28] =	ssyncadd.s32 $0xFFFFF000  }
0x25e: {  	_ =	swait.ge [sflag:s28], $0x1000  }
0x25f: {  	[sflag:s28] =	ssyncset.done $0x0  }
0x260: {  	[sflag:s28] =	ssyncadd.s32 $0xFFFFF000  }
0x261: {  	_ =	swait.ge [sflag:s28], $0x1000  }
0x262: {  	[sflag:s28] =	ssyncset.done $0x0  }
0x263: {  	[sflag:s28] =	ssyncadd.s32 $0xFFFFF000  }
0x264: {  	_ =	swait.ge [sflag:s28], $0x1000  }
0x265: {  	[sflag:s28] =	ssyncset.done $0x0  }
0x266: {  	[sflag:s28] =	ssyncadd.s32 $0xFFFFF000  }
0x267: {  	_ =	swait.ge [sflag:s28], $0x1000  }
0x268: {  	[sflag:s28] =	ssyncset.done $0x0  }
0x269: {  	[sflag:s28] =	ssyncadd.s32 $0xFFFFF000  }
0x26a: {  	_ =	swait.ge [sflag:s28], $0x1000  }
0x26b: {  	[sflag:s28] =	ssyncset.done $0x0  }
0x26c: {  	[sflag:s28] =	ssyncadd.s32 $0xFFFFF000  }
0x26d: {  	_ =	swait.ge [sflag:s28], $0x1000  }
0x26e: {  	[sflag:s28] =	ssyncset.done $0x0  }
0x26f: {  	[sflag:s28] =	ssyncadd.s32 $0xFFFFF000  }
0x270: {  	_ =	swait.ge [sflag:s28], $0x1000  }
0x271: {  	[sflag:s28] =	ssyncset.done $0x0  }
0x272: {  	[sflag:s28] =	ssyncadd.s32 $0xFFFFF000  }
0x273: {  	_ =	swait.ge [sflag:s28], $0x1000  }
0x274: {  	[sflag:s28] =	ssyncset.done $0x0  }
0x275: {  	[sflag:s28] =	ssyncadd.s32 $0xFFFFF000  }
0x276: {  	_ =	swait.ge [sflag:s28], $0x1000  }
0x277: {  	[sflag:s28] =	ssyncset.done $0x0  }
0x278: {  	[sflag:s28] =	ssyncadd.s32 $0xFFFFF000  }
0x279: {  	_ =	swait.ge [sflag:s28], $0x1000  }
0x27a: {  	[sflag:s28] =	ssyncset.done $0x0  }
0x27b: {  	[sflag:s28] =	ssyncadd.s32 $0xFFFFF000  }
0x27c: {  	_ =	swait.ge [sflag:s28], $0x1000  }
0x27d: {  	[sflag:s28] =	ssyncset.done $0x0  }
0x27e: {  	[sflag:s28] =	ssyncadd.s32 $0xFFFFF000  }
0x27f: {  	_ =	swait.ge [sflag:s28], $0x1000  }
0x280: {  	[sflag:s28] =	ssyncset.done $0x0  }
0x281: {  	[sflag:s28] =	ssyncadd.s32 $0xFFFFF000  }
0x282: {  	_ =	swait.ge [sflag:s28], $0x1000  }
0x283: {  	[sflag:s28] =	ssyncset.done $0x0  }
0x284: {  	s6 =	rddreg [dreg:$0x5];
	[sflag:s28] =	ssyncadd.s32 $0xFFFFF000  }
0x285: {  	[hbm4b:s6+s30] =	stream.strided.scatter [tilespmem:s29], [sflag:$0x2], $0x200, s9, s30, $0x38;
	[tilespmem:$0x14200] =	vst v63  }
0x286: {  	_ =	swait.ge [sflag:s8], $0x200  }
0x287: {  	[sflag:s8] =	ssyncset.done $0x0  }
0x288: {  	s2 =	rddreg [dreg:$0x6];
	[sflag:s8] =	ssyncadd.s32 $0xFFFFFE00  }
0x289: {  	[hbm4b:s2+s30] =	stream.strided.scatter [tilespmem:s9], [sflag:$0x2], $0x200, s9, s30, $0x38;
	[tilespmem:$0x14200] =	vst v63  }
0x28a: {  	_ =	swait.ge [sflag:s8], $0x200  }
0x28b: {  	[sflag:s8] =	ssyncset.done $0x0  }
0x28c: {  	s4 =	simm.s32 $0x600;
	s3 =	rddreg [dreg:$0x7];
	[sflag:s8] =	ssyncadd.s32 $0xFFFFFE00  }
0x28d: {  	[hbm4b:s3+s30] =	stream.strided.scatter [tilespmem:s4], [sflag:$0x2], $0x200, s9, s30, $0x38;
	[tilespmem:$0x14200] =	vst v63  }
0x28e: {  	_ =	swait.ge [sflag:s8], $0x200  }
0x28f: {  	[sflag:s8] =	ssyncset.done $0x0  }
0x290: {  	s6 =	simm.s32 $0x800;
	s5 =	rddreg [dreg:$0x8];
	[sflag:s8] =	ssyncadd.s32 $0xFFFFFE00  }
0x291: {  	[hbm4b:s5+s30] =	stream.strided.scatter [tilespmem:s6], [sflag:$0x2], $0x200, s9, s30, $0x38;
	[tilespmem:$0x14200] =	vst v63  }
0x292: {  	_ =	swait.ge [sflag:s8], $0x200  }
0x293: {  	[sflag:s8] =	ssyncset.done $0x0  }
0x294: {  	s4 =	simm.s32 $0xA00;
	s3 =	rddreg [dreg:$0x9];
	[sflag:s8] =	ssyncadd.s32 $0xFFFFFE00  }
0x295: {  	[hbm4b:s3+s30] =	stream.strided.scatter [tilespmem:s4], [sflag:$0x2], $0x200, s9, s30, $0x38;
	[tilespmem:$0x14200] =	vst v63  }
0x296: {  	_ =	swait.ge [sflag:s8], $0x200  }
0x297: {  	[sflag:s8] =	ssyncset.done $0x0  }
0x298: {  	s6 =	simm.s32 $0xC00;
	s5 =	rddreg [dreg:$0xa];
	[sflag:s8] =	ssyncadd.s32 $0xFFFFFE00  }
0x299: {  	[hbm4b:s5+s30] =	stream.strided.scatter [tilespmem:s6], [sflag:$0x2], $0x200, s9, s30, $0x38;
	[tilespmem:$0x14200] =	vst v63  }
0x29a: {  	_ =	swait.ge [sflag:s8], $0x200  }
0x29b: {  	[sflag:s8] =	ssyncset.done $0x0  }
0x29c: {  	s4 =	simm.s32 $0xE00;
	s3 =	rddreg [dreg:$0xb];
	[sflag:s8] =	ssyncadd.s32 $0xFFFFFE00  }
0x29d: {  	[hbm4b:s3+s30] =	stream.strided.scatter [tilespmem:s4], [sflag:$0x2], $0x200, s9, s30, $0x38;
	[tilespmem:$0x14200] =	vst v63  }
0x29e: {  	_ =	swait.ge [sflag:s8], $0x200  }
0x29f: {  	[sflag:s8] =	ssyncset.done $0x0  }
0x2a0: {  	s6 =	simm.s32 $0x1000;
	s5 =	rddreg [dreg:$0xc];
	[sflag:s8] =	ssyncadd.s32 $0xFFFFFE00  }
0x2a1: {  	[hbm4b:s5+s30] =	stream.strided.scatter [tilespmem:s6], [sflag:$0x2], $0x200, s9, s30, $0x38;
	[tilespmem:$0x14200] =	vst v63  }
0x2a2: {  	_ =	swait.ge [sflag:s8], $0x200  }
0x2a3: {  	[sflag:s8] =	ssyncset.done $0x0  }
0x2a4: {  	s4 =	simm.s32 $0x1200;
	s3 =	rddreg [dreg:$0xd];
	[sflag:s8] =	ssyncadd.s32 $0xFFFFFE00  }
0x2a5: {  	[hbm4b:s3+s30] =	stream.strided.scatter [tilespmem:s4], [sflag:$0x2], $0x200, s9, s30, $0x38;
	[tilespmem:$0x14200] =	vst v63  }
0x2a6: {  	_ =	swait.ge [sflag:s8], $0x200  }
0x2a7: {  	[sflag:s8] =	ssyncset.done $0x0  }
0x2a8: {  	s6 =	simm.s32 $0x1400;
	s5 =	rddreg [dreg:$0xe];
	[sflag:s8] =	ssyncadd.s32 $0xFFFFFE00  }
0x2a9: {  	[hbm4b:s5+s30] =	stream.strided.scatter [tilespmem:s6], [sflag:$0x2], $0x200, s9, s30, $0x38;
	[tilespmem:$0x14200] =	vst v63  }
0x2aa: {  	_ =	swait.ge [sflag:s8], $0x200  }
0x2ab: {  	[sflag:s8] =	ssyncset.done $0x0  }
0x2ac: {  	s4 =	simm.s32 $0x1600;
	s3 =	rddreg [dreg:$0xf];
	[sflag:s8] =	ssyncadd.s32 $0xFFFFFE00  }
0x2ad: {  	[hbm4b:s3+s30] =	stream.strided.scatter [tilespmem:s4], [sflag:$0x2], $0x200, s9, s30, $0x38;
	[tilespmem:$0x14200] =	vst v63  }
0x2ae: {  	_ =	swait.ge [sflag:s8], $0x200  }
0x2af: {  	[sflag:s8] =	ssyncset.done $0x0  }
0x2b0: {  	s6 =	simm.s32 $0x1800;
	s5 =	rddreg [dreg:$0x10];
	[sflag:s8] =	ssyncadd.s32 $0xFFFFFE00  }
0x2b1: {  	[hbm4b:s5+s30] =	stream.strided.scatter [tilespmem:s6], [sflag:$0x2], $0x200, s9, s30, $0x38;
	[tilespmem:$0x14200] =	vst v63  }
0x2b2: {  	_ =	swait.ge [sflag:s8], $0x200  }
0x2b3: {  	[sflag:s8] =	ssyncset.done $0x0  }
0x2b4: {  	s4 =	simm.s32 $0x1A00;
	s3 =	rddreg [dreg:$0x11];
	[sflag:s8] =	ssyncadd.s32 $0xFFFFFE00  }
0x2b5: {  	[hbm4b:s3+s30] =	stream.strided.scatter [tilespmem:s4], [sflag:$0x2], $0x200, s9, s30, $0x38;
	[tilespmem:$0x14200] =	vst v63  }
0x2b6: {  	_ =	swait.ge [sflag:s8], $0x200  }
0x2b7: {  	[sflag:s8] =	ssyncset.done $0x0  }
0x2b8: {  	s6 =	simm.s32 $0x1C00;
	s5 =	rddreg [dreg:$0x12];
	[sflag:s8] =	ssyncadd.s32 $0xFFFFFE00  }
0x2b9: {  	[hbm4b:s5+s30] =	stream.strided.scatter [tilespmem:s6], [sflag:$0x2], $0x200, s9, s30, $0x38;
	[tilespmem:$0x14200] =	vst v63  }
0x2ba: {  	_ =	swait.ge [sflag:s8], $0x200  }
0x2bb: {  	[sflag:s8] =	ssyncset.done $0x0  }
0x2bc: {  	s4 =	simm.s32 $0x1E00;
	s3 =	rddreg [dreg:$0x13];
	[sflag:s8] =	ssyncadd.s32 $0xFFFFFE00  }
0x2bd: {  	[hbm4b:s3+s30] =	stream.strided.scatter [tilespmem:s4], [sflag:$0x2], $0x200, s9, s30, $0x38;
	[tilespmem:$0x14200] =	vst v63  }
0x2be: {  	_ =	swait.ge [sflag:s8], $0x200  }
0x2bf: {  	[sflag:s8] =	ssyncset.done $0x0  }
0x2c0: {  	s6 =	simm.s32 $0x2000;
	s5 =	rddreg [dreg:$0x14];
	[sflag:s8] =	ssyncadd.s32 $0xFFFFFE00  }
0x2c1: {  	[hbm4b:s5+s30] =	stream.strided.scatter [tilespmem:s6], [sflag:$0x2], $0x200, s9, s30, $0x38;
	[tilespmem:$0x14200] =	vst v63  }
0x2c2: {  	_ =	swait.ge [sflag:s8], $0x200  }
0x2c3: {  	[sflag:s8] =	ssyncset.done $0x0  }
0x2c4: {  	s4 =	simm.s32 $0x2200;
	s3 =	rddreg [dreg:$0x15];
	[sflag:s8] =	ssyncadd.s32 $0xFFFFFE00  }
0x2c5: {  	[hbm4b:s3+s30] =	stream.strided.scatter [tilespmem:s4], [sflag:$0x2], $0x200, s9, s30, $0x38;
	[tilespmem:$0x14200] =	vst v63  }
0x2c6: {  	_ =	swait.ge [sflag:s8], $0x200  }
0x2c7: {  	[sflag:s8] =	ssyncset.done $0x0  }
0x2c8: {  	s6 =	simm.s32 $0x2400;
	s5 =	rddreg [dreg:$0x16];
	[sflag:s8] =	ssyncadd.s32 $0xFFFFFE00  }
0x2c9: {  	[hbm4b:s5+s30] =	stream.strided.scatter [tilespmem:s6], [sflag:$0x2], $0x200, s9, s30, $0x38;
	[tilespmem:$0x14200] =	vst v63  }
0x2ca: {  	_ =	swait.ge [sflag:s8], $0x200  }
0x2cb: {  	[sflag:s8] =	ssyncset.done $0x0  }
0x2cc: {  	s4 =	simm.s32 $0x2600;
	s3 =	rddreg [dreg:$0x17];
	[sflag:s8] =	ssyncadd.s32 $0xFFFFFE00  }
0x2cd: {  	[hbm4b:s3+s30] =	stream.strided.scatter [tilespmem:s4], [sflag:$0x2], $0x200, s9, s30, $0x38;
	[tilespmem:$0x14200] =	vst v63  }
0x2ce: {  	_ =	swait.ge [sflag:s8], $0x200  }
0x2cf: {  	[sflag:s8] =	ssyncset.done $0x0  }
0x2d0: {  	s6 =	simm.s32 $0x2800;
	s5 =	rddreg [dreg:$0x18];
	[sflag:s8] =	ssyncadd.s32 $0xFFFFFE00  }
0x2d1: {  	[hbm4b:s5+s30] =	stream.strided.scatter [tilespmem:s6], [sflag:$0x2], $0x200, s9, s30, $0x38;
	[tilespmem:$0x14200] =	vst v63  }
0x2d2: {  	_ =	swait.ge [sflag:s8], $0x200  }
0x2d3: {  	[sflag:s8] =	ssyncset.done $0x0  }
0x2d4: {  	s4 =	simm.s32 $0x2A00;
	s3 =	rddreg [dreg:$0x19];
	[sflag:s8] =	ssyncadd.s32 $0xFFFFFE00  }
0x2d5: {  	[hbm4b:s3+s30] =	stream.strided.scatter [tilespmem:s4], [sflag:$0x2], $0x200, s9, s30, $0x38;
	[tilespmem:$0x14200] =	vst v63  }
0x2d6: {  	_ =	swait.ge [sflag:s8], $0x200  }
0x2d7: {  	[sflag:s8] =	ssyncset.done $0x0  }
0x2d8: {  	s6 =	simm.s32 $0x2C00;
	s5 =	rddreg [dreg:$0x1a];
	[sflag:s8] =	ssyncadd.s32 $0xFFFFFE00  }
0x2d9: {  	[hbm4b:s5+s30] =	stream.strided.scatter [tilespmem:s6], [sflag:$0x2], $0x200, s9, s30, $0x38;
	[tilespmem:$0x14200] =	vst v63  }
0x2da: {  	_ =	swait.ge [sflag:s8], $0x200  }
0x2db: {  	[sflag:s8] =	ssyncset.done $0x0  }
0x2dc: {  	s4 =	simm.s32 $0x2E00;
	s3 =	rddreg [dreg:$0x1b];
	[sflag:s8] =	ssyncadd.s32 $0xFFFFFE00  }
0x2dd: {  	[hbm4b:s3+s30] =	stream.strided.scatter [tilespmem:s4], [sflag:$0x2], $0x200, s9, s30, $0x38;
	[tilespmem:$0x14200] =	vst v63  }
0x2de: {  	_ =	swait.ge [sflag:s8], $0x200  }
0x2df: {  	[sflag:s8] =	ssyncset.done $0x0  }
0x2e0: {  	s6 =	simm.s32 $0x3000;
	s5 =	rddreg [dreg:$0x1c];
	[sflag:s8] =	ssyncadd.s32 $0xFFFFFE00  }
0x2e1: {  	[hbm4b:s5+s30] =	stream.strided.scatter [tilespmem:s6], [sflag:$0x2], $0x200, s9, s30, $0x38;
	[tilespmem:$0x14200] =	vst v63  }
0x2e2: {  	_ =	swait.ge [sflag:s8], $0x200  }
0x2e3: {  	[sflag:s8] =	ssyncset.done $0x0  }
0x2e4: {  	s4 =	simm.s32 $0x3200;
	s3 =	rddreg [dreg:$0x1d];
	[sflag:s8] =	ssyncadd.s32 $0xFFFFFE00  }
0x2e5: {  	[hbm4b:s3+s30] =	stream.strided.scatter [tilespmem:s4], [sflag:$0x2], $0x200, s9, s30, $0x38;
	[tilespmem:$0x14200] =	vst v63  }
0x2e6: {  	_ =	swait.ge [sflag:s8], $0x200  }
0x2e7: {  	[sflag:s8] =	ssyncset.done $0x0  }
0x2e8: {  	s6 =	simm.s32 $0x3400;
	s5 =	rddreg [dreg:$0x1e];
	[sflag:s8] =	ssyncadd.s32 $0xFFFFFE00  }
0x2e9: {  	[hbm4b:s5+s30] =	stream.strided.scatter [tilespmem:s6], [sflag:$0x2], $0x200, s9, s30, $0x38;
	[tilespmem:$0x14200] =	vst v63  }
0x2ea: {  	_ =	swait.ge [sflag:s8], $0x200  }
0x2eb: {  	[sflag:s8] =	ssyncset.done $0x0  }
0x2ec: {  	s4 =	simm.s32 $0x3600;
	s3 =	rddreg [dreg:$0x1f];
	[sflag:s8] =	ssyncadd.s32 $0xFFFFFE00  }
0x2ed: {  	[hbm4b:s3+s30] =	stream.strided.scatter [tilespmem:s4], [sflag:$0x2], $0x200, s9, s30, $0x38;
	[tilespmem:$0x14200] =	vst v63  }
0x2ee: {  	_ =	swait.ge [sflag:s8], $0x200  }
0x2ef: {  	s5 =	sld [smem:$0x7F9]  }
0x2f0: {  	[sflag:s8] =	ssyncset.done $0x0  }
0x2f1: {  	s6 =	simm.s32 $0x3800;
	[sflag:s8] =	ssyncadd.s32 $0xFFFFFE00  }
0x2f2: {  	[hbm4b:s5+s30] =	stream.strided.scatter [tilespmem:s6], [sflag:$0x2], $0x200, s9, s30, $0x38;
	[tilespmem:$0x14200] =	vst v63  }
0x2f3: {  	_ =	swait.ge [sflag:s8], $0x200  }
0x2f4: {  	s3 =	sld [smem:$0x7FA]  }
0x2f5: {  	[sflag:s8] =	ssyncset.done $0x0  }
0x2f6: {  	s4 =	simm.s32 $0x3A00;
	[sflag:s8] =	ssyncadd.s32 $0xFFFFFE00  }
0x2f7: {  	[hbm4b:s3+s30] =	stream.strided.scatter [tilespmem:s4], [sflag:$0x2], $0x200, s9, s30, $0x38;
	[tilespmem:$0x14200] =	vst v63  }
0x2f8: {  	_ =	swait.ge [sflag:s8], $0x200  }
0x2f9: {  	s5 =	sld [smem:$0x7FB]  }
0x2fa: {  	[sflag:s8] =	ssyncset.done $0x0  }
0x2fb: {  	s6 =	simm.s32 $0x3C00;
	[sflag:s8] =	ssyncadd.s32 $0xFFFFFE00  }
0x2fc: {  	[hbm4b:s5+s30] =	stream.strided.scatter [tilespmem:s6], [sflag:$0x2], $0x200, s9, s30, $0x38;
	[tilespmem:$0x14200] =	vst v63  }
0x2fd: {  	_ =	swait.ge [sflag:s8], $0x200  }
0x2fe: {  	s3 =	sld [smem:$0x7FC]  }
0x2ff: {  	[sflag:s8] =	ssyncset.done $0x0  }
0x300: {  	s4 =	simm.s32 $0x3E00;
	[sflag:s8] =	ssyncadd.s32 $0xFFFFFE00  }
0x301: {  	[hbm4b:s3+s30] =	stream.strided.scatter [tilespmem:s4], [sflag:$0x2], $0x200, s9, s30, $0x38;
	[tilespmem:$0x14200] =	vst v63  }
0x302: {  	_ =	swait.ge [sflag:s8], $0x200  }
0x303: {  	s31 =	sadd.s32 $0x1, s31;
	s5 =	sld [smem:$0x7FD]  }
0x304: {  	p0 =	sne.s32 s31, s7;
	[sflag:s8] =	ssyncset.done $0x0  }
.Ltmp1:
0x305: {  	s6 =	simm.s32 $0x4000;
	[sflag:s8] =	ssyncadd.s32 $0xFFFFFE00;
	(pc) =	sbr.rel @p0 .LBB2_1-.Ltmp1, $4  }
0x306: {  	[hbm4b:s5+s30] =	stream.strided.scatter [tilespmem:s6], [sflag:$0x2], $0x200, s9, s30, $0x38;
	[tilespmem:$0x14200] =	vst v63  }
0x307: {  	_ =	swait.ge [sflag:s8], $0x200  }
0x308: {  	[sflag:s8] =	ssyncset.done $0x0  }
0x309: {  	[sflag:s8] =	ssyncadd.s32 $0xFFFFFE00  }
0x30a: {  	_ =	sfence.sel $0x180000  }
0x30b: {  	[bflag:$0x0] =	sbarrier.arrive $0xFFFF  }
0x30c: {  	_ =	strace $0x90000047  }
0x30d: {  	s0 =	stileid.u32;
	[bflag:$0x2] =	sbarrier.arrive $0xFFFF  }
0x30e: {  	p0 =	sne.s32 s0, $0x0;
	s0 =	rddreg [dreg:$0x3]  }
0x30f: {  	s0 =	sadd.s32 @!p0 $0x100000, s0  }
0x310: {  	[sflag:s0] =	ssyncadd.tile.s32 @!p0 $0x1;
	_ =	shalt  }
.Lfunc_end2:
_tile_overlayer_lowered:
.L_overlay_start_2:
0x311: {  	(tag) =	ssettag $0x2  }
0x312: {  	s0 =	rddreg [dreg:$0x0];
	s2 =	stileid.u32  }
0x313: {  	s1 =	rddreg [dreg:$0x1];
	p0 =	sne.s32 s2, $0x0  }
0x314: {  	s3 =	rddreg [dreg:$0x2];
	[bflag:$0x3] =	sbarrier.arrive $0xFFFF;
	s2 =	simm.s32 @!p0 $0x1C02  }
0x315: {  	[timem:s3], [sflag:s2] =	dma.local @!p0 [hbm:s0], s1  }
0x316: {  	s0 =	simm.s32 @!p0 $0x2  }
0x317: {  	_ =	swait.ge @!p0 [sflag:s0], s1  }
0x318: {  	s1 =	ssub.s32 @!p0 $0x0, s1;
	[sflag:s0] =	ssyncset.done @!p0 $0x0  }
0x319: {  	[sflag:s0] =	ssyncadd.s32 @!p0 s1  }
0x31a: {  	[bflag:$0x3] =	sbarrier.arrive $0xFFFF  }
0x31b: {  	_ =	shalt  }

</sc_bundles>
